<compile_context>
chip_gen: v7x
topology: tpu7x:2x2x1
jax: 0.10.2.dev20260603
libtpu: 0.0.44.dev20260713+nightly
codegen_flags: <defaults>
</compile_context>

<pallas_src>
import functools

import jax
import jax.numpy as jnp
from jax import lax
from jax.experimental import pallas as pl
from jax.experimental.pallas import tpu as pltpu
from jax.experimental.pallas import tpu_sc as plsc

N_NODES = 10000
N_EDGES = 160000
D_IN = 256
W_HID = 512
D_OUT = 256

NC = 2
NS = 16
DH = 128

K = 48
NB = 7
NCHUNK = 210
EPT = NCHUNK * K
E_PAD = EPT * NS
NPT = 624
NPT_LAST = N_NODES - (NS - 1) * NPT
ACC_ROWS = N_NODES + 16


def _sc_aggregate(xa, xb, src, dst):
    mesh = plsc.VectorSubcoreMesh(
        core_axis_name="c", subcore_axis_name="s", num_cores=NC, num_subcores=NS
    )

    @functools.partial(
        pl.kernel,
        out_type=(
            jax.ShapeDtypeStruct((N_NODES, DH), jnp.float32),
            jax.ShapeDtypeStruct((N_NODES, DH), jnp.float32),
        ),
        mesh=mesh,
        scratch_types=[
            [pltpu.VMEM((K,), jnp.int32) for _ in range(NB)],
            [pltpu.VMEM((K,), jnp.int32) for _ in range(NB)],
            [pltpu.VMEM((K, DH), jnp.float32) for _ in range(NB)],
            pltpu.VMEM_SHARED((ACC_ROWS, DH), jnp.float32),
            [pltpu.SemaphoreType.DMA for _ in range(NB)],
            [pltpu.SemaphoreType.DMA for _ in range(NB)],
            [pltpu.SemaphoreType.DMA for _ in range(NB)],
        ],
    )
    def body(xa_hbm, xb_hbm, src_hbm, dst_hbm, outa_hbm, outb_hbm,
             sidx, didx, rows, acc, sem_g, sem_si, sem_di):
        c = lax.axis_index("c")
        s = lax.axis_index("s")
        base = s * EPT

        def sidx_copy(j, b):
            off = pl.multiple_of(base + j * K, K)
            pltpu.async_copy(src_hbm.at[pl.ds(off, K)], sidx[b], sem_si[b])

        def didx_copy(j, b):
            off = pl.multiple_of(base + j * K, K)
            pltpu.async_copy(dst_hbm.at[pl.ds(off, K)], didx[b], sem_di[b])

        def wait_sidx(b):
            pltpu.make_async_copy(
                src_hbm.at[pl.ds(0, K)], sidx[b], sem_si[b]).wait()

        def wait_didx(b):
            pltpu.make_async_copy(
                dst_hbm.at[pl.ds(0, K)], didx[b], sem_di[b]).wait()

        def gather(x_hbm, b):
            return pltpu.async_copy(x_hbm.at[sidx[b]], rows[b], sem_g[b])

        def wait_gather(x_hbm, b):
            pltpu.make_async_copy(x_hbm.at[sidx[b]], rows[b], sem_g[b]).wait()

        def prime(x_hbm):
            for b in range(NB):
                sidx_copy(b, b)
                didx_copy(b, b)
            for b in range(NB):
                wait_sidx(b)
                gather(x_hbm, b)

        @pl.when(c == 0)
        def _():
            prime(xa_hbm)

        @pl.when(c == 1)
        def _():
            prime(xb_hbm)

        def seed(x_hbm):
            @pl.when(s < NS - 1)
            def _():
                pltpu.sync_copy(x_hbm.at[pl.ds(s * NPT, NPT)],
                                acc.at[pl.ds(s * NPT, NPT)])

            @pl.when(s == NS - 1)
            def _():
                pltpu.sync_copy(x_hbm.at[pl.ds((NS - 1) * NPT, NPT_LAST)],
                                acc.at[pl.ds((NS - 1) * NPT, NPT_LAST)])

        @pl.when(c == 0)
        def _():
            seed(xa_hbm)

        @pl.when(c == 1)
        def _():
            seed(xb_hbm)

        plsc.subcore_barrier()

        def run(x_hbm):
            def step(j, b):
                wait_gather(x_hbm, b)

                @pl.when(j + NB < NCHUNK)
                def _():
                    sidx_copy(j + NB, b)

                wait_didx(b)
                pltpu.sync_copy(rows[b], acc.at[didx[b]], add=True)

                @pl.when(j + NB < NCHUNK)
                def _():
                    wait_sidx(b)
                    gather(x_hbm, b)
                    didx_copy(j + NB, b)

            def group(p, carry):
                j0 = NB * p
                for b in range(NB):
                    step(j0 + b, b)
                return carry

            lax.fori_loop(0, NCHUNK // NB, group, 0)

        @pl.when(c == 0)
        def _():
            run(xa_hbm)

        @pl.when(c == 1)
        def _():
            run(xb_hbm)

        plsc.subcore_barrier()

        def writeback(out_hbm):
            @pl.when(s < NS - 1)
            def _():
                pltpu.sync_copy(acc.at[pl.ds(s * NPT, NPT)],
                                out_hbm.at[pl.ds(s * NPT, NPT)])

            @pl.when(s == NS - 1)
            def _():
                pltpu.sync_copy(acc.at[pl.ds((NS - 1) * NPT, NPT_LAST)],
                                out_hbm.at[pl.ds((NS - 1) * NPT, NPT_LAST)])

        @pl.when(c == 0)
        def _():
            writeback(outa_hbm)

        @pl.when(c == 1)
        def _():
            writeback(outb_hbm)

    return body(xa, xb, src, dst)


def _mlp_body(ha_ref, hb_ref, w1_ref, b1_ref, w2_ref, b2_ref, o_ref):
    h = jnp.concatenate([ha_ref[...], hb_ref[...]], axis=1)
    z = jnp.dot(h, w1_ref[...], preferred_element_type=jnp.float32) + b1_ref[...]
    z = jnp.maximum(z, 0.0)
    o_ref[...] = (
        jnp.dot(z, w2_ref[...], preferred_element_type=jnp.float32) + b2_ref[...]
    )


def _mlp(ha, hb, W1, b1, W2, b2):
    BN = 1000
    grid = (N_NODES // BN,)
    return pl.pallas_call(
        _mlp_body,
        grid=grid,
        in_specs=[
            pl.BlockSpec((BN, 128), lambda i: (i, 0)),
            pl.BlockSpec((BN, 128), lambda i: (i, 0)),
            pl.BlockSpec((D_IN, W_HID), lambda i: (0, 0)),
            pl.BlockSpec((1, W_HID), lambda i: (0, 0)),
            pl.BlockSpec((W_HID, D_OUT), lambda i: (0, 0)),
            pl.BlockSpec((1, D_OUT), lambda i: (0, 0)),
        ],
        out_specs=pl.BlockSpec((BN, D_OUT), lambda i: (i, 0)),
        out_shape=jax.ShapeDtypeStruct((N_NODES, D_OUT), jnp.float32),
    )(ha, hb, W1, b1.reshape(1, W_HID), W2, b2.reshape(1, D_OUT))


def kernel(x, edge_index, W1, b1, W2, b2):
    src = edge_index[0].astype(jnp.int32)
    dst = edge_index[1].astype(jnp.int32)
    pad = E_PAD - N_EDGES
    src = jnp.concatenate([src, jnp.zeros((pad,), jnp.int32)])
    dst = jnp.concatenate([dst, jnp.full((pad,), N_NODES, jnp.int32)])
    xa = x[:, :DH]
    xb = x[:, DH:2*DH]
    ha, hb = _sc_aggregate(xa, xb, src, dst)
    return _mlp(ha, hb, W1, b1, W2, b2)

# --- scband reference (transcript-rebuilt; emitter-appended) ---
"""Pipeline reference for scband-na-mlpaggregator-44667659878591 (READ-ONLY COPY).

The authoritative reference and input builder live on the scoring server;
editing this copy changes nothing except your own understanding.
"""

import jax, jax.numpy as jnp
import numpy as np

N_NODES = 10000
N_EDGES = 160000
D_IN = 256
W_HID = 512
D_OUT = 256

def setup_inputs(seed: int = 0) -> dict:
    key = jax.random.key(seed)
    k1, k2, k3, k4, k5, k6 = jax.random.split(key, 6)
    x = jax.random.normal(k1, (N_NODES, D_IN), dtype=jnp.float32)
    edge_index = jax.random.randint(k2, (2, N_EDGES), 0, N_NODES, dtype=jnp.int64)
    # MLP params (Sequential(Linear(in_dim, w), ReLU(), Linear(w, out_dim)))
    lim1 = 1.0 / np.sqrt(D_IN)
    W1 = jax.random.uniform(k3, (D_IN, W_HID), minval=-lim1, maxval=lim1, dtype=jnp.float32)
    b1 = jax.random.uniform(k4, (W_HID,), minval=-lim1, maxval=lim1, dtype=jnp.float32)
    lim2 = 1.0 / np.sqrt(W_HID)
    W2 = jax.random.uniform(k5, (W_HID, D_OUT), minval=-lim2, maxval=lim2, dtype=jnp.float32)
    b2 = jax.random.uniform(k6, (D_OUT,), minval=-lim2, maxval=lim2, dtype=jnp.float32)
    return {"x": x, "edge_index": edge_index, "W1": W1, "b1": b1, "W2": W2, "b2": b2}

def reference(x, edge_index, W1, b1, W2, b2):
    # GINConv with eps=0 (default): out = MLP((1+eps)*x + sum_{j in N(i)} x_j)
    src = edge_index[0]
    dst = edge_index[1]
    msgs = jnp.take(x, src, axis=0)
    agg = jnp.zeros_like(x).at[dst].add(msgs)
    h = x + agg
    h = jnp.maximum(h @ W1 + b1, 0.0)
    out = h @ W2 + b2
    return out

if __name__ == "__main__":
    import jax
    _d = setup_inputs()
    print(jax.jit(kernel)(*tuple(_d.values())))

</pallas_src>

<mosaic_0001>
#map = affine_map<(d0, d1) -> (0, 0)>
#map1 = affine_map<(d0, d1) -> (0)>
module attributes {stable_mosaic.version = 14 : i64} {
  func.func @body(%arg0: i32, %arg1: i32, %arg2: memref<10000x128xf32, #tpu.memory_space<hbm>>, %arg3: memref<10000x128xf32, #tpu.memory_space<hbm>>, %arg4: memref<161280xi32, #tpu.memory_space<hbm>>, %arg5: memref<161280xi32, #tpu.memory_space<hbm>>, %arg6: memref<10000x128xf32, #tpu.memory_space<hbm>>, %arg7: memref<10000x128xf32, #tpu.memory_space<hbm>>, %arg8: memref<48xi32, #tpu.memory_space<vmem>>, %arg9: memref<48xi32, #tpu.memory_space<vmem>>, %arg10: memref<48xi32, #tpu.memory_space<vmem>>, %arg11: memref<48xi32, #tpu.memory_space<vmem>>, %arg12: memref<48xi32, #tpu.memory_space<vmem>>, %arg13: memref<48xi32, #tpu.memory_space<vmem>>, %arg14: memref<48xi32, #tpu.memory_space<vmem>>, %arg15: memref<48xi32, #tpu.memory_space<vmem>>, %arg16: memref<48xi32, #tpu.memory_space<vmem>>, %arg17: memref<48xi32, #tpu.memory_space<vmem>>, %arg18: memref<48xi32, #tpu.memory_space<vmem>>, %arg19: memref<48xi32, #tpu.memory_space<vmem>>, %arg20: memref<48xi32, #tpu.memory_space<vmem>>, %arg21: memref<48xi32, #tpu.memory_space<vmem>>, %arg22: memref<48x128xf32, #tpu.memory_space<vmem>>, %arg23: memref<48x128xf32, #tpu.memory_space<vmem>>, %arg24: memref<48x128xf32, #tpu.memory_space<vmem>>, %arg25: memref<48x128xf32, #tpu.memory_space<vmem>>, %arg26: memref<48x128xf32, #tpu.memory_space<vmem>>, %arg27: memref<48x128xf32, #tpu.memory_space<vmem>>, %arg28: memref<48x128xf32, #tpu.memory_space<vmem>>, %arg29: memref<10016x128xf32, #tpu.memory_space<vmem_shared>>, %arg30: memref<!tpu.dma_semaphore, #tpu.memory_space<semaphore_mem>>, %arg31: memref<!tpu.dma_semaphore, #tpu.memory_space<semaphore_mem>>, %arg32: memref<!tpu.dma_semaphore, #tpu.memory_space<semaphore_mem>>, %arg33: memref<!tpu.dma_semaphore, #tpu.memory_space<semaphore_mem>>, %arg34: memref<!tpu.dma_semaphore, #tpu.memory_space<semaphore_mem>>, %arg35: memref<!tpu.dma_semaphore, #tpu.memory_space<semaphore_mem>>, %arg36: memref<!tpu.dma_semaphore, #tpu.memory_space<semaphore_mem>>, %arg37: memref<!tpu.dma_semaphore, #tpu.memory_space<semaphore_mem>>, %arg38: memref<!tpu.dma_semaphore, #tpu.memory_space<semaphore_mem>>, %arg39: memref<!tpu.dma_semaphore, #tpu.memory_space<semaphore_mem>>, %arg40: memref<!tpu.dma_semaphore, #tpu.memory_space<semaphore_mem>>, %arg41: memref<!tpu.dma_semaphore, #tpu.memory_space<semaphore_mem>>, %arg42: memref<!tpu.dma_semaphore, #tpu.memory_space<semaphore_mem>>, %arg43: memref<!tpu.dma_semaphore, #tpu.memory_space<semaphore_mem>>, %arg44: memref<!tpu.dma_semaphore, #tpu.memory_space<semaphore_mem>>, %arg45: memref<!tpu.dma_semaphore, #tpu.memory_space<semaphore_mem>>, %arg46: memref<!tpu.dma_semaphore, #tpu.memory_space<semaphore_mem>>, %arg47: memref<!tpu.dma_semaphore, #tpu.memory_space<semaphore_mem>>, %arg48: memref<!tpu.dma_semaphore, #tpu.memory_space<semaphore_mem>>, %arg49: memref<!tpu.dma_semaphore, #tpu.memory_space<semaphore_mem>>, %arg50: memref<!tpu.dma_semaphore, #tpu.memory_space<semaphore_mem>>) attributes {dimension_semantics = [#tpu.dimension_semantics<core_parallel>, #tpu.dimension_semantics<subcore_parallel>], iteration_bounds = array<i64: 2, 16>, scalar_prefetch = 0 : i64, scratch_operands = 43 : i64, tpu.core_type = #tpu.core_type<sc_vector_subcore>, window_params = [{transform_indices = #map}, {transform_indices = #map}, {transform_indices = #map1}, {transform_indices = #map1}, {transform_indices = #map}, {transform_indices = #map}]} {
    %mul3A = arith.constant 10080 : i32
    %mul3A_0 = arith.muli %arg1, %mul3A : i32
    %eq3A = arith.constant 0 : i32
    %eq3A_1 = arith.cmpi eq, %arg0, %eq3A : i32
    %convert_element_type3A = arith.extui %eq3A_1 : i1 to i32
    %cond3A = arith.constant 0 : i32
    %cond3A_2 = arith.cmpi ne, %convert_element_type3A, %cond3A : i32
    scf.if %cond3A_2 {
      %add3A = arith.constant 0 : i32
      %add3A_39 = arith.addi %mul3A_0, %add3A : i32
      %multiple_of3A = tpu.assume_multiple %add3A_39, 48 : i32
      %dma_start3A = tpu.memref_slice %arg4[%multiple_of3A] : memref<161280xi32, #tpu.memory_space<hbm>> -> memref<48xi32, #tpu.memory_space<hbm>>
      %dma_start3A_40 = tpu.memref_slice %arg4[%multiple_of3A] : memref<161280xi32, #tpu.memory_space<hbm>> -> memref<48xi32, #tpu.memory_space<hbm>>
      tpu.enqueue_dma source(%dma_start3A_40 : memref<48xi32, #tpu.memory_space<hbm>>) target(%arg8 : memref<48xi32, #tpu.memory_space<vmem>>) target_semaphore(%arg37 : memref<!tpu.dma_semaphore, #tpu.memory_space<semaphore_mem>>)
      %add3A_41 = arith.constant 0 : i32
      %add3A_42 = arith.addi %mul3A_0, %add3A_41 : i32
      %multiple_of3A_43 = tpu.assume_multiple %add3A_42, 48 : i32
      %dma_start3A_44 = tpu.memref_slice %arg5[%multiple_of3A_43] : memref<161280xi32, #tpu.memory_space<hbm>> -> memref<48xi32, #tpu.memory_space<hbm>>
      %dma_start3A_45 = tpu.memref_slice %arg5[%multiple_of3A_43] : memref<161280xi32, #tpu.memory_space<hbm>> -> memref<48xi32, #tpu.memory_space<hbm>>
      tpu.enqueue_dma source(%dma_start3A_45 : memref<48xi32, #tpu.memory_space<hbm>>) target(%arg15 : memref<48xi32, #tpu.memory_space<vmem>>) target_semaphore(%arg44 : memref<!tpu.dma_semaphore, #tpu.memory_space<semaphore_mem>>)
      %add3A_46 = arith.constant 48 : i32
      %add3A_47 = arith.addi %mul3A_0, %add3A_46 : i32
      %multiple_of3A_48 = tpu.assume_multiple %add3A_47, 48 : i32
      %dma_start3A_49 = tpu.memref_slice %arg4[%multiple_of3A_48] : memref<161280xi32, #tpu.memory_space<hbm>> -> memref<48xi32, #tpu.memory_space<hbm>>
      %dma_start3A_50 = tpu.memref_slice %arg4[%multiple_of3A_48] : memref<161280xi32, #tpu.memory_space<hbm>> -> memref<48xi32, #tpu.memory_space<hbm>>
      tpu.enqueue_dma source(%dma_start3A_50 : memref<48xi32, #tpu.memory_space<hbm>>) target(%arg9 : memref<48xi32, #tpu.memory_space<vmem>>) target_semaphore(%arg38 : memref<!tpu.dma_semaphore, #tpu.memory_space<semaphore_mem>>)
      %add3A_51 = arith.constant 48 : i32
      %add3A_52 = arith.addi %mul3A_0, %add3A_51 : i32
      %multiple_of3A_53 = tpu.assume_multiple %add3A_52, 48 : i32
      %dma_start3A_54 = tpu.memref_slice %arg5[%multiple_of3A_53] : memref<161280xi32, #tpu.memory_space<hbm>> -> memref<48xi32, #tpu.memory_space<hbm>>
      %dma_start3A_55 = tpu.memref_slice %arg5[%multiple_of3A_53] : memref<161280xi32, #tpu.memory_space<hbm>> -> memref<48xi32, #tpu.memory_space<hbm>>
      tpu.enqueue_dma source(%dma_start3A_55 : memref<48xi32, #tpu.memory_space<hbm>>) target(%arg16 : memref<48xi32, #tpu.memory_space<vmem>>) target_semaphore(%arg45 : memref<!tpu.dma_semaphore, #tpu.memory_space<semaphore_mem>>)
      %add3A_56 = arith.constant 96 : i32
      %add3A_57 = arith.addi %mul3A_0, %add3A_56 : i32
      %multiple_of3A_58 = tpu.assume_multiple %add3A_57, 48 : i32
      %dma_start3A_59 = tpu.memref_slice %arg4[%multiple_of3A_58] : memref<161280xi32, #tpu.memory_space<hbm>> -> memref<48xi32, #tpu.memory_space<hbm>>
      %dma_start3A_60 = tpu.memref_slice %arg4[%multiple_of3A_58] : memref<161280xi32, #tpu.memory_space<hbm>> -> memref<48xi32, #tpu.memory_space<hbm>>
      tpu.enqueue_dma source(%dma_start3A_60 : memref<48xi32, #tpu.memory_space<hbm>>) target(%arg10 : memref<48xi32, #tpu.memory_space<vmem>>) target_semaphore(%arg39 : memref<!tpu.dma_semaphore, #tpu.memory_space<semaphore_mem>>)
      %add3A_61 = arith.constant 96 : i32
      %add3A_62 = arith.addi %mul3A_0, %add3A_61 : i32
      %multiple_of3A_63 = tpu.assume_multiple %add3A_62, 48 : i32
      %dma_start3A_64 = tpu.memref_slice %arg5[%multiple_of3A_63] : memref<161280xi32, #tpu.memory_space<hbm>> -> memref<48xi32, #tpu.memory_space<hbm>>
      %dma_start3A_65 = tpu.memref_slice %arg5[%multiple_of3A_63] : memref<161280xi32, #tpu.memory_space<hbm>> -> memref<48xi32, #tpu.memory_space<hbm>>
      tpu.enqueue_dma source(%dma_start3A_65 : memref<48xi32, #tpu.memory_space<hbm>>) target(%arg17 : memref<48xi32, #tpu.memory_space<vmem>>) target_semaphore(%arg46 : memref<!tpu.dma_semaphore, #tpu.memory_space<semaphore_mem>>)
      %add3A_66 = arith.constant 144 : i32
      %add3A_67 = arith.addi %mul3A_0, %add3A_66 : i32
      %multiple_of3A_68 = tpu.assume_multiple %add3A_67, 48 : i32
      %dma_start3A_69 = tpu.memref_slice %arg4[%multiple_of3A_68] : memref<161280xi32, #tpu.memory_space<hbm>> -> memref<48xi32, #tpu.memory_space<hbm>>
      %dma_start3A_70 = tpu.memref_slice %arg4[%multiple_of3A_68] : memref<161280xi32, #tpu.memory_space<hbm>> -> memref<48xi32, #tpu.memory_space<hbm>>
      tpu.enqueue_dma source(%dma_start3A_70 : memref<48xi32, #tpu.memory_space<hbm>>) target(%arg11 : memref<48xi32, #tpu.memory_space<vmem>>) target_semaphore(%arg40 : memref<!tpu.dma_semaphore, #tpu.memory_space<semaphore_mem>>)
      %add3A_71 = arith.constant 144 : i32
      %add3A_72 = arith.addi %mul3A_0, %add3A_71 : i32
      %multiple_of3A_73 = tpu.assume_multiple %add3A_72, 48 : i32
      %dma_start3A_74 = tpu.memref_slice %arg5[%multiple_of3A_73] : memref<161280xi32, #tpu.memory_space<hbm>> -> memref<48xi32, #tpu.memory_space<hbm>>
      %dma_start3A_75 = tpu.memref_slice %arg5[%multiple_of3A_73] : memref<161280xi32, #tpu.memory_space<hbm>> -> memref<48xi32, #tpu.memory_space<hbm>>
      tpu.enqueue_dma source(%dma_start3A_75 : memref<48xi32, #tpu.memory_space<hbm>>) target(%arg18 : memref<48xi32, #tpu.memory_space<vmem>>) target_semaphore(%arg47 : memref<!tpu.dma_semaphore, #tpu.memory_space<semaphore_mem>>)
      %add3A_76 = arith.constant 192 : i32
      %add3A_77 = arith.addi %mul3A_0, %add3A_76 : i32
      %multiple_of3A_78 = tpu.assume_multiple %add3A_77, 48 : i32
      %dma_start3A_79 = tpu.memref_slice %arg4[%multiple_of3A_78] : memref<161280xi32, #tpu.memory_space<hbm>> -> memref<48xi32, #tpu.memory_space<hbm>>
      %dma_start3A_80 = tpu.memref_slice %arg4[%multiple_of3A_78] : memref<161280xi32, #tpu.memory_space<hbm>> -> memref<48xi32, #tpu.memory_space<hbm>>
      tpu.enqueue_dma source(%dma_start3A_80 : memref<48xi32, #tpu.memory_space<hbm>>) target(%arg12 : memref<48xi32, #tpu.memory_space<vmem>>) target_semaphore(%arg41 : memref<!tpu.dma_semaphore, #tpu.memory_space<semaphore_mem>>)
      %add3A_81 = arith.constant 192 : i32
      %add3A_82 = arith.addi %mul3A_0, %add3A_81 : i32
      %multiple_of3A_83 = tpu.assume_multiple %add3A_82, 48 : i32
      %dma_start3A_84 = tpu.memref_slice %arg5[%multiple_of3A_83] : memref<161280xi32, #tpu.memory_space<hbm>> -> memref<48xi32, #tpu.memory_space<hbm>>
      %dma_start3A_85 = tpu.memref_slice %arg5[%multiple_of3A_83] : memref<161280xi32, #tpu.memory_space<hbm>> -> memref<48xi32, #tpu.memory_space<hbm>>
      tpu.enqueue_dma source(%dma_start3A_85 : memref<48xi32, #tpu.memory_space<hbm>>) target(%arg19 : memref<48xi32, #tpu.memory_space<vmem>>) target_semaphore(%arg48 : memref<!tpu.dma_semaphore, #tpu.memory_space<semaphore_mem>>)
      %add3A_86 = arith.constant 240 : i32
      %add3A_87 = arith.addi %mul3A_0, %add3A_86 : i32
      %multiple_of3A_88 = tpu.assume_multiple %add3A_87, 48 : i32
      %dma_start3A_89 = tpu.memref_slice %arg4[%multiple_of3A_88] : memref<161280xi32, #tpu.memory_space<hbm>> -> memref<48xi32, #tpu.memory_space<hbm>>
      %dma_start3A_90 = tpu.memref_slice %arg4[%multiple_of3A_88] : memref<161280xi32, #tpu.memory_space<hbm>> -> memref<48xi32, #tpu.memory_space<hbm>>
      tpu.enqueue_dma source(%dma_start3A_90 : memref<48xi32, #tpu.memory_space<hbm>>) target(%arg13 : memref<48xi32, #tpu.memory_space<vmem>>) target_semaphore(%arg42 : memref<!tpu.dma_semaphore, #tpu.memory_space<semaphore_mem>>)
      %add3A_91 = arith.constant 240 : i32
      %add3A_92 = arith.addi %mul3A_0, %add3A_91 : i32
      %multiple_of3A_93 = tpu.assume_multiple %add3A_92, 48 : i32
      %dma_start3A_94 = tpu.memref_slice %arg5[%multiple_of3A_93] : memref<161280xi32, #tpu.memory_space<hbm>> -> memref<48xi32, #tpu.memory_space<hbm>>
      %dma_start3A_95 = tpu.memref_slice %arg5[%multiple_of3A_93] : memref<161280xi32, #tpu.memory_space<hbm>> -> memref<48xi32, #tpu.memory_space<hbm>>
      tpu.enqueue_dma source(%dma_start3A_95 : memref<48xi32, #tpu.memory_space<hbm>>) target(%arg20 : memref<48xi32, #tpu.memory_space<vmem>>) target_semaphore(%arg49 : memref<!tpu.dma_semaphore, #tpu.memory_space<semaphore_mem>>)
      %add3A_96 = arith.constant 288 : i32
      %add3A_97 = arith.addi %mul3A_0, %add3A_96 : i32
      %multiple_of3A_98 = tpu.assume_multiple %add3A_97, 48 : i32
      %dma_start3A_99 = tpu.memref_slice %arg4[%multiple_of3A_98] : memref<161280xi32, #tpu.memory_space<hbm>> -> memref<48xi32, #tpu.memory_space<hbm>>
      %dma_start3A_100 = tpu.memref_slice %arg4[%multiple_of3A_98] : memref<161280xi32, #tpu.memory_space<hbm>> -> memref<48xi32, #tpu.memory_space<hbm>>
      tpu.enqueue_dma source(%dma_start3A_100 : memref<48xi32, #tpu.memory_space<hbm>>) target(%arg14 : memref<48xi32, #tpu.memory_space<vmem>>) target_semaphore(%arg43 : memref<!tpu.dma_semaphore, #tpu.memory_space<semaphore_mem>>)
      %add3A_101 = arith.constant 288 : i32
      %add3A_102 = arith.addi %mul3A_0, %add3A_101 : i32
      %multiple_of3A_103 = tpu.assume_multiple %add3A_102, 48 : i32
      %dma_start3A_104 = tpu.memref_slice %arg5[%multiple_of3A_103] : memref<161280xi32, #tpu.memory_space<hbm>> -> memref<48xi32, #tpu.memory_space<hbm>>
      %dma_start3A_105 = tpu.memref_slice %arg5[%multiple_of3A_103] : memref<161280xi32, #tpu.memory_space<hbm>> -> memref<48xi32, #tpu.memory_space<hbm>>
      tpu.enqueue_dma source(%dma_start3A_105 : memref<48xi32, #tpu.memory_space<hbm>>) target(%arg21 : memref<48xi32, #tpu.memory_space<vmem>>) target_semaphore(%arg50 : memref<!tpu.dma_semaphore, #tpu.memory_space<semaphore_mem>>)
      %dma_wait3A = arith.constant 0 : i32
      %dma_wait3A_106 = tpu.memref_slice %arg4[%dma_wait3A] : memref<161280xi32, #tpu.memory_space<hbm>> -> memref<48xi32, #tpu.memory_space<hbm>>
      %dma_wait3A_107 = arith.constant 0 : i32
      %dma_wait3A_108 = tpu.memref_slice %arg4[%dma_wait3A_107] : memref<161280xi32, #tpu.memory_space<hbm>> -> memref<48xi32, #tpu.memory_space<hbm>>
      tpu.wait_dma2 semaphore(%arg37 : memref<!tpu.dma_semaphore, #tpu.memory_space<semaphore_mem>>) src(%dma_wait3A_108 : memref<48xi32, #tpu.memory_space<hbm>>) dst(%arg8 : memref<48xi32, #tpu.memory_space<vmem>>)
      %dma_start3A_109 = arith.constant 0 : i32
      %dma_start3A_110 = arith.constant 0 : i32
      %dma_start3A_111 = tpu.memref_slice %arg2[%dma_start3A_109, %dma_start3A_110] : memref<10000x128xf32, #tpu.memory_space<hbm>> -> memref<10000x128xf32, #tpu.memory_space<hbm>>
      tpu.enqueue_indirect_dma source(%dma_start3A_111 : memref<10000x128xf32, #tpu.memory_space<hbm>>) target(%arg22 : memref<48x128xf32, #tpu.memory_space<vmem>>) offsets(%arg8 : memref<48xi32, #tpu.memory_space<vmem>>) semaphore(%arg30 : memref<!tpu.dma_semaphore, #tpu.memory_space<semaphore_mem>>)
      %dma_wait3A_112 = arith.constant 0 : i32
      %dma_wait3A_113 = tpu.memref_slice %arg4[%dma_wait3A_112] : memref<161280xi32, #tpu.memory_space<hbm>> -> memref<48xi32, #tpu.memory_space<hbm>>
      %dma_wait3A_114 = arith.constant 0 : i32
      %dma_wait3A_115 = tpu.memref_slice %arg4[%dma_wait3A_114] : memref<161280xi32, #tpu.memory_space<hbm>> -> memref<48xi32, #tpu.memory_space<hbm>>
      tpu.wait_dma2 semaphore(%arg38 : memref<!tpu.dma_semaphore, #tpu.memory_space<semaphore_mem>>) src(%dma_wait3A_115 : memref<48xi32, #tpu.memory_space<hbm>>) dst(%arg9 : memref<48xi32, #tpu.memory_space<vmem>>)
      %dma_start3A_116 = arith.constant 0 : i32
      %dma_start3A_117 = arith.constant 0 : i32
      %dma_start3A_118 = tpu.memref_slice %arg2[%dma_start3A_116, %dma_start3A_117] : memref<10000x128xf32, #tpu.memory_space<hbm>> -> memref<10000x128xf32, #tpu.memory_space<hbm>>
      tpu.enqueue_indirect_dma source(%dma_start3A_118 : memref<10000x128xf32, #tpu.memory_space<hbm>>) target(%arg23 : memref<48x128xf32, #tpu.memory_space<vmem>>) offsets(%arg9 : memref<48xi32, #tpu.memory_space<vmem>>) semaphore(%arg31 : memref<!tpu.dma_semaphore, #tpu.memory_space<semaphore_mem>>)
      %dma_wait3A_119 = arith.constant 0 : i32
      %dma_wait3A_120 = tpu.memref_slice %arg4[%dma_wait3A_119] : memref<161280xi32, #tpu.memory_space<hbm>> -> memref<48xi32, #tpu.memory_space<hbm>>
      %dma_wait3A_121 = arith.constant 0 : i32
      %dma_wait3A_122 = tpu.memref_slice %arg4[%dma_wait3A_121] : memref<161280xi32, #tpu.memory_space<hbm>> -> memref<48xi32, #tpu.memory_space<hbm>>
      tpu.wait_dma2 semaphore(%arg39 : memref<!tpu.dma_semaphore, #tpu.memory_space<semaphore_mem>>) src(%dma_wait3A_122 : memref<48xi32, #tpu.memory_space<hbm>>) dst(%arg10 : memref<48xi32, #tpu.memory_space<vmem>>)
      %dma_start3A_123 = arith.constant 0 : i32
      %dma_start3A_124 = arith.constant 0 : i32
      %dma_start3A_125 = tpu.memref_slice %arg2[%dma_start3A_123, %dma_start3A_124] : memref<10000x128xf32, #tpu.memory_space<hbm>> -> memref<10000x128xf32, #tpu.memory_space<hbm>>
      tpu.enqueue_indirect_dma source(%dma_start3A_125 : memref<10000x128xf32, #tpu.memory_space<hbm>>) target(%arg24 : memref<48x128xf32, #tpu.memory_space<vmem>>) offsets(%arg10 : memref<48xi32, #tpu.memory_space<vmem>>) semaphore(%arg32 : memref<!tpu.dma_semaphore, #tpu.memory_space<semaphore_mem>>)
      %dma_wait3A_126 = arith.constant 0 : i32
      %dma_wait3A_127 = tpu.memref_slice %arg4[%dma_wait3A_126] : memref<161280xi32, #tpu.memory_space<hbm>> -> memref<48xi32, #tpu.memory_space<hbm>>
      %dma_wait3A_128 = arith.constant 0 : i32
      %dma_wait3A_129 = tpu.memref_slice %arg4[%dma_wait3A_128] : memref<161280xi32, #tpu.memory_space<hbm>> -> memref<48xi32, #tpu.memory_space<hbm>>
      tpu.wait_dma2 semaphore(%arg40 : memref<!tpu.dma_semaphore, #tpu.memory_space<semaphore_mem>>) src(%dma_wait3A_129 : memref<48xi32, #tpu.memory_space<hbm>>) dst(%arg11 : memref<48xi32, #tpu.memory_space<vmem>>)
      %dma_start3A_130 = arith.constant 0 : i32
      %dma_start3A_131 = arith.constant 0 : i32
      %dma_start3A_132 = tpu.memref_slice %arg2[%dma_start3A_130, %dma_start3A_131] : memref<10000x128xf32, #tpu.memory_space<hbm>> -> memref<10000x128xf32, #tpu.memory_space<hbm>>
      tpu.enqueue_indirect_dma source(%dma_start3A_132 : memref<10000x128xf32, #tpu.memory_space<hbm>>) target(%arg25 : memref<48x128xf32, #tpu.memory_space<vmem>>) offsets(%arg11 : memref<48xi32, #tpu.memory_space<vmem>>) semaphore(%arg33 : memref<!tpu.dma_semaphore, #tpu.memory_space<semaphore_mem>>)
      %dma_wait3A_133 = arith.constant 0 : i32
      %dma_wait3A_134 = tpu.memref_slice %arg4[%dma_wait3A_133] : memref<161280xi32, #tpu.memory_space<hbm>> -> memref<48xi32, #tpu.memory_space<hbm>>
      %dma_wait3A_135 = arith.constant 0 : i32
      %dma_wait3A_136 = tpu.memref_slice %arg4[%dma_wait3A_135] : memref<161280xi32, #tpu.memory_space<hbm>> -> memref<48xi32, #tpu.memory_space<hbm>>
      tpu.wait_dma2 semaphore(%arg41 : memref<!tpu.dma_semaphore, #tpu.memory_space<semaphore_mem>>) src(%dma_wait3A_136 : memref<48xi32, #tpu.memory_space<hbm>>) dst(%arg12 : memref<48xi32, #tpu.memory_space<vmem>>)
      %dma_start3A_137 = arith.constant 0 : i32
      %dma_start3A_138 = arith.constant 0 : i32
      %dma_start3A_139 = tpu.memref_slice %arg2[%dma_start3A_137, %dma_start3A_138] : memref<10000x128xf32, #tpu.memory_space<hbm>> -> memref<10000x128xf32, #tpu.memory_space<hbm>>
      tpu.enqueue_indirect_dma source(%dma_start3A_139 : memref<10000x128xf32, #tpu.memory_space<hbm>>) target(%arg26 : memref<48x128xf32, #tpu.memory_space<vmem>>) offsets(%arg12 : memref<48xi32, #tpu.memory_space<vmem>>) semaphore(%arg34 : memref<!tpu.dma_semaphore, #tpu.memory_space<semaphore_mem>>)
      %dma_wait3A_140 = arith.constant 0 : i32
      %dma_wait3A_141 = tpu.memref_slice %arg4[%dma_wait3A_140] : memref<161280xi32, #tpu.memory_space<hbm>> -> memref<48xi32, #tpu.memory_space<hbm>>
      %dma_wait3A_142 = arith.constant 0 : i32
      %dma_wait3A_143 = tpu.memref_slice %arg4[%dma_wait3A_142] : memref<161280xi32, #tpu.memory_space<hbm>> -> memref<48xi32, #tpu.memory_space<hbm>>
      tpu.wait_dma2 semaphore(%arg42 : memref<!tpu.dma_semaphore, #tpu.memory_space<semaphore_mem>>) src(%dma_wait3A_143 : memref<48xi32, #tpu.memory_space<hbm>>) dst(%arg13 : memref<48xi32, #tpu.memory_space<vmem>>)
      %dma_start3A_144 = arith.constant 0 : i32
      %dma_start3A_145 = arith.constant 0 : i32
      %dma_start3A_146 = tpu.memref_slice %arg2[%dma_start3A_144, %dma_start3A_145] : memref<10000x128xf32, #tpu.memory_space<hbm>> -> memref<10000x128xf32, #tpu.memory_space<hbm>>
      tpu.enqueue_indirect_dma source(%dma_start3A_146 : memref<10000x128xf32, #tpu.memory_space<hbm>>) target(%arg27 : memref<48x128xf32, #tpu.memory_space<vmem>>) offsets(%arg13 : memref<48xi32, #tpu.memory_space<vmem>>) semaphore(%arg35 : memref<!tpu.dma_semaphore, #tpu.memory_space<semaphore_mem>>)
      %dma_wait3A_147 = arith.constant 0 : i32
      %dma_wait3A_148 = tpu.memref_slice %arg4[%dma_wait3A_147] : memref<161280xi32, #tpu.memory_space<hbm>> -> memref<48xi32, #tpu.memory_space<hbm>>
      %dma_wait3A_149 = arith.constant 0 : i32
      %dma_wait3A_150 = tpu.memref_slice %arg4[%dma_wait3A_149] : memref<161280xi32, #tpu.memory_space<hbm>> -> memref<48xi32, #tpu.memory_space<hbm>>
      tpu.wait_dma2 semaphore(%arg43 : memref<!tpu.dma_semaphore, #tpu.memory_space<semaphore_mem>>) src(%dma_wait3A_150 : memref<48xi32, #tpu.memory_space<hbm>>) dst(%arg14 : memref<48xi32, #tpu.memory_space<vmem>>)
      %dma_start3A_151 = arith.constant 0 : i32
      %dma_start3A_152 = arith.constant 0 : i32
      %dma_start3A_153 = tpu.memref_slice %arg2[%dma_start3A_151, %dma_start3A_152] : memref<10000x128xf32, #tpu.memory_space<hbm>> -> memref<10000x128xf32, #tpu.memory_space<hbm>>
      tpu.enqueue_indirect_dma source(%dma_start3A_153 : memref<10000x128xf32, #tpu.memory_space<hbm>>) target(%arg28 : memref<48x128xf32, #tpu.memory_space<vmem>>) offsets(%arg14 : memref<48xi32, #tpu.memory_space<vmem>>) semaphore(%arg36 : memref<!tpu.dma_semaphore, #tpu.memory_space<semaphore_mem>>)
    } else {
    }
    %eq3A_3 = arith.constant 1 : i32
    %eq3A_4 = arith.cmpi eq, %arg0, %eq3A_3 : i32
    %convert_element_type3A_5 = arith.extui %eq3A_4 : i1 to i32
    %cond3A_6 = arith.constant 0 : i32
    %cond3A_7 = arith.cmpi ne, %convert_element_type3A_5, %cond3A_6 : i32
    scf.if %cond3A_7 {
      %add3A = arith.constant 0 : i32
      %add3A_39 = arith.addi %mul3A_0, %add3A : i32
      %multiple_of3A = tpu.assume_multiple %add3A_39, 48 : i32
      %dma_start3A = tpu.memref_slice %arg4[%multiple_of3A] : memref<161280xi32, #tpu.memory_space<hbm>> -> memref<48xi32, #tpu.memory_space<hbm>>
      %dma_start3A_40 = tpu.memref_slice %arg4[%multiple_of3A] : memref<161280xi32, #tpu.memory_space<hbm>> -> memref<48xi32, #tpu.memory_space<hbm>>
      tpu.enqueue_dma source(%dma_start3A_40 : memref<48xi32, #tpu.memory_space<hbm>>) target(%arg8 : memref<48xi32, #tpu.memory_space<vmem>>) target_semaphore(%arg37 : memref<!tpu.dma_semaphore, #tpu.memory_space<semaphore_mem>>)
      %add3A_41 = arith.constant 0 : i32
      %add3A_42 = arith.addi %mul3A_0, %add3A_41 : i32
      %multiple_of3A_43 = tpu.assume_multiple %add3A_42, 48 : i32
      %dma_start3A_44 = tpu.memref_slice %arg5[%multiple_of3A_43] : memref<161280xi32, #tpu.memory_space<hbm>> -> memref<48xi32, #tpu.memory_space<hbm>>
      %dma_start3A_45 = tpu.memref_slice %arg5[%multiple_of3A_43] : memref<161280xi32, #tpu.memory_space<hbm>> -> memref<48xi32, #tpu.memory_space<hbm>>
      tpu.enqueue_dma source(%dma_start3A_45 : memref<48xi32, #tpu.memory_space<hbm>>) target(%arg15 : memref<48xi32, #tpu.memory_space<vmem>>) target_semaphore(%arg44 : memref<!tpu.dma_semaphore, #tpu.memory_space<semaphore_mem>>)
      %add3A_46 = arith.constant 48 : i32
      %add3A_47 = arith.addi %mul3A_0, %add3A_46 : i32
      %multiple_of3A_48 = tpu.assume_multiple %add3A_47, 48 : i32
      %dma_start3A_49 = tpu.memref_slice %arg4[%multiple_of3A_48] : memref<161280xi32, #tpu.memory_space<hbm>> -> memref<48xi32, #tpu.memory_space<hbm>>
      %dma_start3A_50 = tpu.memref_slice %arg4[%multiple_of3A_48] : memref<161280xi32, #tpu.memory_space<hbm>> -> memref<48xi32, #tpu.memory_space<hbm>>
      tpu.enqueue_dma source(%dma_start3A_50 : memref<48xi32, #tpu.memory_space<hbm>>) target(%arg9 : memref<48xi32, #tpu.memory_space<vmem>>) target_semaphore(%arg38 : memref<!tpu.dma_semaphore, #tpu.memory_space<semaphore_mem>>)
      %add3A_51 = arith.constant 48 : i32
      %add3A_52 = arith.addi %mul3A_0, %add3A_51 : i32
      %multiple_of3A_53 = tpu.assume_multiple %add3A_52, 48 : i32
      %dma_start3A_54 = tpu.memref_slice %arg5[%multiple_of3A_53] : memref<161280xi32, #tpu.memory_space<hbm>> -> memref<48xi32, #tpu.memory_space<hbm>>
      %dma_start3A_55 = tpu.memref_slice %arg5[%multiple_of3A_53] : memref<161280xi32, #tpu.memory_space<hbm>> -> memref<48xi32, #tpu.memory_space<hbm>>
      tpu.enqueue_dma source(%dma_start3A_55 : memref<48xi32, #tpu.memory_space<hbm>>) target(%arg16 : memref<48xi32, #tpu.memory_space<vmem>>) target_semaphore(%arg45 : memref<!tpu.dma_semaphore, #tpu.memory_space<semaphore_mem>>)
      %add3A_56 = arith.constant 96 : i32
      %add3A_57 = arith.addi %mul3A_0, %add3A_56 : i32
      %multiple_of3A_58 = tpu.assume_multiple %add3A_57, 48 : i32
      %dma_start3A_59 = tpu.memref_slice %arg4[%multiple_of3A_58] : memref<161280xi32, #tpu.memory_space<hbm>> -> memref<48xi32, #tpu.memory_space<hbm>>
      %dma_start3A_60 = tpu.memref_slice %arg4[%multiple_of3A_58] : memref<161280xi32, #tpu.memory_space<hbm>> -> memref<48xi32, #tpu.memory_space<hbm>>
      tpu.enqueue_dma source(%dma_start3A_60 : memref<48xi32, #tpu.memory_space<hbm>>) target(%arg10 : memref<48xi32, #tpu.memory_space<vmem>>) target_semaphore(%arg39 : memref<!tpu.dma_semaphore, #tpu.memory_space<semaphore_mem>>)
      %add3A_61 = arith.constant 96 : i32
      %add3A_62 = arith.addi %mul3A_0, %add3A_61 : i32
      %multiple_of3A_63 = tpu.assume_multiple %add3A_62, 48 : i32
      %dma_start3A_64 = tpu.memref_slice %arg5[%multiple_of3A_63] : memref<161280xi32, #tpu.memory_space<hbm>> -> memref<48xi32, #tpu.memory_space<hbm>>
      %dma_start3A_65 = tpu.memref_slice %arg5[%multiple_of3A_63] : memref<161280xi32, #tpu.memory_space<hbm>> -> memref<48xi32, #tpu.memory_space<hbm>>
      tpu.enqueue_dma source(%dma_start3A_65 : memref<48xi32, #tpu.memory_space<hbm>>) target(%arg17 : memref<48xi32, #tpu.memory_space<vmem>>) target_semaphore(%arg46 : memref<!tpu.dma_semaphore, #tpu.memory_space<semaphore_mem>>)
      %add3A_66 = arith.constant 144 : i32
      %add3A_67 = arith.addi %mul3A_0, %add3A_66 : i32
      %multiple_of3A_68 = tpu.assume_multiple %add3A_67, 48 : i32
      %dma_start3A_69 = tpu.memref_slice %arg4[%multiple_of3A_68] : memref<161280xi32, #tpu.memory_space<hbm>> -> memref<48xi32, #tpu.memory_space<hbm>>
      %dma_start3A_70 = tpu.memref_slice %arg4[%multiple_of3A_68] : memref<161280xi32, #tpu.memory_space<hbm>> -> memref<48xi32, #tpu.memory_space<hbm>>
      tpu.enqueue_dma source(%dma_start3A_70 : memref<48xi32, #tpu.memory_space<hbm>>) target(%arg11 : memref<48xi32, #tpu.memory_space<vmem>>) target_semaphore(%arg40 : memref<!tpu.dma_semaphore, #tpu.memory_space<semaphore_mem>>)
      %add3A_71 = arith.constant 144 : i32
      %add3A_72 = arith.addi %mul3A_0, %add3A_71 : i32
      %multiple_of3A_73 = tpu.assume_multiple %add3A_72, 48 : i32
      %dma_start3A_74 = tpu.memref_slice %arg5[%multiple_of3A_73] : memref<161280xi32, #tpu.memory_space<hbm>> -> memref<48xi32, #tpu.memory_space<hbm>>
      %dma_start3A_75 = tpu.memref_slice %arg5[%multiple_of3A_73] : memref<161280xi32, #tpu.memory_space<hbm>> -> memref<48xi32, #tpu.memory_space<hbm>>
      tpu.enqueue_dma source(%dma_start3A_75 : memref<48xi32, #tpu.memory_space<hbm>>) target(%arg18 : memref<48xi32, #tpu.memory_space<vmem>>) target_semaphore(%arg47 : memref<!tpu.dma_semaphore, #tpu.memory_space<semaphore_mem>>)
      %add3A_76 = arith.constant 192 : i32
      %add3A_77 = arith.addi %mul3A_0, %add3A_76 : i32
      %multiple_of3A_78 = tpu.assume_multiple %add3A_77, 48 : i32
      %dma_start3A_79 = tpu.memref_slice %arg4[%multiple_of3A_78] : memref<161280xi32, #tpu.memory_space<hbm>> -> memref<48xi32, #tpu.memory_space<hbm>>
      %dma_start3A_80 = tpu.memref_slice %arg4[%multiple_of3A_78] : memref<161280xi32, #tpu.memory_space<hbm>> -> memref<48xi32, #tpu.memory_space<hbm>>
      tpu.enqueue_dma source(%dma_start3A_80 : memref<48xi32, #tpu.memory_space<hbm>>) target(%arg12 : memref<48xi32, #tpu.memory_space<vmem>>) target_semaphore(%arg41 : memref<!tpu.dma_semaphore, #tpu.memory_space<semaphore_mem>>)
      %add3A_81 = arith.constant 192 : i32
      %add3A_82 = arith.addi %mul3A_0, %add3A_81 : i32
      %multiple_of3A_83 = tpu.assume_multiple %add3A_82, 48 : i32
      %dma_start3A_84 = tpu.memref_slice %arg5[%multiple_of3A_83] : memref<161280xi32, #tpu.memory_space<hbm>> -> memref<48xi32, #tpu.memory_space<hbm>>
      %dma_start3A_85 = tpu.memref_slice %arg5[%multiple_of3A_83] : memref<161280xi32, #tpu.memory_space<hbm>> -> memref<48xi32, #tpu.memory_space<hbm>>
      tpu.enqueue_dma source(%dma_start3A_85 : memref<48xi32, #tpu.memory_space<hbm>>) target(%arg19 : memref<48xi32, #tpu.memory_space<vmem>>) target_semaphore(%arg48 : memref<!tpu.dma_semaphore, #tpu.memory_space<semaphore_mem>>)
      %add3A_86 = arith.constant 240 : i32
      %add3A_87 = arith.addi %mul3A_0, %add3A_86 : i32
      %multiple_of3A_88 = tpu.assume_multiple %add3A_87, 48 : i32
      %dma_start3A_89 = tpu.memref_slice %arg4[%multiple_of3A_88] : memref<161280xi32, #tpu.memory_space<hbm>> -> memref<48xi32, #tpu.memory_space<hbm>>
      %dma_start3A_90 = tpu.memref_slice %arg4[%multiple_of3A_88] : memref<161280xi32, #tpu.memory_space<hbm>> -> memref<48xi32, #tpu.memory_space<hbm>>
      tpu.enqueue_dma source(%dma_start3A_90 : memref<48xi32, #tpu.memory_space<hbm>>) target(%arg13 : memref<48xi32, #tpu.memory_space<vmem>>) target_semaphore(%arg42 : memref<!tpu.dma_semaphore, #tpu.memory_space<semaphore_mem>>)
      %add3A_91 = arith.constant 240 : i32
      %add3A_92 = arith.addi %mul3A_0, %add3A_91 : i32
      %multiple_of3A_93 = tpu.assume_multiple %add3A_92, 48 : i32
      %dma_start3A_94 = tpu.memref_slice %arg5[%multiple_of3A_93] : memref<161280xi32, #tpu.memory_space<hbm>> -> memref<48xi32, #tpu.memory_space<hbm>>
      %dma_start3A_95 = tpu.memref_slice %arg5[%multiple_of3A_93] : memref<161280xi32, #tpu.memory_space<hbm>> -> memref<48xi32, #tpu.memory_space<hbm>>
      tpu.enqueue_dma source(%dma_start3A_95 : memref<48xi32, #tpu.memory_space<hbm>>) target(%arg20 : memref<48xi32, #tpu.memory_space<vmem>>) target_semaphore(%arg49 : memref<!tpu.dma_semaphore, #tpu.memory_space<semaphore_mem>>)
      %add3A_96 = arith.constant 288 : i32
      %add3A_97 = arith.addi %mul3A_0, %add3A_96 : i32
      %multiple_of3A_98 = tpu.assume_multiple %add3A_97, 48 : i32
      %dma_start3A_99 = tpu.memref_slice %arg4[%multiple_of3A_98] : memref<161280xi32, #tpu.memory_space<hbm>> -> memref<48xi32, #tpu.memory_space<hbm>>
      %dma_start3A_100 = tpu.memref_slice %arg4[%multiple_of3A_98] : memref<161280xi32, #tpu.memory_space<hbm>> -> memref<48xi32, #tpu.memory_space<hbm>>
      tpu.enqueue_dma source(%dma_start3A_100 : memref<48xi32, #tpu.memory_space<hbm>>) target(%arg14 : memref<48xi32, #tpu.memory_space<vmem>>) target_semaphore(%arg43 : memref<!tpu.dma_semaphore, #tpu.memory_space<semaphore_mem>>)
      %add3A_101 = arith.constant 288 : i32
      %add3A_102 = arith.addi %mul3A_0, %add3A_101 : i32
      %multiple_of3A_103 = tpu.assume_multiple %add3A_102, 48 : i32
      %dma_start3A_104 = tpu.memref_slice %arg5[%multiple_of3A_103] : memref<161280xi32, #tpu.memory_space<hbm>> -> memref<48xi32, #tpu.memory_space<hbm>>
      %dma_start3A_105 = tpu.memref_slice %arg5[%multiple_of3A_103] : memref<161280xi32, #tpu.memory_space<hbm>> -> memref<48xi32, #tpu.memory_space<hbm>>
      tpu.enqueue_dma source(%dma_start3A_105 : memref<48xi32, #tpu.memory_space<hbm>>) target(%arg21 : memref<48xi32, #tpu.memory_space<vmem>>) target_semaphore(%arg50 : memref<!tpu.dma_semaphore, #tpu.memory_space<semaphore_mem>>)
      %dma_wait3A = arith.constant 0 : i32
      %dma_wait3A_106 = tpu.memref_slice %arg4[%dma_wait3A] : memref<161280xi32, #tpu.memory_space<hbm>> -> memref<48xi32, #tpu.memory_space<hbm>>
      %dma_wait3A_107 = arith.constant 0 : i32
      %dma_wait3A_108 = tpu.memref_slice %arg4[%dma_wait3A_107] : memref<161280xi32, #tpu.memory_space<hbm>> -> memref<48xi32, #tpu.memory_space<hbm>>
      tpu.wait_dma2 semaphore(%arg37 : memref<!tpu.dma_semaphore, #tpu.memory_space<semaphore_mem>>) src(%dma_wait3A_108 : memref<48xi32, #tpu.memory_space<hbm>>) dst(%arg8 : memref<48xi32, #tpu.memory_space<vmem>>)
      %dma_start3A_109 = arith.constant 0 : i32
      %dma_start3A_110 = arith.constant 0 : i32
      %dma_start3A_111 = tpu.memref_slice %arg3[%dma_start3A_109, %dma_start3A_110] : memref<10000x128xf32, #tpu.memory_space<hbm>> -> memref<10000x128xf32, #tpu.memory_space<hbm>>
      tpu.enqueue_indirect_dma source(%dma_start3A_111 : memref<10000x128xf32, #tpu.memory_space<hbm>>) target(%arg22 : memref<48x128xf32, #tpu.memory_space<vmem>>) offsets(%arg8 : memref<48xi32, #tpu.memory_space<vmem>>) semaphore(%arg30 : memref<!tpu.dma_semaphore, #tpu.memory_space<semaphore_mem>>)
      %dma_wait3A_112 = arith.constant 0 : i32
      %dma_wait3A_113 = tpu.memref_slice %arg4[%dma_wait3A_112] : memref<161280xi32, #tpu.memory_space<hbm>> -> memref<48xi32, #tpu.memory_space<hbm>>
      %dma_wait3A_114 = arith.constant 0 : i32
      %dma_wait3A_115 = tpu.memref_slice %arg4[%dma_wait3A_114] : memref<161280xi32, #tpu.memory_space<hbm>> -> memref<48xi32, #tpu.memory_space<hbm>>
      tpu.wait_dma2 semaphore(%arg38 : memref<!tpu.dma_semaphore, #tpu.memory_space<semaphore_mem>>) src(%dma_wait3A_115 : memref<48xi32, #tpu.memory_space<hbm>>) dst(%arg9 : memref<48xi32, #tpu.memory_space<vmem>>)
      %dma_start3A_116 = arith.constant 0 : i32
      %dma_start3A_117 = arith.constant 0 : i32
      %dma_start3A_118 = tpu.memref_slice %arg3[%dma_start3A_116, %dma_start3A_117] : memref<10000x128xf32, #tpu.memory_space<hbm>> -> memref<10000x128xf32, #tpu.memory_space<hbm>>
      tpu.enqueue_indirect_dma source(%dma_start3A_118 : memref<10000x128xf32, #tpu.memory_space<hbm>>) target(%arg23 : memref<48x128xf32, #tpu.memory_space<vmem>>) offsets(%arg9 : memref<48xi32, #tpu.memory_space<vmem>>) semaphore(%arg31 : memref<!tpu.dma_semaphore, #tpu.memory_space<semaphore_mem>>)
      %dma_wait3A_119 = arith.constant 0 : i32
      %dma_wait3A_120 = tpu.memref_slice %arg4[%dma_wait3A_119] : memref<161280xi32, #tpu.memory_space<hbm>> -> memref<48xi32, #tpu.memory_space<hbm>>
      %dma_wait3A_121 = arith.constant 0 : i32
      %dma_wait3A_122 = tpu.memref_slice %arg4[%dma_wait3A_121] : memref<161280xi32, #tpu.memory_space<hbm>> -> memref<48xi32, #tpu.memory_space<hbm>>
      tpu.wait_dma2 semaphore(%arg39 : memref<!tpu.dma_semaphore, #tpu.memory_space<semaphore_mem>>) src(%dma_wait3A_122 : memref<48xi32, #tpu.memory_space<hbm>>) dst(%arg10 : memref<48xi32, #tpu.memory_space<vmem>>)
      %dma_start3A_123 = arith.constant 0 : i32
      %dma_start3A_124 = arith.constant 0 : i32
      %dma_start3A_125 = tpu.memref_slice %arg3[%dma_start3A_123, %dma_start3A_124] : memref<10000x128xf32, #tpu.memory_space<hbm>> -> memref<10000x128xf32, #tpu.memory_space<hbm>>
      tpu.enqueue_indirect_dma source(%dma_start3A_125 : memref<10000x128xf32, #tpu.memory_space<hbm>>) target(%arg24 : memref<48x128xf32, #tpu.memory_space<vmem>>) offsets(%arg10 : memref<48xi32, #tpu.memory_space<vmem>>) semaphore(%arg32 : memref<!tpu.dma_semaphore, #tpu.memory_space<semaphore_mem>>)
      %dma_wait3A_126 = arith.constant 0 : i32
      %dma_wait3A_127 = tpu.memref_slice %arg4[%dma_wait3A_126] : memref<161280xi32, #tpu.memory_space<hbm>> -> memref<48xi32, #tpu.memory_space<hbm>>
      %dma_wait3A_128 = arith.constant 0 : i32
      %dma_wait3A_129 = tpu.memref_slice %arg4[%dma_wait3A_128] : memref<161280xi32, #tpu.memory_space<hbm>> -> memref<48xi32, #tpu.memory_space<hbm>>
      tpu.wait_dma2 semaphore(%arg40 : memref<!tpu.dma_semaphore, #tpu.memory_space<semaphore_mem>>) src(%dma_wait3A_129 : memref<48xi32, #tpu.memory_space<hbm>>) dst(%arg11 : memref<48xi32, #tpu.memory_space<vmem>>)
      %dma_start3A_130 = arith.constant 0 : i32
      %dma_start3A_131 = arith.constant 0 : i32
      %dma_start3A_132 = tpu.memref_slice %arg3[%dma_start3A_130, %dma_start3A_131] : memref<10000x128xf32, #tpu.memory_space<hbm>> -> memref<10000x128xf32, #tpu.memory_space<hbm>>
      tpu.enqueue_indirect_dma source(%dma_start3A_132 : memref<10000x128xf32, #tpu.memory_space<hbm>>) target(%arg25 : memref<48x128xf32, #tpu.memory_space<vmem>>) offsets(%arg11 : memref<48xi32, #tpu.memory_space<vmem>>) semaphore(%arg33 : memref<!tpu.dma_semaphore, #tpu.memory_space<semaphore_mem>>)
      %dma_wait3A_133 = arith.constant 0 : i32
      %dma_wait3A_134 = tpu.memref_slice %arg4[%dma_wait3A_133] : memref<161280xi32, #tpu.memory_space<hbm>> -> memref<48xi32, #tpu.memory_space<hbm>>
      %dma_wait3A_135 = arith.constant 0 : i32
      %dma_wait3A_136 = tpu.memref_slice %arg4[%dma_wait3A_135] : memref<161280xi32, #tpu.memory_space<hbm>> -> memref<48xi32, #tpu.memory_space<hbm>>
      tpu.wait_dma2 semaphore(%arg41 : memref<!tpu.dma_semaphore, #tpu.memory_space<semaphore_mem>>) src(%dma_wait3A_136 : memref<48xi32, #tpu.memory_space<hbm>>) dst(%arg12 : memref<48xi32, #tpu.memory_space<vmem>>)
      %dma_start3A_137 = arith.constant 0 : i32
      %dma_start3A_138 = arith.constant 0 : i32
      %dma_start3A_139 = tpu.memref_slice %arg3[%dma_start3A_137, %dma_start3A_138] : memref<10000x128xf32, #tpu.memory_space<hbm>> -> memref<10000x128xf32, #tpu.memory_space<hbm>>
      tpu.enqueue_indirect_dma source(%dma_start3A_139 : memref<10000x128xf32, #tpu.memory_space<hbm>>) target(%arg26 : memref<48x128xf32, #tpu.memory_space<vmem>>) offsets(%arg12 : memref<48xi32, #tpu.memory_space<vmem>>) semaphore(%arg34 : memref<!tpu.dma_semaphore, #tpu.memory_space<semaphore_mem>>)
      %dma_wait3A_140 = arith.constant 0 : i32
      %dma_wait3A_141 = tpu.memref_slice %arg4[%dma_wait3A_140] : memref<161280xi32, #tpu.memory_space<hbm>> -> memref<48xi32, #tpu.memory_space<hbm>>
      %dma_wait3A_142 = arith.constant 0 : i32
      %dma_wait3A_143 = tpu.memref_slice %arg4[%dma_wait3A_142] : memref<161280xi32, #tpu.memory_space<hbm>> -> memref<48xi32, #tpu.memory_space<hbm>>
      tpu.wait_dma2 semaphore(%arg42 : memref<!tpu.dma_semaphore, #tpu.memory_space<semaphore_mem>>) src(%dma_wait3A_143 : memref<48xi32, #tpu.memory_space<hbm>>) dst(%arg13 : memref<48xi32, #tpu.memory_space<vmem>>)
      %dma_start3A_144 = arith.constant 0 : i32
      %dma_start3A_145 = arith.constant 0 : i32
      %dma_start3A_146 = tpu.memref_slice %arg3[%dma_start3A_144, %dma_start3A_145] : memref<10000x128xf32, #tpu.memory_space<hbm>> -> memref<10000x128xf32, #tpu.memory_space<hbm>>
      tpu.enqueue_indirect_dma source(%dma_start3A_146 : memref<10000x128xf32, #tpu.memory_space<hbm>>) target(%arg27 : memref<48x128xf32, #tpu.memory_space<vmem>>) offsets(%arg13 : memref<48xi32, #tpu.memory_space<vmem>>) semaphore(%arg35 : memref<!tpu.dma_semaphore, #tpu.memory_space<semaphore_mem>>)
      %dma_wait3A_147 = arith.constant 0 : i32
      %dma_wait3A_148 = tpu.memref_slice %arg4[%dma_wait3A_147] : memref<161280xi32, #tpu.memory_space<hbm>> -> memref<48xi32, #tpu.memory_space<hbm>>
      %dma_wait3A_149 = arith.constant 0 : i32
      %dma_wait3A_150 = tpu.memref_slice %arg4[%dma_wait3A_149] : memref<161280xi32, #tpu.memory_space<hbm>> -> memref<48xi32, #tpu.memory_space<hbm>>
      tpu.wait_dma2 semaphore(%arg43 : memref<!tpu.dma_semaphore, #tpu.memory_space<semaphore_mem>>) src(%dma_wait3A_150 : memref<48xi32, #tpu.memory_space<hbm>>) dst(%arg14 : memref<48xi32, #tpu.memory_space<vmem>>)
      %dma_start3A_151 = arith.constant 0 : i32
      %dma_start3A_152 = arith.constant 0 : i32
      %dma_start3A_153 = tpu.memref_slice %arg3[%dma_start3A_151, %dma_start3A_152] : memref<10000x128xf32, #tpu.memory_space<hbm>> -> memref<10000x128xf32, #tpu.memory_space<hbm>>
      tpu.enqueue_indirect_dma source(%dma_start3A_153 : memref<10000x128xf32, #tpu.memory_space<hbm>>) target(%arg28 : memref<48x128xf32, #tpu.memory_space<vmem>>) offsets(%arg14 : memref<48xi32, #tpu.memory_space<vmem>>) semaphore(%arg36 : memref<!tpu.dma_semaphore, #tpu.memory_space<semaphore_mem>>)
    } else {
    }
    %eq3A_8 = arith.constant 0 : i32
    %eq3A_9 = arith.cmpi eq, %arg0, %eq3A_8 : i32
    %convert_element_type3A_10 = arith.extui %eq3A_9 : i1 to i32
    %cond3A_11 = arith.constant 0 : i32
    %cond3A_12 = arith.cmpi ne, %convert_element_type3A_10, %cond3A_11 : i32
    scf.if %cond3A_12 {
      %lt3A = arith.constant 15 : i32
      %lt3A_39 = arith.cmpi slt, %arg1, %lt3A : i32
      %convert_element_type3A_40 = arith.extui %lt3A_39 : i1 to i32
      %cond3A_41 = arith.constant 0 : i32
      %cond3A_42 = arith.cmpi ne, %convert_element_type3A_40, %cond3A_41 : i32
      scf.if %cond3A_42 {
        %mul3A_48 = arith.constant 624 : i32
        %mul3A_49 = arith.muli %arg1, %mul3A_48 : i32
        %mul3A_50 = arith.constant 624 : i32
        %mul3A_51 = arith.muli %arg1, %mul3A_50 : i32
        "tpu.region"() ({
          %run_scoped3A = tpu.sem_alloc : memref<!tpu.dma_semaphore, #tpu.memory_space<semaphore_mem>>
          %dma_start3A = arith.constant 0 : i32
          %dma_start3A_52 = tpu.memref_slice %arg29[%mul3A_51, %dma_start3A] : memref<10016x128xf32, #tpu.memory_space<vmem_shared>> -> memref<624x128xf32, #tpu.memory_space<vmem_shared>>
          %dma_start3A_53 = arith.constant 0 : i32
          %dma_start3A_54 = tpu.memref_slice %arg2[%mul3A_49, %dma_start3A_53] : memref<10000x128xf32, #tpu.memory_space<hbm>> -> memref<624x128xf32, #tpu.memory_space<hbm>>
          tpu.enqueue_dma source(%dma_start3A_54 : memref<624x128xf32, #tpu.memory_space<hbm>>) target(%dma_start3A_52 : memref<624x128xf32, #tpu.memory_space<vmem_shared>>) target_semaphore(%run_scoped3A : memref<!tpu.dma_semaphore, #tpu.memory_space<semaphore_mem>>)
          %dma_wait3A = arith.constant 0 : i32
          %dma_wait3A_55 = tpu.memref_slice %arg29[%mul3A_51, %dma_wait3A] : memref<10016x128xf32, #tpu.memory_space<vmem_shared>> -> memref<624x128xf32, #tpu.memory_space<vmem_shared>>
          %dma_wait3A_56 = arith.constant 0 : i32
          %dma_wait3A_57 = tpu.memref_slice %arg2[%mul3A_49, %dma_wait3A_56] : memref<10000x128xf32, #tpu.memory_space<hbm>> -> memref<624x128xf32, #tpu.memory_space<hbm>>
          tpu.wait_dma2 semaphore(%run_scoped3A : memref<!tpu.dma_semaphore, #tpu.memory_space<semaphore_mem>>) src(%dma_wait3A_57 : memref<624x128xf32, #tpu.memory_space<hbm>>) dst(%dma_wait3A_55 : memref<624x128xf32, #tpu.memory_space<vmem_shared>>)
          tpu.yield
        }) : () -> ()
      } else {
      }
      %eq3A_43 = arith.constant 15 : i32
      %eq3A_44 = arith.cmpi eq, %arg1, %eq3A_43 : i32
      %convert_element_type3A_45 = arith.extui %eq3A_44 : i1 to i32
      %cond3A_46 = arith.constant 0 : i32
      %cond3A_47 = arith.cmpi ne, %convert_element_type3A_45, %cond3A_46 : i32
      scf.if %cond3A_47 {
        "tpu.region"() ({
          %run_scoped3A = tpu.sem_alloc : memref<!tpu.dma_semaphore, #tpu.memory_space<semaphore_mem>>
          %dma_start3A = arith.constant 9360 : i32
          %dma_start3A_48 = arith.constant 0 : i32
          %dma_start3A_49 = tpu.memref_slice %arg29[%dma_start3A, %dma_start3A_48] : memref<10016x128xf32, #tpu.memory_space<vmem_shared>> -> memref<640x128xf32, #tpu.memory_space<vmem_shared>>
          %dma_start3A_50 = arith.constant 9360 : i32
          %dma_start3A_51 = arith.constant 0 : i32
          %dma_start3A_52 = tpu.memref_slice %arg2[%dma_start3A_50, %dma_start3A_51] : memref<10000x128xf32, #tpu.memory_space<hbm>> -> memref<640x128xf32, #tpu.memory_space<hbm>>
          tpu.enqueue_dma source(%dma_start3A_52 : memref<640x128xf32, #tpu.memory_space<hbm>>) target(%dma_start3A_49 : memref<640x128xf32, #tpu.memory_space<vmem_shared>>) target_semaphore(%run_scoped3A : memref<!tpu.dma_semaphore, #tpu.memory_space<semaphore_mem>>)
          %dma_wait3A = arith.constant 9360 : i32
          %dma_wait3A_53 = arith.constant 0 : i32
          %dma_wait3A_54 = tpu.memref_slice %arg29[%dma_wait3A, %dma_wait3A_53] : memref<10016x128xf32, #tpu.memory_space<vmem_shared>> -> memref<640x128xf32, #tpu.memory_space<vmem_shared>>
          %dma_wait3A_55 = arith.constant 9360 : i32
          %dma_wait3A_56 = arith.constant 0 : i32
          %dma_wait3A_57 = tpu.memref_slice %arg2[%dma_wait3A_55, %dma_wait3A_56] : memref<10000x128xf32, #tpu.memory_space<hbm>> -> memref<640x128xf32, #tpu.memory_space<hbm>>
          tpu.wait_dma2 semaphore(%run_scoped3A : memref<!tpu.dma_semaphore, #tpu.memory_space<semaphore_mem>>) src(%dma_wait3A_57 : memref<640x128xf32, #tpu.memory_space<hbm>>) dst(%dma_wait3A_54 : memref<640x128xf32, #tpu.memory_space<vmem_shared>>)
          tpu.yield
        }) : () -> ()
      } else {
      }
    } else {
    }
    %eq3A_13 = arith.constant 1 : i32
    %eq3A_14 = arith.cmpi eq, %arg0, %eq3A_13 : i32
    %convert_element_type3A_15 = arith.extui %eq3A_14 : i1 to i32
    %cond3A_16 = arith.constant 0 : i32
    %cond3A_17 = arith.cmpi ne, %convert_element_type3A_15, %cond3A_16 : i32
    scf.if %cond3A_17 {
      %lt3A = arith.constant 15 : i32
      %lt3A_39 = arith.cmpi slt, %arg1, %lt3A : i32
      %convert_element_type3A_40 = arith.extui %lt3A_39 : i1 to i32
      %cond3A_41 = arith.constant 0 : i32
      %cond3A_42 = arith.cmpi ne, %convert_element_type3A_40, %cond3A_41 : i32
      scf.if %cond3A_42 {
        %mul3A_48 = arith.constant 624 : i32
        %mul3A_49 = arith.muli %arg1, %mul3A_48 : i32
        %mul3A_50 = arith.constant 624 : i32
        %mul3A_51 = arith.muli %arg1, %mul3A_50 : i32
        "tpu.region"() ({
          %run_scoped3A = tpu.sem_alloc : memref<!tpu.dma_semaphore, #tpu.memory_space<semaphore_mem>>
          %dma_start3A = arith.constant 0 : i32
          %dma_start3A_52 = tpu.memref_slice %arg29[%mul3A_51, %dma_start3A] : memref<10016x128xf32, #tpu.memory_space<vmem_shared>> -> memref<624x128xf32, #tpu.memory_space<vmem_shared>>
          %dma_start3A_53 = arith.constant 0 : i32
          %dma_start3A_54 = tpu.memref_slice %arg3[%mul3A_49, %dma_start3A_53] : memref<10000x128xf32, #tpu.memory_space<hbm>> -> memref<624x128xf32, #tpu.memory_space<hbm>>
          tpu.enqueue_dma source(%dma_start3A_54 : memref<624x128xf32, #tpu.memory_space<hbm>>) target(%dma_start3A_52 : memref<624x128xf32, #tpu.memory_space<vmem_shared>>) target_semaphore(%run_scoped3A : memref<!tpu.dma_semaphore, #tpu.memory_space<semaphore_mem>>)
          %dma_wait3A = arith.constant 0 : i32
          %dma_wait3A_55 = tpu.memref_slice %arg29[%mul3A_51, %dma_wait3A] : memref<10016x128xf32, #tpu.memory_space<vmem_shared>> -> memref<624x128xf32, #tpu.memory_space<vmem_shared>>
          %dma_wait3A_56 = arith.constant 0 : i32
          %dma_wait3A_57 = tpu.memref_slice %arg3[%mul3A_49, %dma_wait3A_56] : memref<10000x128xf32, #tpu.memory_space<hbm>> -> memref<624x128xf32, #tpu.memory_space<hbm>>
          tpu.wait_dma2 semaphore(%run_scoped3A : memref<!tpu.dma_semaphore, #tpu.memory_space<semaphore_mem>>) src(%dma_wait3A_57 : memref<624x128xf32, #tpu.memory_space<hbm>>) dst(%dma_wait3A_55 : memref<624x128xf32, #tpu.memory_space<vmem_shared>>)
          tpu.yield
        }) : () -> ()
      } else {
      }
      %eq3A_43 = arith.constant 15 : i32
      %eq3A_44 = arith.cmpi eq, %arg1, %eq3A_43 : i32
      %convert_element_type3A_45 = arith.extui %eq3A_44 : i1 to i32
      %cond3A_46 = arith.constant 0 : i32
      %cond3A_47 = arith.cmpi ne, %convert_element_type3A_45, %cond3A_46 : i32
      scf.if %cond3A_47 {
        "tpu.region"() ({
          %run_scoped3A = tpu.sem_alloc : memref<!tpu.dma_semaphore, #tpu.memory_space<semaphore_mem>>
          %dma_start3A = arith.constant 9360 : i32
          %dma_start3A_48 = arith.constant 0 : i32
          %dma_start3A_49 = tpu.memref_slice %arg29[%dma_start3A, %dma_start3A_48] : memref<10016x128xf32, #tpu.memory_space<vmem_shared>> -> memref<640x128xf32, #tpu.memory_space<vmem_shared>>
          %dma_start3A_50 = arith.constant 9360 : i32
          %dma_start3A_51 = arith.constant 0 : i32
          %dma_start3A_52 = tpu.memref_slice %arg3[%dma_start3A_50, %dma_start3A_51] : memref<10000x128xf32, #tpu.memory_space<hbm>> -> memref<640x128xf32, #tpu.memory_space<hbm>>
          tpu.enqueue_dma source(%dma_start3A_52 : memref<640x128xf32, #tpu.memory_space<hbm>>) target(%dma_start3A_49 : memref<640x128xf32, #tpu.memory_space<vmem_shared>>) target_semaphore(%run_scoped3A : memref<!tpu.dma_semaphore, #tpu.memory_space<semaphore_mem>>)
          %dma_wait3A = arith.constant 9360 : i32
          %dma_wait3A_53 = arith.constant 0 : i32
          %dma_wait3A_54 = tpu.memref_slice %arg29[%dma_wait3A, %dma_wait3A_53] : memref<10016x128xf32, #tpu.memory_space<vmem_shared>> -> memref<640x128xf32, #tpu.memory_space<vmem_shared>>
          %dma_wait3A_55 = arith.constant 9360 : i32
          %dma_wait3A_56 = arith.constant 0 : i32
          %dma_wait3A_57 = tpu.memref_slice %arg3[%dma_wait3A_55, %dma_wait3A_56] : memref<10000x128xf32, #tpu.memory_space<hbm>> -> memref<640x128xf32, #tpu.memory_space<hbm>>
          tpu.wait_dma2 semaphore(%run_scoped3A : memref<!tpu.dma_semaphore, #tpu.memory_space<semaphore_mem>>) src(%dma_wait3A_57 : memref<640x128xf32, #tpu.memory_space<hbm>>) dst(%dma_wait3A_54 : memref<640x128xf32, #tpu.memory_space<vmem_shared>>)
          tpu.yield
        }) : () -> ()
      } else {
      }
    } else {
    }
    %barrier3A = arith.constant 0 : index
    tpu.barrier barrier_id(%barrier3A)
    %eq3A_18 = arith.constant 0 : i32
    %eq3A_19 = arith.cmpi eq, %arg0, %eq3A_18 : i32
    %convert_element_type3A_20 = arith.extui %eq3A_19 : i1 to i32
    %cond3A_21 = arith.constant 0 : i32
    %cond3A_22 = arith.cmpi ne, %convert_element_type3A_20, %cond3A_21 : i32
    scf.if %cond3A_22 {
      %scan3A = arith.constant 0 : i32
      %scan3A_39 = arith.constant 0 : i32
      %scan3A_40 = arith.constant 30 : i32
      %scan3A_41 = arith.addi %scan3A_39, %scan3A_40 : i32
      %scan3A_42 = arith.constant 1 : i32
      scf.for %scan3A_44 = %scan3A_39 to %scan3A_41 step %scan3A_42  : i32 {
        %mul3A_45 = arith.constant 7 : i32
        %mul3A_46 = arith.muli %mul3A_45, %scan3A_44 : i32
        %add3A = arith.constant 0 : i32
        %add3A_47 = arith.addi %mul3A_46, %add3A : i32
        %dma_wait3A = arith.constant 0 : i32
        %dma_wait3A_48 = arith.constant 0 : i32
        %dma_wait3A_49 = tpu.memref_slice %arg2[%dma_wait3A, %dma_wait3A_48] : memref<10000x128xf32, #tpu.memory_space<hbm>> -> memref<10000x128xf32, #tpu.memory_space<hbm>>
        tpu.wait_indirect_dma semaphore(%arg30 : memref<!tpu.dma_semaphore, #tpu.memory_space<semaphore_mem>>) src(%dma_wait3A_49 : memref<10000x128xf32, #tpu.memory_space<hbm>>) dst(%arg22 : memref<48x128xf32, #tpu.memory_space<vmem>>)
        %add3A_50 = arith.constant 7 : i32
        %add3A_51 = arith.addi %add3A_47, %add3A_50 : i32
        %lt3A = arith.constant 210 : i32
        %lt3A_52 = arith.cmpi slt, %add3A_51, %lt3A : i32
        %convert_element_type3A_53 = arith.extui %lt3A_52 : i1 to i32
        %cond3A_54 = arith.constant 0 : i32
        %cond3A_55 = arith.cmpi ne, %convert_element_type3A_53, %cond3A_54 : i32
        scf.if %cond3A_55 {
          %add3A_205 = arith.constant 7 : i32
          %add3A_206 = arith.addi %add3A_47, %add3A_205 : i32
          %mul3A_207 = arith.constant 48 : i32
          %mul3A_208 = arith.muli %add3A_206, %mul3A_207 : i32
          %add3A_209 = arith.addi %mul3A_0, %mul3A_208 : i32
          %multiple_of3A = tpu.assume_multiple %add3A_209, 48 : i32
          %dma_start3A = tpu.memref_slice %arg4[%multiple_of3A] : memref<161280xi32, #tpu.memory_space<hbm>> -> memref<48xi32, #tpu.memory_space<hbm>>
          %dma_start3A_210 = tpu.memref_slice %arg4[%multiple_of3A] : memref<161280xi32, #tpu.memory_space<hbm>> -> memref<48xi32, #tpu.memory_space<hbm>>
          tpu.enqueue_dma source(%dma_start3A_210 : memref<48xi32, #tpu.memory_space<hbm>>) target(%arg8 : memref<48xi32, #tpu.memory_space<vmem>>) target_semaphore(%arg37 : memref<!tpu.dma_semaphore, #tpu.memory_space<semaphore_mem>>)
        } else {
        }
        %dma_wait3A_56 = arith.constant 0 : i32
        %dma_wait3A_57 = tpu.memref_slice %arg5[%dma_wait3A_56] : memref<161280xi32, #tpu.memory_space<hbm>> -> memref<48xi32, #tpu.memory_space<hbm>>
        %dma_wait3A_58 = arith.constant 0 : i32
        %dma_wait3A_59 = tpu.memref_slice %arg5[%dma_wait3A_58] : memref<161280xi32, #tpu.memory_space<hbm>> -> memref<48xi32, #tpu.memory_space<hbm>>
        tpu.wait_dma2 semaphore(%arg44 : memref<!tpu.dma_semaphore, #tpu.memory_space<semaphore_mem>>) src(%dma_wait3A_59 : memref<48xi32, #tpu.memory_space<hbm>>) dst(%arg15 : memref<48xi32, #tpu.memory_space<vmem>>)
        "tpu.region"() ({
          %run_scoped3A = tpu.sem_alloc : memref<!tpu.dma_semaphore, #tpu.memory_space<semaphore_mem>>
          %dma_start3A = arith.constant 0 : i32
          %dma_start3A_205 = arith.constant 0 : i32
          %dma_start3A_206 = tpu.memref_slice %arg29[%dma_start3A, %dma_start3A_205] : memref<10016x128xf32, #tpu.memory_space<vmem_shared>> -> memref<10016x128xf32, #tpu.memory_space<vmem_shared>>
          tpu.enqueue_indirect_dma source(%arg22 : memref<48x128xf32, #tpu.memory_space<vmem>>) target(%dma_start3A_206 : memref<10016x128xf32, #tpu.memory_space<vmem_shared>>) offsets(%arg15 : memref<48xi32, #tpu.memory_space<vmem>>) semaphore(%run_scoped3A : memref<!tpu.dma_semaphore, #tpu.memory_space<semaphore_mem>>) {add = true}
          %dma_wait3A_207 = arith.constant 0 : i32
          %dma_wait3A_208 = arith.constant 0 : i32
          %dma_wait3A_209 = tpu.memref_slice %arg29[%dma_wait3A_207, %dma_wait3A_208] : memref<10016x128xf32, #tpu.memory_space<vmem_shared>> -> memref<10016x128xf32, #tpu.memory_space<vmem_shared>>
          tpu.wait_indirect_dma semaphore(%run_scoped3A : memref<!tpu.dma_semaphore, #tpu.memory_space<semaphore_mem>>) src(%arg22 : memref<48x128xf32, #tpu.memory_space<vmem>>) dst(%dma_wait3A_209 : memref<10016x128xf32, #tpu.memory_space<vmem_shared>>)
          tpu.yield
        }) : () -> ()
        %add3A_60 = arith.constant 7 : i32
        %add3A_61 = arith.addi %add3A_47, %add3A_60 : i32
        %lt3A_62 = arith.constant 210 : i32
        %lt3A_63 = arith.cmpi slt, %add3A_61, %lt3A_62 : i32
        %convert_element_type3A_64 = arith.extui %lt3A_63 : i1 to i32
        %cond3A_65 = arith.constant 0 : i32
        %cond3A_66 = arith.cmpi ne, %convert_element_type3A_64, %cond3A_65 : i32
        scf.if %cond3A_66 {
          %dma_wait3A_205 = arith.constant 0 : i32
          %dma_wait3A_206 = tpu.memref_slice %arg4[%dma_wait3A_205] : memref<161280xi32, #tpu.memory_space<hbm>> -> memref<48xi32, #tpu.memory_space<hbm>>
          %dma_wait3A_207 = arith.constant 0 : i32
          %dma_wait3A_208 = tpu.memref_slice %arg4[%dma_wait3A_207] : memref<161280xi32, #tpu.memory_space<hbm>> -> memref<48xi32, #tpu.memory_space<hbm>>
          tpu.wait_dma2 semaphore(%arg37 : memref<!tpu.dma_semaphore, #tpu.memory_space<semaphore_mem>>) src(%dma_wait3A_208 : memref<48xi32, #tpu.memory_space<hbm>>) dst(%arg8 : memref<48xi32, #tpu.memory_space<vmem>>)
          %dma_start3A = arith.constant 0 : i32
          %dma_start3A_209 = arith.constant 0 : i32
          %dma_start3A_210 = tpu.memref_slice %arg2[%dma_start3A, %dma_start3A_209] : memref<10000x128xf32, #tpu.memory_space<hbm>> -> memref<10000x128xf32, #tpu.memory_space<hbm>>
          tpu.enqueue_indirect_dma source(%dma_start3A_210 : memref<10000x128xf32, #tpu.memory_space<hbm>>) target(%arg22 : memref<48x128xf32, #tpu.memory_space<vmem>>) offsets(%arg8 : memref<48xi32, #tpu.memory_space<vmem>>) semaphore(%arg30 : memref<!tpu.dma_semaphore, #tpu.memory_space<semaphore_mem>>)
          %add3A_211 = arith.constant 7 : i32
          %add3A_212 = arith.addi %add3A_47, %add3A_211 : i32
          %mul3A_213 = arith.constant 48 : i32
          %mul3A_214 = arith.muli %add3A_212, %mul3A_213 : i32
          %add3A_215 = arith.addi %mul3A_0, %mul3A_214 : i32
          %multiple_of3A = tpu.assume_multiple %add3A_215, 48 : i32
          %dma_start3A_216 = tpu.memref_slice %arg5[%multiple_of3A] : memref<161280xi32, #tpu.memory_space<hbm>> -> memref<48xi32, #tpu.memory_space<hbm>>
          %dma_start3A_217 = tpu.memref_slice %arg5[%multiple_of3A] : memref<161280xi32, #tpu.memory_space<hbm>> -> memref<48xi32, #tpu.memory_space<hbm>>
          tpu.enqueue_dma source(%dma_start3A_217 : memref<48xi32, #tpu.memory_space<hbm>>) target(%arg15 : memref<48xi32, #tpu.memory_space<vmem>>) target_semaphore(%arg44 : memref<!tpu.dma_semaphore, #tpu.memory_space<semaphore_mem>>)
        } else {
        }
        %add3A_67 = arith.constant 1 : i32
        %add3A_68 = arith.addi %mul3A_46, %add3A_67 : i32
        %dma_wait3A_69 = arith.constant 0 : i32
        %dma_wait3A_70 = arith.constant 0 : i32
        %dma_wait3A_71 = tpu.memref_slice %arg2[%dma_wait3A_69, %dma_wait3A_70] : memref<10000x128xf32, #tpu.memory_space<hbm>> -> memref<10000x128xf32, #tpu.memory_space<hbm>>
        tpu.wait_indirect_dma semaphore(%arg31 : memref<!tpu.dma_semaphore, #tpu.memory_space<semaphore_mem>>) src(%dma_wait3A_71 : memref<10000x128xf32, #tpu.memory_space<hbm>>) dst(%arg23 : memref<48x128xf32, #tpu.memory_space<vmem>>)
        %add3A_72 = arith.constant 7 : i32
        %add3A_73 = arith.addi %add3A_68, %add3A_72 : i32
        %lt3A_74 = arith.constant 210 : i32
        %lt3A_75 = arith.cmpi slt, %add3A_73, %lt3A_74 : i32
        %convert_element_type3A_76 = arith.extui %lt3A_75 : i1 to i32
        %cond3A_77 = arith.constant 0 : i32
        %cond3A_78 = arith.cmpi ne, %convert_element_type3A_76, %cond3A_77 : i32
        scf.if %cond3A_78 {
          %add3A_205 = arith.constant 7 : i32
          %add3A_206 = arith.addi %add3A_68, %add3A_205 : i32
          %mul3A_207 = arith.constant 48 : i32
          %mul3A_208 = arith.muli %add3A_206, %mul3A_207 : i32
          %add3A_209 = arith.addi %mul3A_0, %mul3A_208 : i32
          %multiple_of3A = tpu.assume_multiple %add3A_209, 48 : i32
          %dma_start3A = tpu.memref_slice %arg4[%multiple_of3A] : memref<161280xi32, #tpu.memory_space<hbm>> -> memref<48xi32, #tpu.memory_space<hbm>>
          %dma_start3A_210 = tpu.memref_slice %arg4[%multiple_of3A] : memref<161280xi32, #tpu.memory_space<hbm>> -> memref<48xi32, #tpu.memory_space<hbm>>
          tpu.enqueue_dma source(%dma_start3A_210 : memref<48xi32, #tpu.memory_space<hbm>>) target(%arg9 : memref<48xi32, #tpu.memory_space<vmem>>) target_semaphore(%arg38 : memref<!tpu.dma_semaphore, #tpu.memory_space<semaphore_mem>>)
        } else {
        }
        %dma_wait3A_79 = arith.constant 0 : i32
        %dma_wait3A_80 = tpu.memref_slice %arg5[%dma_wait3A_79] : memref<161280xi32, #tpu.memory_space<hbm>> -> memref<48xi32, #tpu.memory_space<hbm>>
        %dma_wait3A_81 = arith.constant 0 : i32
        %dma_wait3A_82 = tpu.memref_slice %arg5[%dma_wait3A_81] : memref<161280xi32, #tpu.memory_space<hbm>> -> memref<48xi32, #tpu.memory_space<hbm>>
        tpu.wait_dma2 semaphore(%arg45 : memref<!tpu.dma_semaphore, #tpu.memory_space<semaphore_mem>>) src(%dma_wait3A_82 : memref<48xi32, #tpu.memory_space<hbm>>) dst(%arg16 : memref<48xi32, #tpu.memory_space<vmem>>)
        "tpu.region"() ({
          %run_scoped3A = tpu.sem_alloc : memref<!tpu.dma_semaphore, #tpu.memory_space<semaphore_mem>>
          %dma_start3A = arith.constant 0 : i32
          %dma_start3A_205 = arith.constant 0 : i32
          %dma_start3A_206 = tpu.memref_slice %arg29[%dma_start3A, %dma_start3A_205] : memref<10016x128xf32, #tpu.memory_space<vmem_shared>> -> memref<10016x128xf32, #tpu.memory_space<vmem_shared>>
          tpu.enqueue_indirect_dma source(%arg23 : memref<48x128xf32, #tpu.memory_space<vmem>>) target(%dma_start3A_206 : memref<10016x128xf32, #tpu.memory_space<vmem_shared>>) offsets(%arg16 : memref<48xi32, #tpu.memory_space<vmem>>) semaphore(%run_scoped3A : memref<!tpu.dma_semaphore, #tpu.memory_space<semaphore_mem>>) {add = true}
          %dma_wait3A_207 = arith.constant 0 : i32
          %dma_wait3A_208 = arith.constant 0 : i32
          %dma_wait3A_209 = tpu.memref_slice %arg29[%dma_wait3A_207, %dma_wait3A_208] : memref<10016x128xf32, #tpu.memory_space<vmem_shared>> -> memref<10016x128xf32, #tpu.memory_space<vmem_shared>>
          tpu.wait_indirect_dma semaphore(%run_scoped3A : memref<!tpu.dma_semaphore, #tpu.memory_space<semaphore_mem>>) src(%arg23 : memref<48x128xf32, #tpu.memory_space<vmem>>) dst(%dma_wait3A_209 : memref<10016x128xf32, #tpu.memory_space<vmem_shared>>)
          tpu.yield
        }) : () -> ()
        %add3A_83 = arith.constant 7 : i32
        %add3A_84 = arith.addi %add3A_68, %add3A_83 : i32
        %lt3A_85 = arith.constant 210 : i32
        %lt3A_86 = arith.cmpi slt, %add3A_84, %lt3A_85 : i32
        %convert_element_type3A_87 = arith.extui %lt3A_86 : i1 to i32
        %cond3A_88 = arith.constant 0 : i32
        %cond3A_89 = arith.cmpi ne, %convert_element_type3A_87, %cond3A_88 : i32
        scf.if %cond3A_89 {
          %dma_wait3A_205 = arith.constant 0 : i32
          %dma_wait3A_206 = tpu.memref_slice %arg4[%dma_wait3A_205] : memref<161280xi32, #tpu.memory_space<hbm>> -> memref<48xi32, #tpu.memory_space<hbm>>
          %dma_wait3A_207 = arith.constant 0 : i32
          %dma_wait3A_208 = tpu.memref_slice %arg4[%dma_wait3A_207] : memref<161280xi32, #tpu.memory_space<hbm>> -> memref<48xi32, #tpu.memory_space<hbm>>
          tpu.wait_dma2 semaphore(%arg38 : memref<!tpu.dma_semaphore, #tpu.memory_space<semaphore_mem>>) src(%dma_wait3A_208 : memref<48xi32, #tpu.memory_space<hbm>>) dst(%arg9 : memref<48xi32, #tpu.memory_space<vmem>>)
          %dma_start3A = arith.constant 0 : i32
          %dma_start3A_209 = arith.constant 0 : i32
          %dma_start3A_210 = tpu.memref_slice %arg2[%dma_start3A, %dma_start3A_209] : memref<10000x128xf32, #tpu.memory_space<hbm>> -> memref<10000x128xf32, #tpu.memory_space<hbm>>
          tpu.enqueue_indirect_dma source(%dma_start3A_210 : memref<10000x128xf32, #tpu.memory_space<hbm>>) target(%arg23 : memref<48x128xf32, #tpu.memory_space<vmem>>) offsets(%arg9 : memref<48xi32, #tpu.memory_space<vmem>>) semaphore(%arg31 : memref<!tpu.dma_semaphore, #tpu.memory_space<semaphore_mem>>)
          %add3A_211 = arith.constant 7 : i32
          %add3A_212 = arith.addi %add3A_68, %add3A_211 : i32
          %mul3A_213 = arith.constant 48 : i32
          %mul3A_214 = arith.muli %add3A_212, %mul3A_213 : i32
          %add3A_215 = arith.addi %mul3A_0, %mul3A_214 : i32
          %multiple_of3A = tpu.assume_multiple %add3A_215, 48 : i32
          %dma_start3A_216 = tpu.memref_slice %arg5[%multiple_of3A] : memref<161280xi32, #tpu.memory_space<hbm>> -> memref<48xi32, #tpu.memory_space<hbm>>
          %dma_start3A_217 = tpu.memref_slice %arg5[%multiple_of3A] : memref<161280xi32, #tpu.memory_space<hbm>> -> memref<48xi32, #tpu.memory_space<hbm>>
          tpu.enqueue_dma source(%dma_start3A_217 : memref<48xi32, #tpu.memory_space<hbm>>) target(%arg16 : memref<48xi32, #tpu.memory_space<vmem>>) target_semaphore(%arg45 : memref<!tpu.dma_semaphore, #tpu.memory_space<semaphore_mem>>)
        } else {
        }
        %add3A_90 = arith.constant 2 : i32
        %add3A_91 = arith.addi %mul3A_46, %add3A_90 : i32
        %dma_wait3A_92 = arith.constant 0 : i32
        %dma_wait3A_93 = arith.constant 0 : i32
        %dma_wait3A_94 = tpu.memref_slice %arg2[%dma_wait3A_92, %dma_wait3A_93] : memref<10000x128xf32, #tpu.memory_space<hbm>> -> memref<10000x128xf32, #tpu.memory_space<hbm>>
        tpu.wait_indirect_dma semaphore(%arg32 : memref<!tpu.dma_semaphore, #tpu.memory_space<semaphore_mem>>) src(%dma_wait3A_94 : memref<10000x128xf32, #tpu.memory_space<hbm>>) dst(%arg24 : memref<48x128xf32, #tpu.memory_space<vmem>>)
        %add3A_95 = arith.constant 7 : i32
        %add3A_96 = arith.addi %add3A_91, %add3A_95 : i32
        %lt3A_97 = arith.constant 210 : i32
        %lt3A_98 = arith.cmpi slt, %add3A_96, %lt3A_97 : i32
        %convert_element_type3A_99 = arith.extui %lt3A_98 : i1 to i32
        %cond3A_100 = arith.constant 0 : i32
        %cond3A_101 = arith.cmpi ne, %convert_element_type3A_99, %cond3A_100 : i32
        scf.if %cond3A_101 {
          %add3A_205 = arith.constant 7 : i32
          %add3A_206 = arith.addi %add3A_91, %add3A_205 : i32
          %mul3A_207 = arith.constant 48 : i32
          %mul3A_208 = arith.muli %add3A_206, %mul3A_207 : i32
          %add3A_209 = arith.addi %mul3A_0, %mul3A_208 : i32
          %multiple_of3A = tpu.assume_multiple %add3A_209, 48 : i32
          %dma_start3A = tpu.memref_slice %arg4[%multiple_of3A] : memref<161280xi32, #tpu.memory_space<hbm>> -> memref<48xi32, #tpu.memory_space<hbm>>
          %dma_start3A_210 = tpu.memref_slice %arg4[%multiple_of3A] : memref<161280xi32, #tpu.memory_space<hbm>> -> memref<48xi32, #tpu.memory_space<hbm>>
          tpu.enqueue_dma source(%dma_start3A_210 : memref<48xi32, #tpu.memory_space<hbm>>) target(%arg10 : memref<48xi32, #tpu.memory_space<vmem>>) target_semaphore(%arg39 : memref<!tpu.dma_semaphore, #tpu.memory_space<semaphore_mem>>)
        } else {
        }
        %dma_wait3A_102 = arith.constant 0 : i32
        %dma_wait3A_103 = tpu.memref_slice %arg5[%dma_wait3A_102] : memref<161280xi32, #tpu.memory_space<hbm>> -> memref<48xi32, #tpu.memory_space<hbm>>
        %dma_wait3A_104 = arith.constant 0 : i32
        %dma_wait3A_105 = tpu.memref_slice %arg5[%dma_wait3A_104] : memref<161280xi32, #tpu.memory_space<hbm>> -> memref<48xi32, #tpu.memory_space<hbm>>
        tpu.wait_dma2 semaphore(%arg46 : memref<!tpu.dma_semaphore, #tpu.memory_space<semaphore_mem>>) src(%dma_wait3A_105 : memref<48xi32, #tpu.memory_space<hbm>>) dst(%arg17 : memref<48xi32, #tpu.memory_space<vmem>>)
        "tpu.region"() ({
          %run_scoped3A = tpu.sem_alloc : memref<!tpu.dma_semaphore, #tpu.memory_space<semaphore_mem>>
          %dma_start3A = arith.constant 0 : i32
          %dma_start3A_205 = arith.constant 0 : i32
          %dma_start3A_206 = tpu.memref_slice %arg29[%dma_start3A, %dma_start3A_205] : memref<10016x128xf32, #tpu.memory_space<vmem_shared>> -> memref<10016x128xf32, #tpu.memory_space<vmem_shared>>
          tpu.enqueue_indirect_dma source(%arg24 : memref<48x128xf32, #tpu.memory_space<vmem>>) target(%dma_start3A_206 : memref<10016x128xf32, #tpu.memory_space<vmem_shared>>) offsets(%arg17 : memref<48xi32, #tpu.memory_space<vmem>>) semaphore(%run_scoped3A : memref<!tpu.dma_semaphore, #tpu.memory_space<semaphore_mem>>) {add = true}
          %dma_wait3A_207 = arith.constant 0 : i32
          %dma_wait3A_208 = arith.constant 0 : i32
          %dma_wait3A_209 = tpu.memref_slice %arg29[%dma_wait3A_207, %dma_wait3A_208] : memref<10016x128xf32, #tpu.memory_space<vmem_shared>> -> memref<10016x128xf32, #tpu.memory_space<vmem_shared>>
          tpu.wait_indirect_dma semaphore(%run_scoped3A : memref<!tpu.dma_semaphore, #tpu.memory_space<semaphore_mem>>) src(%arg24 : memref<48x128xf32, #tpu.memory_space<vmem>>) dst(%dma_wait3A_209 : memref<10016x128xf32, #tpu.memory_space<vmem_shared>>)
          tpu.yield
        }) : () -> ()
        %add3A_106 = arith.constant 7 : i32
        %add3A_107 = arith.addi %add3A_91, %add3A_106 : i32
        %lt3A_108 = arith.constant 210 : i32
        %lt3A_109 = arith.cmpi slt, %add3A_107, %lt3A_108 : i32
        %convert_element_type3A_110 = arith.extui %lt3A_109 : i1 to i32
        %cond3A_111 = arith.constant 0 : i32
        %cond3A_112 = arith.cmpi ne, %convert_element_type3A_110, %cond3A_111 : i32
        scf.if %cond3A_112 {
          %dma_wait3A_205 = arith.constant 0 : i32
          %dma_wait3A_206 = tpu.memref_slice %arg4[%dma_wait3A_205] : memref<161280xi32, #tpu.memory_space<hbm>> -> memref<48xi32, #tpu.memory_space<hbm>>
          %dma_wait3A_207 = arith.constant 0 : i32
          %dma_wait3A_208 = tpu.memref_slice %arg4[%dma_wait3A_207] : memref<161280xi32, #tpu.memory_space<hbm>> -> memref<48xi32, #tpu.memory_space<hbm>>
          tpu.wait_dma2 semaphore(%arg39 : memref<!tpu.dma_semaphore, #tpu.memory_space<semaphore_mem>>) src(%dma_wait3A_208 : memref<48xi32, #tpu.memory_space<hbm>>) dst(%arg10 : memref<48xi32, #tpu.memory_space<vmem>>)
          %dma_start3A = arith.constant 0 : i32
          %dma_start3A_209 = arith.constant 0 : i32
          %dma_start3A_210 = tpu.memref_slice %arg2[%dma_start3A, %dma_start3A_209] : memref<10000x128xf32, #tpu.memory_space<hbm>> -> memref<10000x128xf32, #tpu.memory_space<hbm>>
          tpu.enqueue_indirect_dma source(%dma_start3A_210 : memref<10000x128xf32, #tpu.memory_space<hbm>>) target(%arg24 : memref<48x128xf32, #tpu.memory_space<vmem>>) offsets(%arg10 : memref<48xi32, #tpu.memory_space<vmem>>) semaphore(%arg32 : memref<!tpu.dma_semaphore, #tpu.memory_space<semaphore_mem>>)
          %add3A_211 = arith.constant 7 : i32
          %add3A_212 = arith.addi %add3A_91, %add3A_211 : i32
          %mul3A_213 = arith.constant 48 : i32
          %mul3A_214 = arith.muli %add3A_212, %mul3A_213 : i32
          %add3A_215 = arith.addi %mul3A_0, %mul3A_214 : i32
          %multiple_of3A = tpu.assume_multiple %add3A_215, 48 : i32
          %dma_start3A_216 = tpu.memref_slice %arg5[%multiple_of3A] : memref<161280xi32, #tpu.memory_space<hbm>> -> memref<48xi32, #tpu.memory_space<hbm>>
          %dma_start3A_217 = tpu.memref_slice %arg5[%multiple_of3A] : memref<161280xi32, #tpu.memory_space<hbm>> -> memref<48xi32, #tpu.memory_space<hbm>>
          tpu.enqueue_dma source(%dma_start3A_217 : memref<48xi32, #tpu.memory_space<hbm>>) target(%arg17 : memref<48xi32, #tpu.memory_space<vmem>>) target_semaphore(%arg46 : memref<!tpu.dma_semaphore, #tpu.memory_space<semaphore_mem>>)
        } else {
        }
        %add3A_113 = arith.constant 3 : i32
        %add3A_114 = arith.addi %mul3A_46, %add3A_113 : i32
        %dma_wait3A_115 = arith.constant 0 : i32
        %dma_wait3A_116 = arith.constant 0 : i32
        %dma_wait3A_117 = tpu.memref_slice %arg2[%dma_wait3A_115, %dma_wait3A_116] : memref<10000x128xf32, #tpu.memory_space<hbm>> -> memref<10000x128xf32, #tpu.memory_space<hbm>>
        tpu.wait_indirect_dma semaphore(%arg33 : memref<!tpu.dma_semaphore, #tpu.memory_space<semaphore_mem>>) src(%dma_wait3A_117 : memref<10000x128xf32, #tpu.memory_space<hbm>>) dst(%arg25 : memref<48x128xf32, #tpu.memory_space<vmem>>)
        %add3A_118 = arith.constant 7 : i32
        %add3A_119 = arith.addi %add3A_114, %add3A_118 : i32
        %lt3A_120 = arith.constant 210 : i32
        %lt3A_121 = arith.cmpi slt, %add3A_119, %lt3A_120 : i32
        %convert_element_type3A_122 = arith.extui %lt3A_121 : i1 to i32
        %cond3A_123 = arith.constant 0 : i32
        %cond3A_124 = arith.cmpi ne, %convert_element_type3A_122, %cond3A_123 : i32
        scf.if %cond3A_124 {
          %add3A_205 = arith.constant 7 : i32
          %add3A_206 = arith.addi %add3A_114, %add3A_205 : i32
          %mul3A_207 = arith.constant 48 : i32
          %mul3A_208 = arith.muli %add3A_206, %mul3A_207 : i32
          %add3A_209 = arith.addi %mul3A_0, %mul3A_208 : i32
          %multiple_of3A = tpu.assume_multiple %add3A_209, 48 : i32
          %dma_start3A = tpu.memref_slice %arg4[%multiple_of3A] : memref<161280xi32, #tpu.memory_space<hbm>> -> memref<48xi32, #tpu.memory_space<hbm>>
          %dma_start3A_210 = tpu.memref_slice %arg4[%multiple_of3A] : memref<161280xi32, #tpu.memory_space<hbm>> -> memref<48xi32, #tpu.memory_space<hbm>>
          tpu.enqueue_dma source(%dma_start3A_210 : memref<48xi32, #tpu.memory_space<hbm>>) target(%arg11 : memref<48xi32, #tpu.memory_space<vmem>>) target_semaphore(%arg40 : memref<!tpu.dma_semaphore, #tpu.memory_space<semaphore_mem>>)
        } else {
        }
        %dma_wait3A_125 = arith.constant 0 : i32
        %dma_wait3A_126 = tpu.memref_slice %arg5[%dma_wait3A_125] : memref<161280xi32, #tpu.memory_space<hbm>> -> memref<48xi32, #tpu.memory_space<hbm>>
        %dma_wait3A_127 = arith.constant 0 : i32
        %dma_wait3A_128 = tpu.memref_slice %arg5[%dma_wait3A_127] : memref<161280xi32, #tpu.memory_space<hbm>> -> memref<48xi32, #tpu.memory_space<hbm>>
        tpu.wait_dma2 semaphore(%arg47 : memref<!tpu.dma_semaphore, #tpu.memory_space<semaphore_mem>>) src(%dma_wait3A_128 : memref<48xi32, #tpu.memory_space<hbm>>) dst(%arg18 : memref<48xi32, #tpu.memory_space<vmem>>)
        "tpu.region"() ({
          %run_scoped3A = tpu.sem_alloc : memref<!tpu.dma_semaphore, #tpu.memory_space<semaphore_mem>>
          %dma_start3A = arith.constant 0 : i32
          %dma_start3A_205 = arith.constant 0 : i32
          %dma_start3A_206 = tpu.memref_slice %arg29[%dma_start3A, %dma_start3A_205] : memref<10016x128xf32, #tpu.memory_space<vmem_shared>> -> memref<10016x128xf32, #tpu.memory_space<vmem_shared>>
          tpu.enqueue_indirect_dma source(%arg25 : memref<48x128xf32, #tpu.memory_space<vmem>>) target(%dma_start3A_206 : memref<10016x128xf32, #tpu.memory_space<vmem_shared>>) offsets(%arg18 : memref<48xi32, #tpu.memory_space<vmem>>) semaphore(%run_scoped3A : memref<!tpu.dma_semaphore, #tpu.memory_space<semaphore_mem>>) {add = true}
          %dma_wait3A_207 = arith.constant 0 : i32
          %dma_wait3A_208 = arith.constant 0 : i32
          %dma_wait3A_209 = tpu.memref_slice %arg29[%dma_wait3A_207, %dma_wait3A_208] : memref<10016x128xf32, #tpu.memory_space<vmem_shared>> -> memref<10016x128xf32, #tpu.memory_space<vmem_shared>>
          tpu.wait_indirect_dma semaphore(%run_scoped3A : memref<!tpu.dma_semaphore, #tpu.memory_space<semaphore_mem>>) src(%arg25 : memref<48x128xf32, #tpu.memory_space<vmem>>) dst(%dma_wait3A_209 : memref<10016x128xf32, #tpu.memory_space<vmem_shared>>)
          tpu.yield
        }) : () -> ()
        %add3A_129 = arith.constant 7 : i32
        %add3A_130 = arith.addi %add3A_114, %add3A_129 : i32
        %lt3A_131 = arith.constant 210 : i32
        %lt3A_132 = arith.cmpi slt, %add3A_130, %lt3A_131 : i32
        %convert_element_type3A_133 = arith.extui %lt3A_132 : i1 to i32
        %cond3A_134 = arith.constant 0 : i32
        %cond3A_135 = arith.cmpi ne, %convert_element_type3A_133, %cond3A_134 : i32
        scf.if %cond3A_135 {
          %dma_wait3A_205 = arith.constant 0 : i32
          %dma_wait3A_206 = tpu.memref_slice %arg4[%dma_wait3A_205] : memref<161280xi32, #tpu.memory_space<hbm>> -> memref<48xi32, #tpu.memory_space<hbm>>
          %dma_wait3A_207 = arith.constant 0 : i32
          %dma_wait3A_208 = tpu.memref_slice %arg4[%dma_wait3A_207] : memref<161280xi32, #tpu.memory_space<hbm>> -> memref<48xi32, #tpu.memory_space<hbm>>
          tpu.wait_dma2 semaphore(%arg40 : memref<!tpu.dma_semaphore, #tpu.memory_space<semaphore_mem>>) src(%dma_wait3A_208 : memref<48xi32, #tpu.memory_space<hbm>>) dst(%arg11 : memref<48xi32, #tpu.memory_space<vmem>>)
          %dma_start3A = arith.constant 0 : i32
          %dma_start3A_209 = arith.constant 0 : i32
          %dma_start3A_210 = tpu.memref_slice %arg2[%dma_start3A, %dma_start3A_209] : memref<10000x128xf32, #tpu.memory_space<hbm>> -> memref<10000x128xf32, #tpu.memory_space<hbm>>
          tpu.enqueue_indirect_dma source(%dma_start3A_210 : memref<10000x128xf32, #tpu.memory_space<hbm>>) target(%arg25 : memref<48x128xf32, #tpu.memory_space<vmem>>) offsets(%arg11 : memref<48xi32, #tpu.memory_space<vmem>>) semaphore(%arg33 : memref<!tpu.dma_semaphore, #tpu.memory_space<semaphore_mem>>)
          %add3A_211 = arith.constant 7 : i32
          %add3A_212 = arith.addi %add3A_114, %add3A_211 : i32
          %mul3A_213 = arith.constant 48 : i32
          %mul3A_214 = arith.muli %add3A_212, %mul3A_213 : i32
          %add3A_215 = arith.addi %mul3A_0, %mul3A_214 : i32
          %multiple_of3A = tpu.assume_multiple %add3A_215, 48 : i32
          %dma_start3A_216 = tpu.memref_slice %arg5[%multiple_of3A] : memref<161280xi32, #tpu.memory_space<hbm>> -> memref<48xi32, #tpu.memory_space<hbm>>
          %dma_start3A_217 = tpu.memref_slice %arg5[%multiple_of3A] : memref<161280xi32, #tpu.memory_space<hbm>> -> memref<48xi32, #tpu.memory_space<hbm>>
          tpu.enqueue_dma source(%dma_start3A_217 : memref<48xi32, #tpu.memory_space<hbm>>) target(%arg18 : memref<48xi32, #tpu.memory_space<vmem>>) target_semaphore(%arg47 : memref<!tpu.dma_semaphore, #tpu.memory_space<semaphore_mem>>)
        } else {
        }
        %add3A_136 = arith.constant 4 : i32
        %add3A_137 = arith.addi %mul3A_46, %add3A_136 : i32
        %dma_wait3A_138 = arith.constant 0 : i32
        %dma_wait3A_139 = arith.constant 0 : i32
        %dma_wait3A_140 = tpu.memref_slice %arg2[%dma_wait3A_138, %dma_wait3A_139] : memref<10000x128xf32, #tpu.memory_space<hbm>> -> memref<10000x128xf32, #tpu.memory_space<hbm>>
        tpu.wait_indirect_dma semaphore(%arg34 : memref<!tpu.dma_semaphore, #tpu.memory_space<semaphore_mem>>) src(%dma_wait3A_140 : memref<10000x128xf32, #tpu.memory_space<hbm>>) dst(%arg26 : memref<48x128xf32, #tpu.memory_space<vmem>>)
        %add3A_141 = arith.constant 7 : i32
        %add3A_142 = arith.addi %add3A_137, %add3A_141 : i32
        %lt3A_143 = arith.constant 210 : i32
        %lt3A_144 = arith.cmpi slt, %add3A_142, %lt3A_143 : i32
        %convert_element_type3A_145 = arith.extui %lt3A_144 : i1 to i32
        %cond3A_146 = arith.constant 0 : i32
        %cond3A_147 = arith.cmpi ne, %convert_element_type3A_145, %cond3A_146 : i32
        scf.if %cond3A_147 {
          %add3A_205 = arith.constant 7 : i32
          %add3A_206 = arith.addi %add3A_137, %add3A_205 : i32
          %mul3A_207 = arith.constant 48 : i32
          %mul3A_208 = arith.muli %add3A_206, %mul3A_207 : i32
          %add3A_209 = arith.addi %mul3A_0, %mul3A_208 : i32
          %multiple_of3A = tpu.assume_multiple %add3A_209, 48 : i32
          %dma_start3A = tpu.memref_slice %arg4[%multiple_of3A] : memref<161280xi32, #tpu.memory_space<hbm>> -> memref<48xi32, #tpu.memory_space<hbm>>
          %dma_start3A_210 = tpu.memref_slice %arg4[%multiple_of3A] : memref<161280xi32, #tpu.memory_space<hbm>> -> memref<48xi32, #tpu.memory_space<hbm>>
          tpu.enqueue_dma source(%dma_start3A_210 : memref<48xi32, #tpu.memory_space<hbm>>) target(%arg12 : memref<48xi32, #tpu.memory_space<vmem>>) target_semaphore(%arg41 : memref<!tpu.dma_semaphore, #tpu.memory_space<semaphore_mem>>)
        } else {
        }
        %dma_wait3A_148 = arith.constant 0 : i32
        %dma_wait3A_149 = tpu.memref_slice %arg5[%dma_wait3A_148] : memref<161280xi32, #tpu.memory_space<hbm>> -> memref<48xi32, #tpu.memory_space<hbm>>
        %dma_wait3A_150 = arith.constant 0 : i32
        %dma_wait3A_151 = tpu.memref_slice %arg5[%dma_wait3A_150] : memref<161280xi32, #tpu.memory_space<hbm>> -> memref<48xi32, #tpu.memory_space<hbm>>
        tpu.wait_dma2 semaphore(%arg48 : memref<!tpu.dma_semaphore, #tpu.memory_space<semaphore_mem>>) src(%dma_wait3A_151 : memref<48xi32, #tpu.memory_space<hbm>>) dst(%arg19 : memref<48xi32, #tpu.memory_space<vmem>>)
        "tpu.region"() ({
          %run_scoped3A = tpu.sem_alloc : memref<!tpu.dma_semaphore, #tpu.memory_space<semaphore_mem>>
          %dma_start3A = arith.constant 0 : i32
          %dma_start3A_205 = arith.constant 0 : i32
          %dma_start3A_206 = tpu.memref_slice %arg29[%dma_start3A, %dma_start3A_205] : memref<10016x128xf32, #tpu.memory_space<vmem_shared>> -> memref<10016x128xf32, #tpu.memory_space<vmem_shared>>
          tpu.enqueue_indirect_dma source(%arg26 : memref<48x128xf32, #tpu.memory_space<vmem>>) target(%dma_start3A_206 : memref<10016x128xf32, #tpu.memory_space<vmem_shared>>) offsets(%arg19 : memref<48xi32, #tpu.memory_space<vmem>>) semaphore(%run_scoped3A : memref<!tpu.dma_semaphore, #tpu.memory_space<semaphore_mem>>) {add = true}
          %dma_wait3A_207 = arith.constant 0 : i32
          %dma_wait3A_208 = arith.constant 0 : i32
          %dma_wait3A_209 = tpu.memref_slice %arg29[%dma_wait3A_207, %dma_wait3A_208] : memref<10016x128xf32, #tpu.memory_space<vmem_shared>> -> memref<10016x128xf32, #tpu.memory_space<vmem_shared>>
          tpu.wait_indirect_dma semaphore(%run_scoped3A : memref<!tpu.dma_semaphore, #tpu.memory_space<semaphore_mem>>) src(%arg26 : memref<48x128xf32, #tpu.memory_space<vmem>>) dst(%dma_wait3A_209 : memref<10016x128xf32, #tpu.memory_space<vmem_shared>>)
          tpu.yield
        }) : () -> ()
        %add3A_152 = arith.constant 7 : i32
        %add3A_153 = arith.addi %add3A_137, %add3A_152 : i32
        %lt3A_154 = arith.constant 210 : i32
        %lt3A_155 = arith.cmpi slt, %add3A_153, %lt3A_154 : i32
        %convert_element_type3A_156 = arith.extui %lt3A_155 : i1 to i32
        %cond3A_157 = arith.constant 0 : i32
        %cond3A_158 = arith.cmpi ne, %convert_element_type3A_156, %cond3A_157 : i32
        scf.if %cond3A_158 {
          %dma_wait3A_205 = arith.constant 0 : i32
          %dma_wait3A_206 = tpu.memref_slice %arg4[%dma_wait3A_205] : memref<161280xi32, #tpu.memory_space<hbm>> -> memref<48xi32, #tpu.memory_space<hbm>>
          %dma_wait3A_207 = arith.constant 0 : i32
          %dma_wait3A_208 = tpu.memref_slice %arg4[%dma_wait3A_207] : memref<161280xi32, #tpu.memory_space<hbm>> -> memref<48xi32, #tpu.memory_space<hbm>>
          tpu.wait_dma2 semaphore(%arg41 : memref<!tpu.dma_semaphore, #tpu.memory_space<semaphore_mem>>) src(%dma_wait3A_208 : memref<48xi32, #tpu.memory_space<hbm>>) dst(%arg12 : memref<48xi32, #tpu.memory_space<vmem>>)
          %dma_start3A = arith.constant 0 : i32
          %dma_start3A_209 = arith.constant 0 : i32
          %dma_start3A_210 = tpu.memref_slice %arg2[%dma_start3A, %dma_start3A_209] : memref<10000x128xf32, #tpu.memory_space<hbm>> -> memref<10000x128xf32, #tpu.memory_space<hbm>>
          tpu.enqueue_indirect_dma source(%dma_start3A_210 : memref<10000x128xf32, #tpu.memory_space<hbm>>) target(%arg26 : memref<48x128xf32, #tpu.memory_space<vmem>>) offsets(%arg12 : memref<48xi32, #tpu.memory_space<vmem>>) semaphore(%arg34 : memref<!tpu.dma_semaphore, #tpu.memory_space<semaphore_mem>>)
          %add3A_211 = arith.constant 7 : i32
          %add3A_212 = arith.addi %add3A_137, %add3A_211 : i32
          %mul3A_213 = arith.constant 48 : i32
          %mul3A_214 = arith.muli %add3A_212, %mul3A_213 : i32
          %add3A_215 = arith.addi %mul3A_0, %mul3A_214 : i32
          %multiple_of3A = tpu.assume_multiple %add3A_215, 48 : i32
          %dma_start3A_216 = tpu.memref_slice %arg5[%multiple_of3A] : memref<161280xi32, #tpu.memory_space<hbm>> -> memref<48xi32, #tpu.memory_space<hbm>>
          %dma_start3A_217 = tpu.memref_slice %arg5[%multiple_of3A] : memref<161280xi32, #tpu.memory_space<hbm>> -> memref<48xi32, #tpu.memory_space<hbm>>
          tpu.enqueue_dma source(%dma_start3A_217 : memref<48xi32, #tpu.memory_space<hbm>>) target(%arg19 : memref<48xi32, #tpu.memory_space<vmem>>) target_semaphore(%arg48 : memref<!tpu.dma_semaphore, #tpu.memory_space<semaphore_mem>>)
        } else {
        }
        %add3A_159 = arith.constant 5 : i32
        %add3A_160 = arith.addi %mul3A_46, %add3A_159 : i32
        %dma_wait3A_161 = arith.constant 0 : i32
        %dma_wait3A_162 = arith.constant 0 : i32
        %dma_wait3A_163 = tpu.memref_slice %arg2[%dma_wait3A_161, %dma_wait3A_162] : memref<10000x128xf32, #tpu.memory_space<hbm>> -> memref<10000x128xf32, #tpu.memory_space<hbm>>
        tpu.wait_indirect_dma semaphore(%arg35 : memref<!tpu.dma_semaphore, #tpu.memory_space<semaphore_mem>>) src(%dma_wait3A_163 : memref<10000x128xf32, #tpu.memory_space<hbm>>) dst(%arg27 : memref<48x128xf32, #tpu.memory_space<vmem>>)
        %add3A_164 = arith.constant 7 : i32
        %add3A_165 = arith.addi %add3A_160, %add3A_164 : i32
        %lt3A_166 = arith.constant 210 : i32
        %lt3A_167 = arith.cmpi slt, %add3A_165, %lt3A_166 : i32
        %convert_element_type3A_168 = arith.extui %lt3A_167 : i1 to i32
        %cond3A_169 = arith.constant 0 : i32
        %cond3A_170 = arith.cmpi ne, %convert_element_type3A_168, %cond3A_169 : i32
        scf.if %cond3A_170 {
          %add3A_205 = arith.constant 7 : i32
          %add3A_206 = arith.addi %add3A_160, %add3A_205 : i32
          %mul3A_207 = arith.constant 48 : i32
          %mul3A_208 = arith.muli %add3A_206, %mul3A_207 : i32
          %add3A_209 = arith.addi %mul3A_0, %mul3A_208 : i32
          %multiple_of3A = tpu.assume_multiple %add3A_209, 48 : i32
          %dma_start3A = tpu.memref_slice %arg4[%multiple_of3A] : memref<161280xi32, #tpu.memory_space<hbm>> -> memref<48xi32, #tpu.memory_space<hbm>>
          %dma_start3A_210 = tpu.memref_slice %arg4[%multiple_of3A] : memref<161280xi32, #tpu.memory_space<hbm>> -> memref<48xi32, #tpu.memory_space<hbm>>
          tpu.enqueue_dma source(%dma_start3A_210 : memref<48xi32, #tpu.memory_space<hbm>>) target(%arg13 : memref<48xi32, #tpu.memory_space<vmem>>) target_semaphore(%arg42 : memref<!tpu.dma_semaphore, #tpu.memory_space<semaphore_mem>>)
        } else {
        }
        %dma_wait3A_171 = arith.constant 0 : i32
        %dma_wait3A_172 = tpu.memref_slice %arg5[%dma_wait3A_171] : memref<161280xi32, #tpu.memory_space<hbm>> -> memref<48xi32, #tpu.memory_space<hbm>>
        %dma_wait3A_173 = arith.constant 0 : i32
        %dma_wait3A_174 = tpu.memref_slice %arg5[%dma_wait3A_173] : memref<161280xi32, #tpu.memory_space<hbm>> -> memref<48xi32, #tpu.memory_space<hbm>>
        tpu.wait_dma2 semaphore(%arg49 : memref<!tpu.dma_semaphore, #tpu.memory_space<semaphore_mem>>) src(%dma_wait3A_174 : memref<48xi32, #tpu.memory_space<hbm>>) dst(%arg20 : memref<48xi32, #tpu.memory_space<vmem>>)
        "tpu.region"() ({
          %run_scoped3A = tpu.sem_alloc : memref<!tpu.dma_semaphore, #tpu.memory_space<semaphore_mem>>
          %dma_start3A = arith.constant 0 : i32
          %dma_start3A_205 = arith.constant 0 : i32
          %dma_start3A_206 = tpu.memref_slice %arg29[%dma_start3A, %dma_start3A_205] : memref<10016x128xf32, #tpu.memory_space<vmem_shared>> -> memref<10016x128xf32, #tpu.memory_space<vmem_shared>>
          tpu.enqueue_indirect_dma source(%arg27 : memref<48x128xf32, #tpu.memory_space<vmem>>) target(%dma_start3A_206 : memref<10016x128xf32, #tpu.memory_space<vmem_shared>>) offsets(%arg20 : memref<48xi32, #tpu.memory_space<vmem>>) semaphore(%run_scoped3A : memref<!tpu.dma_semaphore, #tpu.memory_space<semaphore_mem>>) {add = true}
          %dma_wait3A_207 = arith.constant 0 : i32
          %dma_wait3A_208 = arith.constant 0 : i32
          %dma_wait3A_209 = tpu.memref_slice %arg29[%dma_wait3A_207, %dma_wait3A_208] : memref<10016x128xf32, #tpu.memory_space<vmem_shared>> -> memref<10016x128xf32, #tpu.memory_space<vmem_shared>>
          tpu.wait_indirect_dma semaphore(%run_scoped3A : memref<!tpu.dma_semaphore, #tpu.memory_space<semaphore_mem>>) src(%arg27 : memref<48x128xf32, #tpu.memory_space<vmem>>) dst(%dma_wait3A_209 : memref<10016x128xf32, #tpu.memory_space<vmem_shared>>)
          tpu.yield
        }) : () -> ()
        %add3A_175 = arith.constant 7 : i32
        %add3A_176 = arith.addi %add3A_160, %add3A_175 : i32
        %lt3A_177 = arith.constant 210 : i32
        %lt3A_178 = arith.cmpi slt, %add3A_176, %lt3A_177 : i32
        %convert_element_type3A_179 = arith.extui %lt3A_178 : i1 to i32
        %cond3A_180 = arith.constant 0 : i32
        %cond3A_181 = arith.cmpi ne, %convert_element_type3A_179, %cond3A_180 : i32
        scf.if %cond3A_181 {
          %dma_wait3A_205 = arith.constant 0 : i32
          %dma_wait3A_206 = tpu.memref_slice %arg4[%dma_wait3A_205] : memref<161280xi32, #tpu.memory_space<hbm>> -> memref<48xi32, #tpu.memory_space<hbm>>
          %dma_wait3A_207 = arith.constant 0 : i32
          %dma_wait3A_208 = tpu.memref_slice %arg4[%dma_wait3A_207] : memref<161280xi32, #tpu.memory_space<hbm>> -> memref<48xi32, #tpu.memory_space<hbm>>
          tpu.wait_dma2 semaphore(%arg42 : memref<!tpu.dma_semaphore, #tpu.memory_space<semaphore_mem>>) src(%dma_wait3A_208 : memref<48xi32, #tpu.memory_space<hbm>>) dst(%arg13 : memref<48xi32, #tpu.memory_space<vmem>>)
          %dma_start3A = arith.constant 0 : i32
          %dma_start3A_209 = arith.constant 0 : i32
          %dma_start3A_210 = tpu.memref_slice %arg2[%dma_start3A, %dma_start3A_209] : memref<10000x128xf32, #tpu.memory_space<hbm>> -> memref<10000x128xf32, #tpu.memory_space<hbm>>
          tpu.enqueue_indirect_dma source(%dma_start3A_210 : memref<10000x128xf32, #tpu.memory_space<hbm>>) target(%arg27 : memref<48x128xf32, #tpu.memory_space<vmem>>) offsets(%arg13 : memref<48xi32, #tpu.memory_space<vmem>>) semaphore(%arg35 : memref<!tpu.dma_semaphore, #tpu.memory_space<semaphore_mem>>)
          %add3A_211 = arith.constant 7 : i32
          %add3A_212 = arith.addi %add3A_160, %add3A_211 : i32
          %mul3A_213 = arith.constant 48 : i32
          %mul3A_214 = arith.muli %add3A_212, %mul3A_213 : i32
          %add3A_215 = arith.addi %mul3A_0, %mul3A_214 : i32
          %multiple_of3A = tpu.assume_multiple %add3A_215, 48 : i32
          %dma_start3A_216 = tpu.memref_slice %arg5[%multiple_of3A] : memref<161280xi32, #tpu.memory_space<hbm>> -> memref<48xi32, #tpu.memory_space<hbm>>
          %dma_start3A_217 = tpu.memref_slice %arg5[%multiple_of3A] : memref<161280xi32, #tpu.memory_space<hbm>> -> memref<48xi32, #tpu.memory_space<hbm>>
          tpu.enqueue_dma source(%dma_start3A_217 : memref<48xi32, #tpu.memory_space<hbm>>) target(%arg20 : memref<48xi32, #tpu.memory_space<vmem>>) target_semaphore(%arg49 : memref<!tpu.dma_semaphore, #tpu.memory_space<semaphore_mem>>)
        } else {
        }
        %add3A_182 = arith.constant 6 : i32
        %add3A_183 = arith.addi %mul3A_46, %add3A_182 : i32
        %dma_wait3A_184 = arith.constant 0 : i32
        %dma_wait3A_185 = arith.constant 0 : i32
        %dma_wait3A_186 = tpu.memref_slice %arg2[%dma_wait3A_184, %dma_wait3A_185] : memref<10000x128xf32, #tpu.memory_space<hbm>> -> memref<10000x128xf32, #tpu.memory_space<hbm>>
        tpu.wait_indirect_dma semaphore(%arg36 : memref<!tpu.dma_semaphore, #tpu.memory_space<semaphore_mem>>) src(%dma_wait3A_186 : memref<10000x128xf32, #tpu.memory_space<hbm>>) dst(%arg28 : memref<48x128xf32, #tpu.memory_space<vmem>>)
        %add3A_187 = arith.constant 7 : i32
        %add3A_188 = arith.addi %add3A_183, %add3A_187 : i32
        %lt3A_189 = arith.constant 210 : i32
        %lt3A_190 = arith.cmpi slt, %add3A_188, %lt3A_189 : i32
        %convert_element_type3A_191 = arith.extui %lt3A_190 : i1 to i32
        %cond3A_192 = arith.constant 0 : i32
        %cond3A_193 = arith.cmpi ne, %convert_element_type3A_191, %cond3A_192 : i32
        scf.if %cond3A_193 {
          %add3A_205 = arith.constant 7 : i32
          %add3A_206 = arith.addi %add3A_183, %add3A_205 : i32
          %mul3A_207 = arith.constant 48 : i32
          %mul3A_208 = arith.muli %add3A_206, %mul3A_207 : i32
          %add3A_209 = arith.addi %mul3A_0, %mul3A_208 : i32
          %multiple_of3A = tpu.assume_multiple %add3A_209, 48 : i32
          %dma_start3A = tpu.memref_slice %arg4[%multiple_of3A] : memref<161280xi32, #tpu.memory_space<hbm>> -> memref<48xi32, #tpu.memory_space<hbm>>
          %dma_start3A_210 = tpu.memref_slice %arg4[%multiple_of3A] : memref<161280xi32, #tpu.memory_space<hbm>> -> memref<48xi32, #tpu.memory_space<hbm>>
          tpu.enqueue_dma source(%dma_start3A_210 : memref<48xi32, #tpu.memory_space<hbm>>) target(%arg14 : memref<48xi32, #tpu.memory_space<vmem>>) target_semaphore(%arg43 : memref<!tpu.dma_semaphore, #tpu.memory_space<semaphore_mem>>)
        } else {
        }
        %dma_wait3A_194 = arith.constant 0 : i32
        %dma_wait3A_195 = tpu.memref_slice %arg5[%dma_wait3A_194] : memref<161280xi32, #tpu.memory_space<hbm>> -> memref<48xi32, #tpu.memory_space<hbm>>
        %dma_wait3A_196 = arith.constant 0 : i32
        %dma_wait3A_197 = tpu.memref_slice %arg5[%dma_wait3A_196] : memref<161280xi32, #tpu.memory_space<hbm>> -> memref<48xi32, #tpu.memory_space<hbm>>
        tpu.wait_dma2 semaphore(%arg50 : memref<!tpu.dma_semaphore, #tpu.memory_space<semaphore_mem>>) src(%dma_wait3A_197 : memref<48xi32, #tpu.memory_space<hbm>>) dst(%arg21 : memref<48xi32, #tpu.memory_space<vmem>>)
        "tpu.region"() ({
          %run_scoped3A = tpu.sem_alloc : memref<!tpu.dma_semaphore, #tpu.memory_space<semaphore_mem>>
          %dma_start3A = arith.constant 0 : i32
          %dma_start3A_205 = arith.constant 0 : i32
          %dma_start3A_206 = tpu.memref_slice %arg29[%dma_start3A, %dma_start3A_205] : memref<10016x128xf32, #tpu.memory_space<vmem_shared>> -> memref<10016x128xf32, #tpu.memory_space<vmem_shared>>
          tpu.enqueue_indirect_dma source(%arg28 : memref<48x128xf32, #tpu.memory_space<vmem>>) target(%dma_start3A_206 : memref<10016x128xf32, #tpu.memory_space<vmem_shared>>) offsets(%arg21 : memref<48xi32, #tpu.memory_space<vmem>>) semaphore(%run_scoped3A : memref<!tpu.dma_semaphore, #tpu.memory_space<semaphore_mem>>) {add = true}
          %dma_wait3A_207 = arith.constant 0 : i32
          %dma_wait3A_208 = arith.constant 0 : i32
          %dma_wait3A_209 = tpu.memref_slice %arg29[%dma_wait3A_207, %dma_wait3A_208] : memref<10016x128xf32, #tpu.memory_space<vmem_shared>> -> memref<10016x128xf32, #tpu.memory_space<vmem_shared>>
          tpu.wait_indirect_dma semaphore(%run_scoped3A : memref<!tpu.dma_semaphore, #tpu.memory_space<semaphore_mem>>) src(%arg28 : memref<48x128xf32, #tpu.memory_space<vmem>>) dst(%dma_wait3A_209 : memref<10016x128xf32, #tpu.memory_space<vmem_shared>>)
          tpu.yield
        }) : () -> ()
        %add3A_198 = arith.constant 7 : i32
        %add3A_199 = arith.addi %add3A_183, %add3A_198 : i32
        %lt3A_200 = arith.constant 210 : i32
        %lt3A_201 = arith.cmpi slt, %add3A_199, %lt3A_200 : i32
        %convert_element_type3A_202 = arith.extui %lt3A_201 : i1 to i32
        %cond3A_203 = arith.constant 0 : i32
        %cond3A_204 = arith.cmpi ne, %convert_element_type3A_202, %cond3A_203 : i32
        scf.if %cond3A_204 {
          %dma_wait3A_205 = arith.constant 0 : i32
          %dma_wait3A_206 = tpu.memref_slice %arg4[%dma_wait3A_205] : memref<161280xi32, #tpu.memory_space<hbm>> -> memref<48xi32, #tpu.memory_space<hbm>>
          %dma_wait3A_207 = arith.constant 0 : i32
          %dma_wait3A_208 = tpu.memref_slice %arg4[%dma_wait3A_207] : memref<161280xi32, #tpu.memory_space<hbm>> -> memref<48xi32, #tpu.memory_space<hbm>>
          tpu.wait_dma2 semaphore(%arg43 : memref<!tpu.dma_semaphore, #tpu.memory_space<semaphore_mem>>) src(%dma_wait3A_208 : memref<48xi32, #tpu.memory_space<hbm>>) dst(%arg14 : memref<48xi32, #tpu.memory_space<vmem>>)
          %dma_start3A = arith.constant 0 : i32
          %dma_start3A_209 = arith.constant 0 : i32
          %dma_start3A_210 = tpu.memref_slice %arg2[%dma_start3A, %dma_start3A_209] : memref<10000x128xf32, #tpu.memory_space<hbm>> -> memref<10000x128xf32, #tpu.memory_space<hbm>>
          tpu.enqueue_indirect_dma source(%dma_start3A_210 : memref<10000x128xf32, #tpu.memory_space<hbm>>) target(%arg28 : memref<48x128xf32, #tpu.memory_space<vmem>>) offsets(%arg14 : memref<48xi32, #tpu.memory_space<vmem>>) semaphore(%arg36 : memref<!tpu.dma_semaphore, #tpu.memory_space<semaphore_mem>>)
          %add3A_211 = arith.constant 7 : i32
          %add3A_212 = arith.addi %add3A_183, %add3A_211 : i32
          %mul3A_213 = arith.constant 48 : i32
          %mul3A_214 = arith.muli %add3A_212, %mul3A_213 : i32
          %add3A_215 = arith.addi %mul3A_0, %mul3A_214 : i32
          %multiple_of3A = tpu.assume_multiple %add3A_215, 48 : i32
          %dma_start3A_216 = tpu.memref_slice %arg5[%multiple_of3A] : memref<161280xi32, #tpu.memory_space<hbm>> -> memref<48xi32, #tpu.memory_space<hbm>>
          %dma_start3A_217 = tpu.memref_slice %arg5[%multiple_of3A] : memref<161280xi32, #tpu.memory_space<hbm>> -> memref<48xi32, #tpu.memory_space<hbm>>
          tpu.enqueue_dma source(%dma_start3A_217 : memref<48xi32, #tpu.memory_space<hbm>>) target(%arg21 : memref<48xi32, #tpu.memory_space<vmem>>) target_semaphore(%arg50 : memref<!tpu.dma_semaphore, #tpu.memory_space<semaphore_mem>>)
        } else {
        }
      }
      %scan3A_43 = arith.constant 30 : i32
    } else {
    }
    %eq3A_23 = arith.constant 1 : i32
    %eq3A_24 = arith.cmpi eq, %arg0, %eq3A_23 : i32
    %convert_element_type3A_25 = arith.extui %eq3A_24 : i1 to i32
    %cond3A_26 = arith.constant 0 : i32
    %cond3A_27 = arith.cmpi ne, %convert_element_type3A_25, %cond3A_26 : i32
    scf.if %cond3A_27 {
      %scan3A = arith.constant 0 : i32
      %scan3A_39 = arith.constant 0 : i32
      %scan3A_40 = arith.constant 30 : i32
      %scan3A_41 = arith.addi %scan3A_39, %scan3A_40 : i32
      %scan3A_42 = arith.constant 1 : i32
      scf.for %scan3A_44 = %scan3A_39 to %scan3A_41 step %scan3A_42  : i32 {
        %mul3A_45 = arith.constant 7 : i32
        %mul3A_46 = arith.muli %mul3A_45, %scan3A_44 : i32
        %add3A = arith.constant 0 : i32
        %add3A_47 = arith.addi %mul3A_46, %add3A : i32
        %dma_wait3A = arith.constant 0 : i32
        %dma_wait3A_48 = arith.constant 0 : i32
        %dma_wait3A_49 = tpu.memref_slice %arg3[%dma_wait3A, %dma_wait3A_48] : memref<10000x128xf32, #tpu.memory_space<hbm>> -> memref<10000x128xf32, #tpu.memory_space<hbm>>
        tpu.wait_indirect_dma semaphore(%arg30 : memref<!tpu.dma_semaphore, #tpu.memory_space<semaphore_mem>>) src(%dma_wait3A_49 : memref<10000x128xf32, #tpu.memory_space<hbm>>) dst(%arg22 : memref<48x128xf32, #tpu.memory_space<vmem>>)
        %add3A_50 = arith.constant 7 : i32
        %add3A_51 = arith.addi %add3A_47, %add3A_50 : i32
        %lt3A = arith.constant 210 : i32
        %lt3A_52 = arith.cmpi slt, %add3A_51, %lt3A : i32
        %convert_element_type3A_53 = arith.extui %lt3A_52 : i1 to i32
        %cond3A_54 = arith.constant 0 : i32
        %cond3A_55 = arith.cmpi ne, %convert_element_type3A_53, %cond3A_54 : i32
        scf.if %cond3A_55 {
          %add3A_205 = arith.constant 7 : i32
          %add3A_206 = arith.addi %add3A_47, %add3A_205 : i32
          %mul3A_207 = arith.constant 48 : i32
          %mul3A_208 = arith.muli %add3A_206, %mul3A_207 : i32
          %add3A_209 = arith.addi %mul3A_0, %mul3A_208 : i32
          %multiple_of3A = tpu.assume_multiple %add3A_209, 48 : i32
          %dma_start3A = tpu.memref_slice %arg4[%multiple_of3A] : memref<161280xi32, #tpu.memory_space<hbm>> -> memref<48xi32, #tpu.memory_space<hbm>>
          %dma_start3A_210 = tpu.memref_slice %arg4[%multiple_of3A] : memref<161280xi32, #tpu.memory_space<hbm>> -> memref<48xi32, #tpu.memory_space<hbm>>
          tpu.enqueue_dma source(%dma_start3A_210 : memref<48xi32, #tpu.memory_space<hbm>>) target(%arg8 : memref<48xi32, #tpu.memory_space<vmem>>) target_semaphore(%arg37 : memref<!tpu.dma_semaphore, #tpu.memory_space<semaphore_mem>>)
        } else {
        }
        %dma_wait3A_56 = arith.constant 0 : i32
        %dma_wait3A_57 = tpu.memref_slice %arg5[%dma_wait3A_56] : memref<161280xi32, #tpu.memory_space<hbm>> -> memref<48xi32, #tpu.memory_space<hbm>>
        %dma_wait3A_58 = arith.constant 0 : i32
        %dma_wait3A_59 = tpu.memref_slice %arg5[%dma_wait3A_58] : memref<161280xi32, #tpu.memory_space<hbm>> -> memref<48xi32, #tpu.memory_space<hbm>>
        tpu.wait_dma2 semaphore(%arg44 : memref<!tpu.dma_semaphore, #tpu.memory_space<semaphore_mem>>) src(%dma_wait3A_59 : memref<48xi32, #tpu.memory_space<hbm>>) dst(%arg15 : memref<48xi32, #tpu.memory_space<vmem>>)
        "tpu.region"() ({
          %run_scoped3A = tpu.sem_alloc : memref<!tpu.dma_semaphore, #tpu.memory_space<semaphore_mem>>
          %dma_start3A = arith.constant 0 : i32
          %dma_start3A_205 = arith.constant 0 : i32
          %dma_start3A_206 = tpu.memref_slice %arg29[%dma_start3A, %dma_start3A_205] : memref<10016x128xf32, #tpu.memory_space<vmem_shared>> -> memref<10016x128xf32, #tpu.memory_space<vmem_shared>>
          tpu.enqueue_indirect_dma source(%arg22 : memref<48x128xf32, #tpu.memory_space<vmem>>) target(%dma_start3A_206 : memref<10016x128xf32, #tpu.memory_space<vmem_shared>>) offsets(%arg15 : memref<48xi32, #tpu.memory_space<vmem>>) semaphore(%run_scoped3A : memref<!tpu.dma_semaphore, #tpu.memory_space<semaphore_mem>>) {add = true}
          %dma_wait3A_207 = arith.constant 0 : i32
          %dma_wait3A_208 = arith.constant 0 : i32
          %dma_wait3A_209 = tpu.memref_slice %arg29[%dma_wait3A_207, %dma_wait3A_208] : memref<10016x128xf32, #tpu.memory_space<vmem_shared>> -> memref<10016x128xf32, #tpu.memory_space<vmem_shared>>
          tpu.wait_indirect_dma semaphore(%run_scoped3A : memref<!tpu.dma_semaphore, #tpu.memory_space<semaphore_mem>>) src(%arg22 : memref<48x128xf32, #tpu.memory_space<vmem>>) dst(%dma_wait3A_209 : memref<10016x128xf32, #tpu.memory_space<vmem_shared>>)
          tpu.yield
        }) : () -> ()
        %add3A_60 = arith.constant 7 : i32
        %add3A_61 = arith.addi %add3A_47, %add3A_60 : i32
        %lt3A_62 = arith.constant 210 : i32
        %lt3A_63 = arith.cmpi slt, %add3A_61, %lt3A_62 : i32
        %convert_element_type3A_64 = arith.extui %lt3A_63 : i1 to i32
        %cond3A_65 = arith.constant 0 : i32
        %cond3A_66 = arith.cmpi ne, %convert_element_type3A_64, %cond3A_65 : i32
        scf.if %cond3A_66 {
          %dma_wait3A_205 = arith.constant 0 : i32
          %dma_wait3A_206 = tpu.memref_slice %arg4[%dma_wait3A_205] : memref<161280xi32, #tpu.memory_space<hbm>> -> memref<48xi32, #tpu.memory_space<hbm>>
          %dma_wait3A_207 = arith.constant 0 : i32
          %dma_wait3A_208 = tpu.memref_slice %arg4[%dma_wait3A_207] : memref<161280xi32, #tpu.memory_space<hbm>> -> memref<48xi32, #tpu.memory_space<hbm>>
          tpu.wait_dma2 semaphore(%arg37 : memref<!tpu.dma_semaphore, #tpu.memory_space<semaphore_mem>>) src(%dma_wait3A_208 : memref<48xi32, #tpu.memory_space<hbm>>) dst(%arg8 : memref<48xi32, #tpu.memory_space<vmem>>)
          %dma_start3A = arith.constant 0 : i32
          %dma_start3A_209 = arith.constant 0 : i32
          %dma_start3A_210 = tpu.memref_slice %arg3[%dma_start3A, %dma_start3A_209] : memref<10000x128xf32, #tpu.memory_space<hbm>> -> memref<10000x128xf32, #tpu.memory_space<hbm>>
          tpu.enqueue_indirect_dma source(%dma_start3A_210 : memref<10000x128xf32, #tpu.memory_space<hbm>>) target(%arg22 : memref<48x128xf32, #tpu.memory_space<vmem>>) offsets(%arg8 : memref<48xi32, #tpu.memory_space<vmem>>) semaphore(%arg30 : memref<!tpu.dma_semaphore, #tpu.memory_space<semaphore_mem>>)
          %add3A_211 = arith.constant 7 : i32
          %add3A_212 = arith.addi %add3A_47, %add3A_211 : i32
          %mul3A_213 = arith.constant 48 : i32
          %mul3A_214 = arith.muli %add3A_212, %mul3A_213 : i32
          %add3A_215 = arith.addi %mul3A_0, %mul3A_214 : i32
          %multiple_of3A = tpu.assume_multiple %add3A_215, 48 : i32
          %dma_start3A_216 = tpu.memref_slice %arg5[%multiple_of3A] : memref<161280xi32, #tpu.memory_space<hbm>> -> memref<48xi32, #tpu.memory_space<hbm>>
          %dma_start3A_217 = tpu.memref_slice %arg5[%multiple_of3A] : memref<161280xi32, #tpu.memory_space<hbm>> -> memref<48xi32, #tpu.memory_space<hbm>>
          tpu.enqueue_dma source(%dma_start3A_217 : memref<48xi32, #tpu.memory_space<hbm>>) target(%arg15 : memref<48xi32, #tpu.memory_space<vmem>>) target_semaphore(%arg44 : memref<!tpu.dma_semaphore, #tpu.memory_space<semaphore_mem>>)
        } else {
        }
        %add3A_67 = arith.constant 1 : i32
        %add3A_68 = arith.addi %mul3A_46, %add3A_67 : i32
        %dma_wait3A_69 = arith.constant 0 : i32
        %dma_wait3A_70 = arith.constant 0 : i32
        %dma_wait3A_71 = tpu.memref_slice %arg3[%dma_wait3A_69, %dma_wait3A_70] : memref<10000x128xf32, #tpu.memory_space<hbm>> -> memref<10000x128xf32, #tpu.memory_space<hbm>>
        tpu.wait_indirect_dma semaphore(%arg31 : memref<!tpu.dma_semaphore, #tpu.memory_space<semaphore_mem>>) src(%dma_wait3A_71 : memref<10000x128xf32, #tpu.memory_space<hbm>>) dst(%arg23 : memref<48x128xf32, #tpu.memory_space<vmem>>)
        %add3A_72 = arith.constant 7 : i32
        %add3A_73 = arith.addi %add3A_68, %add3A_72 : i32
        %lt3A_74 = arith.constant 210 : i32
        %lt3A_75 = arith.cmpi slt, %add3A_73, %lt3A_74 : i32
        %convert_element_type3A_76 = arith.extui %lt3A_75 : i1 to i32
        %cond3A_77 = arith.constant 0 : i32
        %cond3A_78 = arith.cmpi ne, %convert_element_type3A_76, %cond3A_77 : i32
        scf.if %cond3A_78 {
          %add3A_205 = arith.constant 7 : i32
          %add3A_206 = arith.addi %add3A_68, %add3A_205 : i32
          %mul3A_207 = arith.constant 48 : i32
          %mul3A_208 = arith.muli %add3A_206, %mul3A_207 : i32
          %add3A_209 = arith.addi %mul3A_0, %mul3A_208 : i32
          %multiple_of3A = tpu.assume_multiple %add3A_209, 48 : i32
          %dma_start3A = tpu.memref_slice %arg4[%multiple_of3A] : memref<161280xi32, #tpu.memory_space<hbm>> -> memref<48xi32, #tpu.memory_space<hbm>>
          %dma_start3A_210 = tpu.memref_slice %arg4[%multiple_of3A] : memref<161280xi32, #tpu.memory_space<hbm>> -> memref<48xi32, #tpu.memory_space<hbm>>
          tpu.enqueue_dma source(%dma_start3A_210 : memref<48xi32, #tpu.memory_space<hbm>>) target(%arg9 : memref<48xi32, #tpu.memory_space<vmem>>) target_semaphore(%arg38 : memref<!tpu.dma_semaphore, #tpu.memory_space<semaphore_mem>>)
        } else {
        }
        %dma_wait3A_79 = arith.constant 0 : i32
        %dma_wait3A_80 = tpu.memref_slice %arg5[%dma_wait3A_79] : memref<161280xi32, #tpu.memory_space<hbm>> -> memref<48xi32, #tpu.memory_space<hbm>>
        %dma_wait3A_81 = arith.constant 0 : i32
        %dma_wait3A_82 = tpu.memref_slice %arg5[%dma_wait3A_81] : memref<161280xi32, #tpu.memory_space<hbm>> -> memref<48xi32, #tpu.memory_space<hbm>>
        tpu.wait_dma2 semaphore(%arg45 : memref<!tpu.dma_semaphore, #tpu.memory_space<semaphore_mem>>) src(%dma_wait3A_82 : memref<48xi32, #tpu.memory_space<hbm>>) dst(%arg16 : memref<48xi32, #tpu.memory_space<vmem>>)
        "tpu.region"() ({
          %run_scoped3A = tpu.sem_alloc : memref<!tpu.dma_semaphore, #tpu.memory_space<semaphore_mem>>
          %dma_start3A = arith.constant 0 : i32
          %dma_start3A_205 = arith.constant 0 : i32
          %dma_start3A_206 = tpu.memref_slice %arg29[%dma_start3A, %dma_start3A_205] : memref<10016x128xf32, #tpu.memory_space<vmem_shared>> -> memref<10016x128xf32, #tpu.memory_space<vmem_shared>>
          tpu.enqueue_indirect_dma source(%arg23 : memref<48x128xf32, #tpu.memory_space<vmem>>) target(%dma_start3A_206 : memref<10016x128xf32, #tpu.memory_space<vmem_shared>>) offsets(%arg16 : memref<48xi32, #tpu.memory_space<vmem>>) semaphore(%run_scoped3A : memref<!tpu.dma_semaphore, #tpu.memory_space<semaphore_mem>>) {add = true}
          %dma_wait3A_207 = arith.constant 0 : i32
          %dma_wait3A_208 = arith.constant 0 : i32
          %dma_wait3A_209 = tpu.memref_slice %arg29[%dma_wait3A_207, %dma_wait3A_208] : memref<10016x128xf32, #tpu.memory_space<vmem_shared>> -> memref<10016x128xf32, #tpu.memory_space<vmem_shared>>
          tpu.wait_indirect_dma semaphore(%run_scoped3A : memref<!tpu.dma_semaphore, #tpu.memory_space<semaphore_mem>>) src(%arg23 : memref<48x128xf32, #tpu.memory_space<vmem>>) dst(%dma_wait3A_209 : memref<10016x128xf32, #tpu.memory_space<vmem_shared>>)
          tpu.yield
        }) : () -> ()
        %add3A_83 = arith.constant 7 : i32
        %add3A_84 = arith.addi %add3A_68, %add3A_83 : i32
        %lt3A_85 = arith.constant 210 : i32
        %lt3A_86 = arith.cmpi slt, %add3A_84, %lt3A_85 : i32
        %convert_element_type3A_87 = arith.extui %lt3A_86 : i1 to i32
        %cond3A_88 = arith.constant 0 : i32
        %cond3A_89 = arith.cmpi ne, %convert_element_type3A_87, %cond3A_88 : i32
        scf.if %cond3A_89 {
          %dma_wait3A_205 = arith.constant 0 : i32
          %dma_wait3A_206 = tpu.memref_slice %arg4[%dma_wait3A_205] : memref<161280xi32, #tpu.memory_space<hbm>> -> memref<48xi32, #tpu.memory_space<hbm>>
          %dma_wait3A_207 = arith.constant 0 : i32
          %dma_wait3A_208 = tpu.memref_slice %arg4[%dma_wait3A_207] : memref<161280xi32, #tpu.memory_space<hbm>> -> memref<48xi32, #tpu.memory_space<hbm>>
          tpu.wait_dma2 semaphore(%arg38 : memref<!tpu.dma_semaphore, #tpu.memory_space<semaphore_mem>>) src(%dma_wait3A_208 : memref<48xi32, #tpu.memory_space<hbm>>) dst(%arg9 : memref<48xi32, #tpu.memory_space<vmem>>)
          %dma_start3A = arith.constant 0 : i32
          %dma_start3A_209 = arith.constant 0 : i32
          %dma_start3A_210 = tpu.memref_slice %arg3[%dma_start3A, %dma_start3A_209] : memref<10000x128xf32, #tpu.memory_space<hbm>> -> memref<10000x128xf32, #tpu.memory_space<hbm>>
          tpu.enqueue_indirect_dma source(%dma_start3A_210 : memref<10000x128xf32, #tpu.memory_space<hbm>>) target(%arg23 : memref<48x128xf32, #tpu.memory_space<vmem>>) offsets(%arg9 : memref<48xi32, #tpu.memory_space<vmem>>) semaphore(%arg31 : memref<!tpu.dma_semaphore, #tpu.memory_space<semaphore_mem>>)
          %add3A_211 = arith.constant 7 : i32
          %add3A_212 = arith.addi %add3A_68, %add3A_211 : i32
          %mul3A_213 = arith.constant 48 : i32
          %mul3A_214 = arith.muli %add3A_212, %mul3A_213 : i32
          %add3A_215 = arith.addi %mul3A_0, %mul3A_214 : i32
          %multiple_of3A = tpu.assume_multiple %add3A_215, 48 : i32
          %dma_start3A_216 = tpu.memref_slice %arg5[%multiple_of3A] : memref<161280xi32, #tpu.memory_space<hbm>> -> memref<48xi32, #tpu.memory_space<hbm>>
          %dma_start3A_217 = tpu.memref_slice %arg5[%multiple_of3A] : memref<161280xi32, #tpu.memory_space<hbm>> -> memref<48xi32, #tpu.memory_space<hbm>>
          tpu.enqueue_dma source(%dma_start3A_217 : memref<48xi32, #tpu.memory_space<hbm>>) target(%arg16 : memref<48xi32, #tpu.memory_space<vmem>>) target_semaphore(%arg45 : memref<!tpu.dma_semaphore, #tpu.memory_space<semaphore_mem>>)
        } else {
        }
        %add3A_90 = arith.constant 2 : i32
        %add3A_91 = arith.addi %mul3A_46, %add3A_90 : i32
        %dma_wait3A_92 = arith.constant 0 : i32
        %dma_wait3A_93 = arith.constant 0 : i32
        %dma_wait3A_94 = tpu.memref_slice %arg3[%dma_wait3A_92, %dma_wait3A_93] : memref<10000x128xf32, #tpu.memory_space<hbm>> -> memref<10000x128xf32, #tpu.memory_space<hbm>>
        tpu.wait_indirect_dma semaphore(%arg32 : memref<!tpu.dma_semaphore, #tpu.memory_space<semaphore_mem>>) src(%dma_wait3A_94 : memref<10000x128xf32, #tpu.memory_space<hbm>>) dst(%arg24 : memref<48x128xf32, #tpu.memory_space<vmem>>)
        %add3A_95 = arith.constant 7 : i32
        %add3A_96 = arith.addi %add3A_91, %add3A_95 : i32
        %lt3A_97 = arith.constant 210 : i32
        %lt3A_98 = arith.cmpi slt, %add3A_96, %lt3A_97 : i32
        %convert_element_type3A_99 = arith.extui %lt3A_98 : i1 to i32
        %cond3A_100 = arith.constant 0 : i32
        %cond3A_101 = arith.cmpi ne, %convert_element_type3A_99, %cond3A_100 : i32
        scf.if %cond3A_101 {
          %add3A_205 = arith.constant 7 : i32
          %add3A_206 = arith.addi %add3A_91, %add3A_205 : i32
          %mul3A_207 = arith.constant 48 : i32
          %mul3A_208 = arith.muli %add3A_206, %mul3A_207 : i32
          %add3A_209 = arith.addi %mul3A_0, %mul3A_208 : i32
          %multiple_of3A = tpu.assume_multiple %add3A_209, 48 : i32
          %dma_start3A = tpu.memref_slice %arg4[%multiple_of3A] : memref<161280xi32, #tpu.memory_space<hbm>> -> memref<48xi32, #tpu.memory_space<hbm>>
          %dma_start3A_210 = tpu.memref_slice %arg4[%multiple_of3A] : memref<161280xi32, #tpu.memory_space<hbm>> -> memref<48xi32, #tpu.memory_space<hbm>>
          tpu.enqueue_dma source(%dma_start3A_210 : memref<48xi32, #tpu.memory_space<hbm>>) target(%arg10 : memref<48xi32, #tpu.memory_space<vmem>>) target_semaphore(%arg39 : memref<!tpu.dma_semaphore, #tpu.memory_space<semaphore_mem>>)
        } else {
        }
        %dma_wait3A_102 = arith.constant 0 : i32
        %dma_wait3A_103 = tpu.memref_slice %arg5[%dma_wait3A_102] : memref<161280xi32, #tpu.memory_space<hbm>> -> memref<48xi32, #tpu.memory_space<hbm>>
        %dma_wait3A_104 = arith.constant 0 : i32
        %dma_wait3A_105 = tpu.memref_slice %arg5[%dma_wait3A_104] : memref<161280xi32, #tpu.memory_space<hbm>> -> memref<48xi32, #tpu.memory_space<hbm>>
        tpu.wait_dma2 semaphore(%arg46 : memref<!tpu.dma_semaphore, #tpu.memory_space<semaphore_mem>>) src(%dma_wait3A_105 : memref<48xi32, #tpu.memory_space<hbm>>) dst(%arg17 : memref<48xi32, #tpu.memory_space<vmem>>)
        "tpu.region"() ({
          %run_scoped3A = tpu.sem_alloc : memref<!tpu.dma_semaphore, #tpu.memory_space<semaphore_mem>>
          %dma_start3A = arith.constant 0 : i32
          %dma_start3A_205 = arith.constant 0 : i32
          %dma_start3A_206 = tpu.memref_slice %arg29[%dma_start3A, %dma_start3A_205] : memref<10016x128xf32, #tpu.memory_space<vmem_shared>> -> memref<10016x128xf32, #tpu.memory_space<vmem_shared>>
          tpu.enqueue_indirect_dma source(%arg24 : memref<48x128xf32, #tpu.memory_space<vmem>>) target(%dma_start3A_206 : memref<10016x128xf32, #tpu.memory_space<vmem_shared>>) offsets(%arg17 : memref<48xi32, #tpu.memory_space<vmem>>) semaphore(%run_scoped3A : memref<!tpu.dma_semaphore, #tpu.memory_space<semaphore_mem>>) {add = true}
          %dma_wait3A_207 = arith.constant 0 : i32
          %dma_wait3A_208 = arith.constant 0 : i32
          %dma_wait3A_209 = tpu.memref_slice %arg29[%dma_wait3A_207, %dma_wait3A_208] : memref<10016x128xf32, #tpu.memory_space<vmem_shared>> -> memref<10016x128xf32, #tpu.memory_space<vmem_shared>>
          tpu.wait_indirect_dma semaphore(%run_scoped3A : memref<!tpu.dma_semaphore, #tpu.memory_space<semaphore_mem>>) src(%arg24 : memref<48x128xf32, #tpu.memory_space<vmem>>) dst(%dma_wait3A_209 : memref<10016x128xf32, #tpu.memory_space<vmem_shared>>)
          tpu.yield
        }) : () -> ()
        %add3A_106 = arith.constant 7 : i32
        %add3A_107 = arith.addi %add3A_91, %add3A_106 : i32
        %lt3A_108 = arith.constant 210 : i32
        %lt3A_109 = arith.cmpi slt, %add3A_107, %lt3A_108 : i32
        %convert_element_type3A_110 = arith.extui %lt3A_109 : i1 to i32
        %cond3A_111 = arith.constant 0 : i32
        %cond3A_112 = arith.cmpi ne, %convert_element_type3A_110, %cond3A_111 : i32
        scf.if %cond3A_112 {
          %dma_wait3A_205 = arith.constant 0 : i32
          %dma_wait3A_206 = tpu.memref_slice %arg4[%dma_wait3A_205] : memref<161280xi32, #tpu.memory_space<hbm>> -> memref<48xi32, #tpu.memory_space<hbm>>
          %dma_wait3A_207 = arith.constant 0 : i32
          %dma_wait3A_208 = tpu.memref_slice %arg4[%dma_wait3A_207] : memref<161280xi32, #tpu.memory_space<hbm>> -> memref<48xi32, #tpu.memory_space<hbm>>
          tpu.wait_dma2 semaphore(%arg39 : memref<!tpu.dma_semaphore, #tpu.memory_space<semaphore_mem>>) src(%dma_wait3A_208 : memref<48xi32, #tpu.memory_space<hbm>>) dst(%arg10 : memref<48xi32, #tpu.memory_space<vmem>>)
          %dma_start3A = arith.constant 0 : i32
          %dma_start3A_209 = arith.constant 0 : i32
          %dma_start3A_210 = tpu.memref_slice %arg3[%dma_start3A, %dma_start3A_209] : memref<10000x128xf32, #tpu.memory_space<hbm>> -> memref<10000x128xf32, #tpu.memory_space<hbm>>
          tpu.enqueue_indirect_dma source(%dma_start3A_210 : memref<10000x128xf32, #tpu.memory_space<hbm>>) target(%arg24 : memref<48x128xf32, #tpu.memory_space<vmem>>) offsets(%arg10 : memref<48xi32, #tpu.memory_space<vmem>>) semaphore(%arg32 : memref<!tpu.dma_semaphore, #tpu.memory_space<semaphore_mem>>)
          %add3A_211 = arith.constant 7 : i32
          %add3A_212 = arith.addi %add3A_91, %add3A_211 : i32
          %mul3A_213 = arith.constant 48 : i32
          %mul3A_214 = arith.muli %add3A_212, %mul3A_213 : i32
          %add3A_215 = arith.addi %mul3A_0, %mul3A_214 : i32
          %multiple_of3A = tpu.assume_multiple %add3A_215, 48 : i32
          %dma_start3A_216 = tpu.memref_slice %arg5[%multiple_of3A] : memref<161280xi32, #tpu.memory_space<hbm>> -> memref<48xi32, #tpu.memory_space<hbm>>
          %dma_start3A_217 = tpu.memref_slice %arg5[%multiple_of3A] : memref<161280xi32, #tpu.memory_space<hbm>> -> memref<48xi32, #tpu.memory_space<hbm>>
          tpu.enqueue_dma source(%dma_start3A_217 : memref<48xi32, #tpu.memory_space<hbm>>) target(%arg17 : memref<48xi32, #tpu.memory_space<vmem>>) target_semaphore(%arg46 : memref<!tpu.dma_semaphore, #tpu.memory_space<semaphore_mem>>)
        } else {
        }
        %add3A_113 = arith.constant 3 : i32
        %add3A_114 = arith.addi %mul3A_46, %add3A_113 : i32
        %dma_wait3A_115 = arith.constant 0 : i32
        %dma_wait3A_116 = arith.constant 0 : i32
        %dma_wait3A_117 = tpu.memref_slice %arg3[%dma_wait3A_115, %dma_wait3A_116] : memref<10000x128xf32, #tpu.memory_space<hbm>> -> memref<10000x128xf32, #tpu.memory_space<hbm>>
        tpu.wait_indirect_dma semaphore(%arg33 : memref<!tpu.dma_semaphore, #tpu.memory_space<semaphore_mem>>) src(%dma_wait3A_117 : memref<10000x128xf32, #tpu.memory_space<hbm>>) dst(%arg25 : memref<48x128xf32, #tpu.memory_space<vmem>>)
        %add3A_118 = arith.constant 7 : i32
        %add3A_119 = arith.addi %add3A_114, %add3A_118 : i32
        %lt3A_120 = arith.constant 210 : i32
        %lt3A_121 = arith.cmpi slt, %add3A_119, %lt3A_120 : i32
        %convert_element_type3A_122 = arith.extui %lt3A_121 : i1 to i32
        %cond3A_123 = arith.constant 0 : i32
        %cond3A_124 = arith.cmpi ne, %convert_element_type3A_122, %cond3A_123 : i32
        scf.if %cond3A_124 {
          %add3A_205 = arith.constant 7 : i32
          %add3A_206 = arith.addi %add3A_114, %add3A_205 : i32
          %mul3A_207 = arith.constant 48 : i32
          %mul3A_208 = arith.muli %add3A_206, %mul3A_207 : i32
          %add3A_209 = arith.addi %mul3A_0, %mul3A_208 : i32
          %multiple_of3A = tpu.assume_multiple %add3A_209, 48 : i32
          %dma_start3A = tpu.memref_slice %arg4[%multiple_of3A] : memref<161280xi32, #tpu.memory_space<hbm>> -> memref<48xi32, #tpu.memory_space<hbm>>
          %dma_start3A_210 = tpu.memref_slice %arg4[%multiple_of3A] : memref<161280xi32, #tpu.memory_space<hbm>> -> memref<48xi32, #tpu.memory_space<hbm>>
          tpu.enqueue_dma source(%dma_start3A_210 : memref<48xi32, #tpu.memory_space<hbm>>) target(%arg11 : memref<48xi32, #tpu.memory_space<vmem>>) target_semaphore(%arg40 : memref<!tpu.dma_semaphore, #tpu.memory_space<semaphore_mem>>)
        } else {
        }
        %dma_wait3A_125 = arith.constant 0 : i32
        %dma_wait3A_126 = tpu.memref_slice %arg5[%dma_wait3A_125] : memref<161280xi32, #tpu.memory_space<hbm>> -> memref<48xi32, #tpu.memory_space<hbm>>
        %dma_wait3A_127 = arith.constant 0 : i32
        %dma_wait3A_128 = tpu.memref_slice %arg5[%dma_wait3A_127] : memref<161280xi32, #tpu.memory_space<hbm>> -> memref<48xi32, #tpu.memory_space<hbm>>
        tpu.wait_dma2 semaphore(%arg47 : memref<!tpu.dma_semaphore, #tpu.memory_space<semaphore_mem>>) src(%dma_wait3A_128 : memref<48xi32, #tpu.memory_space<hbm>>) dst(%arg18 : memref<48xi32, #tpu.memory_space<vmem>>)
        "tpu.region"() ({
          %run_scoped3A = tpu.sem_alloc : memref<!tpu.dma_semaphore, #tpu.memory_space<semaphore_mem>>
          %dma_start3A = arith.constant 0 : i32
          %dma_start3A_205 = arith.constant 0 : i32
          %dma_start3A_206 = tpu.memref_slice %arg29[%dma_start3A, %dma_start3A_205] : memref<10016x128xf32, #tpu.memory_space<vmem_shared>> -> memref<10016x128xf32, #tpu.memory_space<vmem_shared>>
          tpu.enqueue_indirect_dma source(%arg25 : memref<48x128xf32, #tpu.memory_space<vmem>>) target(%dma_start3A_206 : memref<10016x128xf32, #tpu.memory_space<vmem_shared>>) offsets(%arg18 : memref<48xi32, #tpu.memory_space<vmem>>) semaphore(%run_scoped3A : memref<!tpu.dma_semaphore, #tpu.memory_space<semaphore_mem>>) {add = true}
          %dma_wait3A_207 = arith.constant 0 : i32
          %dma_wait3A_208 = arith.constant 0 : i32
          %dma_wait3A_209 = tpu.memref_slice %arg29[%dma_wait3A_207, %dma_wait3A_208] : memref<10016x128xf32, #tpu.memory_space<vmem_shared>> -> memref<10016x128xf32, #tpu.memory_space<vmem_shared>>
          tpu.wait_indirect_dma semaphore(%run_scoped3A : memref<!tpu.dma_semaphore, #tpu.memory_space<semaphore_mem>>) src(%arg25 : memref<48x128xf32, #tpu.memory_space<vmem>>) dst(%dma_wait3A_209 : memref<10016x128xf32, #tpu.memory_space<vmem_shared>>)
          tpu.yield
        }) : () -> ()
        %add3A_129 = arith.constant 7 : i32
        %add3A_130 = arith.addi %add3A_114, %add3A_129 : i32
        %lt3A_131 = arith.constant 210 : i32
        %lt3A_132 = arith.cmpi slt, %add3A_130, %lt3A_131 : i32
        %convert_element_type3A_133 = arith.extui %lt3A_132 : i1 to i32
        %cond3A_134 = arith.constant 0 : i32
        %cond3A_135 = arith.cmpi ne, %convert_element_type3A_133, %cond3A_134 : i32
        scf.if %cond3A_135 {
          %dma_wait3A_205 = arith.constant 0 : i32
          %dma_wait3A_206 = tpu.memref_slice %arg4[%dma_wait3A_205] : memref<161280xi32, #tpu.memory_space<hbm>> -> memref<48xi32, #tpu.memory_space<hbm>>
          %dma_wait3A_207 = arith.constant 0 : i32
          %dma_wait3A_208 = tpu.memref_slice %arg4[%dma_wait3A_207] : memref<161280xi32, #tpu.memory_space<hbm>> -> memref<48xi32, #tpu.memory_space<hbm>>
          tpu.wait_dma2 semaphore(%arg40 : memref<!tpu.dma_semaphore, #tpu.memory_space<semaphore_mem>>) src(%dma_wait3A_208 : memref<48xi32, #tpu.memory_space<hbm>>) dst(%arg11 : memref<48xi32, #tpu.memory_space<vmem>>)
          %dma_start3A = arith.constant 0 : i32
          %dma_start3A_209 = arith.constant 0 : i32
          %dma_start3A_210 = tpu.memref_slice %arg3[%dma_start3A, %dma_start3A_209] : memref<10000x128xf32, #tpu.memory_space<hbm>> -> memref<10000x128xf32, #tpu.memory_space<hbm>>
          tpu.enqueue_indirect_dma source(%dma_start3A_210 : memref<10000x128xf32, #tpu.memory_space<hbm>>) target(%arg25 : memref<48x128xf32, #tpu.memory_space<vmem>>) offsets(%arg11 : memref<48xi32, #tpu.memory_space<vmem>>) semaphore(%arg33 : memref<!tpu.dma_semaphore, #tpu.memory_space<semaphore_mem>>)
          %add3A_211 = arith.constant 7 : i32
          %add3A_212 = arith.addi %add3A_114, %add3A_211 : i32
          %mul3A_213 = arith.constant 48 : i32
          %mul3A_214 = arith.muli %add3A_212, %mul3A_213 : i32
          %add3A_215 = arith.addi %mul3A_0, %mul3A_214 : i32
          %multiple_of3A = tpu.assume_multiple %add3A_215, 48 : i32
          %dma_start3A_216 = tpu.memref_slice %arg5[%multiple_of3A] : memref<161280xi32, #tpu.memory_space<hbm>> -> memref<48xi32, #tpu.memory_space<hbm>>
          %dma_start3A_217 = tpu.memref_slice %arg5[%multiple_of3A] : memref<161280xi32, #tpu.memory_space<hbm>> -> memref<48xi32, #tpu.memory_space<hbm>>
          tpu.enqueue_dma source(%dma_start3A_217 : memref<48xi32, #tpu.memory_space<hbm>>) target(%arg18 : memref<48xi32, #tpu.memory_space<vmem>>) target_semaphore(%arg47 : memref<!tpu.dma_semaphore, #tpu.memory_space<semaphore_mem>>)
        } else {
        }
        %add3A_136 = arith.constant 4 : i32
        %add3A_137 = arith.addi %mul3A_46, %add3A_136 : i32
        %dma_wait3A_138 = arith.constant 0 : i32
        %dma_wait3A_139 = arith.constant 0 : i32
        %dma_wait3A_140 = tpu.memref_slice %arg3[%dma_wait3A_138, %dma_wait3A_139] : memref<10000x128xf32, #tpu.memory_space<hbm>> -> memref<10000x128xf32, #tpu.memory_space<hbm>>
        tpu.wait_indirect_dma semaphore(%arg34 : memref<!tpu.dma_semaphore, #tpu.memory_space<semaphore_mem>>) src(%dma_wait3A_140 : memref<10000x128xf32, #tpu.memory_space<hbm>>) dst(%arg26 : memref<48x128xf32, #tpu.memory_space<vmem>>)
        %add3A_141 = arith.constant 7 : i32
        %add3A_142 = arith.addi %add3A_137, %add3A_141 : i32
        %lt3A_143 = arith.constant 210 : i32
        %lt3A_144 = arith.cmpi slt, %add3A_142, %lt3A_143 : i32
        %convert_element_type3A_145 = arith.extui %lt3A_144 : i1 to i32
        %cond3A_146 = arith.constant 0 : i32
        %cond3A_147 = arith.cmpi ne, %convert_element_type3A_145, %cond3A_146 : i32
        scf.if %cond3A_147 {
          %add3A_205 = arith.constant 7 : i32
          %add3A_206 = arith.addi %add3A_137, %add3A_205 : i32
          %mul3A_207 = arith.constant 48 : i32
          %mul3A_208 = arith.muli %add3A_206, %mul3A_207 : i32
          %add3A_209 = arith.addi %mul3A_0, %mul3A_208 : i32
          %multiple_of3A = tpu.assume_multiple %add3A_209, 48 : i32
          %dma_start3A = tpu.memref_slice %arg4[%multiple_of3A] : memref<161280xi32, #tpu.memory_space<hbm>> -> memref<48xi32, #tpu.memory_space<hbm>>
          %dma_start3A_210 = tpu.memref_slice %arg4[%multiple_of3A] : memref<161280xi32, #tpu.memory_space<hbm>> -> memref<48xi32, #tpu.memory_space<hbm>>
          tpu.enqueue_dma source(%dma_start3A_210 : memref<48xi32, #tpu.memory_space<hbm>>) target(%arg12 : memref<48xi32, #tpu.memory_space<vmem>>) target_semaphore(%arg41 : memref<!tpu.dma_semaphore, #tpu.memory_space<semaphore_mem>>)
        } else {
        }
        %dma_wait3A_148 = arith.constant 0 : i32
        %dma_wait3A_149 = tpu.memref_slice %arg5[%dma_wait3A_148] : memref<161280xi32, #tpu.memory_space<hbm>> -> memref<48xi32, #tpu.memory_space<hbm>>
        %dma_wait3A_150 = arith.constant 0 : i32
        %dma_wait3A_151 = tpu.memref_slice %arg5[%dma_wait3A_150] : memref<161280xi32, #tpu.memory_space<hbm>> -> memref<48xi32, #tpu.memory_space<hbm>>
        tpu.wait_dma2 semaphore(%arg48 : memref<!tpu.dma_semaphore, #tpu.memory_space<semaphore_mem>>) src(%dma_wait3A_151 : memref<48xi32, #tpu.memory_space<hbm>>) dst(%arg19 : memref<48xi32, #tpu.memory_space<vmem>>)
        "tpu.region"() ({
          %run_scoped3A = tpu.sem_alloc : memref<!tpu.dma_semaphore, #tpu.memory_space<semaphore_mem>>
          %dma_start3A = arith.constant 0 : i32
          %dma_start3A_205 = arith.constant 0 : i32
          %dma_start3A_206 = tpu.memref_slice %arg29[%dma_start3A, %dma_start3A_205] : memref<10016x128xf32, #tpu.memory_space<vmem_shared>> -> memref<10016x128xf32, #tpu.memory_space<vmem_shared>>
          tpu.enqueue_indirect_dma source(%arg26 : memref<48x128xf32, #tpu.memory_space<vmem>>) target(%dma_start3A_206 : memref<10016x128xf32, #tpu.memory_space<vmem_shared>>) offsets(%arg19 : memref<48xi32, #tpu.memory_space<vmem>>) semaphore(%run_scoped3A : memref<!tpu.dma_semaphore, #tpu.memory_space<semaphore_mem>>) {add = true}
          %dma_wait3A_207 = arith.constant 0 : i32
          %dma_wait3A_208 = arith.constant 0 : i32
          %dma_wait3A_209 = tpu.memref_slice %arg29[%dma_wait3A_207, %dma_wait3A_208] : memref<10016x128xf32, #tpu.memory_space<vmem_shared>> -> memref<10016x128xf32, #tpu.memory_space<vmem_shared>>
          tpu.wait_indirect_dma semaphore(%run_scoped3A : memref<!tpu.dma_semaphore, #tpu.memory_space<semaphore_mem>>) src(%arg26 : memref<48x128xf32, #tpu.memory_space<vmem>>) dst(%dma_wait3A_209 : memref<10016x128xf32, #tpu.memory_space<vmem_shared>>)
          tpu.yield
        }) : () -> ()
        %add3A_152 = arith.constant 7 : i32
        %add3A_153 = arith.addi %add3A_137, %add3A_152 : i32
        %lt3A_154 = arith.constant 210 : i32
        %lt3A_155 = arith.cmpi slt, %add3A_153, %lt3A_154 : i32
        %convert_element_type3A_156 = arith.extui %lt3A_155 : i1 to i32
        %cond3A_157 = arith.constant 0 : i32
        %cond3A_158 = arith.cmpi ne, %convert_element_type3A_156, %cond3A_157 : i32
        scf.if %cond3A_158 {
          %dma_wait3A_205 = arith.constant 0 : i32
          %dma_wait3A_206 = tpu.memref_slice %arg4[%dma_wait3A_205] : memref<161280xi32, #tpu.memory_space<hbm>> -> memref<48xi32, #tpu.memory_space<hbm>>
          %dma_wait3A_207 = arith.constant 0 : i32
          %dma_wait3A_208 = tpu.memref_slice %arg4[%dma_wait3A_207] : memref<161280xi32, #tpu.memory_space<hbm>> -> memref<48xi32, #tpu.memory_space<hbm>>
          tpu.wait_dma2 semaphore(%arg41 : memref<!tpu.dma_semaphore, #tpu.memory_space<semaphore_mem>>) src(%dma_wait3A_208 : memref<48xi32, #tpu.memory_space<hbm>>) dst(%arg12 : memref<48xi32, #tpu.memory_space<vmem>>)
          %dma_start3A = arith.constant 0 : i32
          %dma_start3A_209 = arith.constant 0 : i32
          %dma_start3A_210 = tpu.memref_slice %arg3[%dma_start3A, %dma_start3A_209] : memref<10000x128xf32, #tpu.memory_space<hbm>> -> memref<10000x128xf32, #tpu.memory_space<hbm>>
          tpu.enqueue_indirect_dma source(%dma_start3A_210 : memref<10000x128xf32, #tpu.memory_space<hbm>>) target(%arg26 : memref<48x128xf32, #tpu.memory_space<vmem>>) offsets(%arg12 : memref<48xi32, #tpu.memory_space<vmem>>) semaphore(%arg34 : memref<!tpu.dma_semaphore, #tpu.memory_space<semaphore_mem>>)
          %add3A_211 = arith.constant 7 : i32
          %add3A_212 = arith.addi %add3A_137, %add3A_211 : i32
          %mul3A_213 = arith.constant 48 : i32
          %mul3A_214 = arith.muli %add3A_212, %mul3A_213 : i32
          %add3A_215 = arith.addi %mul3A_0, %mul3A_214 : i32
          %multiple_of3A = tpu.assume_multiple %add3A_215, 48 : i32
          %dma_start3A_216 = tpu.memref_slice %arg5[%multiple_of3A] : memref<161280xi32, #tpu.memory_space<hbm>> -> memref<48xi32, #tpu.memory_space<hbm>>
          %dma_start3A_217 = tpu.memref_slice %arg5[%multiple_of3A] : memref<161280xi32, #tpu.memory_space<hbm>> -> memref<48xi32, #tpu.memory_space<hbm>>
          tpu.enqueue_dma source(%dma_start3A_217 : memref<48xi32, #tpu.memory_space<hbm>>) target(%arg19 : memref<48xi32, #tpu.memory_space<vmem>>) target_semaphore(%arg48 : memref<!tpu.dma_semaphore, #tpu.memory_space<semaphore_mem>>)
        } else {
        }
        %add3A_159 = arith.constant 5 : i32
        %add3A_160 = arith.addi %mul3A_46, %add3A_159 : i32
        %dma_wait3A_161 = arith.constant 0 : i32
        %dma_wait3A_162 = arith.constant 0 : i32
        %dma_wait3A_163 = tpu.memref_slice %arg3[%dma_wait3A_161, %dma_wait3A_162] : memref<10000x128xf32, #tpu.memory_space<hbm>> -> memref<10000x128xf32, #tpu.memory_space<hbm>>
        tpu.wait_indirect_dma semaphore(%arg35 : memref<!tpu.dma_semaphore, #tpu.memory_space<semaphore_mem>>) src(%dma_wait3A_163 : memref<10000x128xf32, #tpu.memory_space<hbm>>) dst(%arg27 : memref<48x128xf32, #tpu.memory_space<vmem>>)
        %add3A_164 = arith.constant 7 : i32
        %add3A_165 = arith.addi %add3A_160, %add3A_164 : i32
        %lt3A_166 = arith.constant 210 : i32
        %lt3A_167 = arith.cmpi slt, %add3A_165, %lt3A_166 : i32
        %convert_element_type3A_168 = arith.extui %lt3A_167 : i1 to i32
        %cond3A_169 = arith.constant 0 : i32
        %cond3A_170 = arith.cmpi ne, %convert_element_type3A_168, %cond3A_169 : i32
        scf.if %cond3A_170 {
          %add3A_205 = arith.constant 7 : i32
          %add3A_206 = arith.addi %add3A_160, %add3A_205 : i32
          %mul3A_207 = arith.constant 48 : i32
          %mul3A_208 = arith.muli %add3A_206, %mul3A_207 : i32
          %add3A_209 = arith.addi %mul3A_0, %mul3A_208 : i32
          %multiple_of3A = tpu.assume_multiple %add3A_209, 48 : i32
          %dma_start3A = tpu.memref_slice %arg4[%multiple_of3A] : memref<161280xi32, #tpu.memory_space<hbm>> -> memref<48xi32, #tpu.memory_space<hbm>>
          %dma_start3A_210 = tpu.memref_slice %arg4[%multiple_of3A] : memref<161280xi32, #tpu.memory_space<hbm>> -> memref<48xi32, #tpu.memory_space<hbm>>
          tpu.enqueue_dma source(%dma_start3A_210 : memref<48xi32, #tpu.memory_space<hbm>>) target(%arg13 : memref<48xi32, #tpu.memory_space<vmem>>) target_semaphore(%arg42 : memref<!tpu.dma_semaphore, #tpu.memory_space<semaphore_mem>>)
        } else {
        }
        %dma_wait3A_171 = arith.constant 0 : i32
        %dma_wait3A_172 = tpu.memref_slice %arg5[%dma_wait3A_171] : memref<161280xi32, #tpu.memory_space<hbm>> -> memref<48xi32, #tpu.memory_space<hbm>>
        %dma_wait3A_173 = arith.constant 0 : i32
        %dma_wait3A_174 = tpu.memref_slice %arg5[%dma_wait3A_173] : memref<161280xi32, #tpu.memory_space<hbm>> -> memref<48xi32, #tpu.memory_space<hbm>>
        tpu.wait_dma2 semaphore(%arg49 : memref<!tpu.dma_semaphore, #tpu.memory_space<semaphore_mem>>) src(%dma_wait3A_174 : memref<48xi32, #tpu.memory_space<hbm>>) dst(%arg20 : memref<48xi32, #tpu.memory_space<vmem>>)
        "tpu.region"() ({
          %run_scoped3A = tpu.sem_alloc : memref<!tpu.dma_semaphore, #tpu.memory_space<semaphore_mem>>
          %dma_start3A = arith.constant 0 : i32
          %dma_start3A_205 = arith.constant 0 : i32
          %dma_start3A_206 = tpu.memref_slice %arg29[%dma_start3A, %dma_start3A_205] : memref<10016x128xf32, #tpu.memory_space<vmem_shared>> -> memref<10016x128xf32, #tpu.memory_space<vmem_shared>>
          tpu.enqueue_indirect_dma source(%arg27 : memref<48x128xf32, #tpu.memory_space<vmem>>) target(%dma_start3A_206 : memref<10016x128xf32, #tpu.memory_space<vmem_shared>>) offsets(%arg20 : memref<48xi32, #tpu.memory_space<vmem>>) semaphore(%run_scoped3A : memref<!tpu.dma_semaphore, #tpu.memory_space<semaphore_mem>>) {add = true}
          %dma_wait3A_207 = arith.constant 0 : i32
          %dma_wait3A_208 = arith.constant 0 : i32
          %dma_wait3A_209 = tpu.memref_slice %arg29[%dma_wait3A_207, %dma_wait3A_208] : memref<10016x128xf32, #tpu.memory_space<vmem_shared>> -> memref<10016x128xf32, #tpu.memory_space<vmem_shared>>
          tpu.wait_indirect_dma semaphore(%run_scoped3A : memref<!tpu.dma_semaphore, #tpu.memory_space<semaphore_mem>>) src(%arg27 : memref<48x128xf32, #tpu.memory_space<vmem>>) dst(%dma_wait3A_209 : memref<10016x128xf32, #tpu.memory_space<vmem_shared>>)
          tpu.yield
        }) : () -> ()
        %add3A_175 = arith.constant 7 : i32
        %add3A_176 = arith.addi %add3A_160, %add3A_175 : i32
        %lt3A_177 = arith.constant 210 : i32
        %lt3A_178 = arith.cmpi slt, %add3A_176, %lt3A_177 : i32
        %convert_element_type3A_179 = arith.extui %lt3A_178 : i1 to i32
        %cond3A_180 = arith.constant 0 : i32
        %cond3A_181 = arith.cmpi ne, %convert_element_type3A_179, %cond3A_180 : i32
        scf.if %cond3A_181 {
          %dma_wait3A_205 = arith.constant 0 : i32
          %dma_wait3A_206 = tpu.memref_slice %arg4[%dma_wait3A_205] : memref<161280xi32, #tpu.memory_space<hbm>> -> memref<48xi32, #tpu.memory_space<hbm>>
          %dma_wait3A_207 = arith.constant 0 : i32
          %dma_wait3A_208 = tpu.memref_slice %arg4[%dma_wait3A_207] : memref<161280xi32, #tpu.memory_space<hbm>> -> memref<48xi32, #tpu.memory_space<hbm>>
          tpu.wait_dma2 semaphore(%arg42 : memref<!tpu.dma_semaphore, #tpu.memory_space<semaphore_mem>>) src(%dma_wait3A_208 : memref<48xi32, #tpu.memory_space<hbm>>) dst(%arg13 : memref<48xi32, #tpu.memory_space<vmem>>)
          %dma_start3A = arith.constant 0 : i32
          %dma_start3A_209 = arith.constant 0 : i32
          %dma_start3A_210 = tpu.memref_slice %arg3[%dma_start3A, %dma_start3A_209] : memref<10000x128xf32, #tpu.memory_space<hbm>> -> memref<10000x128xf32, #tpu.memory_space<hbm>>
          tpu.enqueue_indirect_dma source(%dma_start3A_210 : memref<10000x128xf32, #tpu.memory_space<hbm>>) target(%arg27 : memref<48x128xf32, #tpu.memory_space<vmem>>) offsets(%arg13 : memref<48xi32, #tpu.memory_space<vmem>>) semaphore(%arg35 : memref<!tpu.dma_semaphore, #tpu.memory_space<semaphore_mem>>)
          %add3A_211 = arith.constant 7 : i32
          %add3A_212 = arith.addi %add3A_160, %add3A_211 : i32
          %mul3A_213 = arith.constant 48 : i32
          %mul3A_214 = arith.muli %add3A_212, %mul3A_213 : i32
          %add3A_215 = arith.addi %mul3A_0, %mul3A_214 : i32
          %multiple_of3A = tpu.assume_multiple %add3A_215, 48 : i32
          %dma_start3A_216 = tpu.memref_slice %arg5[%multiple_of3A] : memref<161280xi32, #tpu.memory_space<hbm>> -> memref<48xi32, #tpu.memory_space<hbm>>
          %dma_start3A_217 = tpu.memref_slice %arg5[%multiple_of3A] : memref<161280xi32, #tpu.memory_space<hbm>> -> memref<48xi32, #tpu.memory_space<hbm>>
          tpu.enqueue_dma source(%dma_start3A_217 : memref<48xi32, #tpu.memory_space<hbm>>) target(%arg20 : memref<48xi32, #tpu.memory_space<vmem>>) target_semaphore(%arg49 : memref<!tpu.dma_semaphore, #tpu.memory_space<semaphore_mem>>)
        } else {
        }
        %add3A_182 = arith.constant 6 : i32
        %add3A_183 = arith.addi %mul3A_46, %add3A_182 : i32
        %dma_wait3A_184 = arith.constant 0 : i32
        %dma_wait3A_185 = arith.constant 0 : i32
        %dma_wait3A_186 = tpu.memref_slice %arg3[%dma_wait3A_184, %dma_wait3A_185] : memref<10000x128xf32, #tpu.memory_space<hbm>> -> memref<10000x128xf32, #tpu.memory_space<hbm>>
        tpu.wait_indirect_dma semaphore(%arg36 : memref<!tpu.dma_semaphore, #tpu.memory_space<semaphore_mem>>) src(%dma_wait3A_186 : memref<10000x128xf32, #tpu.memory_space<hbm>>) dst(%arg28 : memref<48x128xf32, #tpu.memory_space<vmem>>)
        %add3A_187 = arith.constant 7 : i32
        %add3A_188 = arith.addi %add3A_183, %add3A_187 : i32
        %lt3A_189 = arith.constant 210 : i32
        %lt3A_190 = arith.cmpi slt, %add3A_188, %lt3A_189 : i32
        %convert_element_type3A_191 = arith.extui %lt3A_190 : i1 to i32
        %cond3A_192 = arith.constant 0 : i32
        %cond3A_193 = arith.cmpi ne, %convert_element_type3A_191, %cond3A_192 : i32
        scf.if %cond3A_193 {
          %add3A_205 = arith.constant 7 : i32
          %add3A_206 = arith.addi %add3A_183, %add3A_205 : i32
          %mul3A_207 = arith.constant 48 : i32
          %mul3A_208 = arith.muli %add3A_206, %mul3A_207 : i32
          %add3A_209 = arith.addi %mul3A_0, %mul3A_208 : i32
          %multiple_of3A = tpu.assume_multiple %add3A_209, 48 : i32
          %dma_start3A = tpu.memref_slice %arg4[%multiple_of3A] : memref<161280xi32, #tpu.memory_space<hbm>> -> memref<48xi32, #tpu.memory_space<hbm>>
          %dma_start3A_210 = tpu.memref_slice %arg4[%multiple_of3A] : memref<161280xi32, #tpu.memory_space<hbm>> -> memref<48xi32, #tpu.memory_space<hbm>>
          tpu.enqueue_dma source(%dma_start3A_210 : memref<48xi32, #tpu.memory_space<hbm>>) target(%arg14 : memref<48xi32, #tpu.memory_space<vmem>>) target_semaphore(%arg43 : memref<!tpu.dma_semaphore, #tpu.memory_space<semaphore_mem>>)
        } else {
        }
        %dma_wait3A_194 = arith.constant 0 : i32
        %dma_wait3A_195 = tpu.memref_slice %arg5[%dma_wait3A_194] : memref<161280xi32, #tpu.memory_space<hbm>> -> memref<48xi32, #tpu.memory_space<hbm>>
        %dma_wait3A_196 = arith.constant 0 : i32
        %dma_wait3A_197 = tpu.memref_slice %arg5[%dma_wait3A_196] : memref<161280xi32, #tpu.memory_space<hbm>> -> memref<48xi32, #tpu.memory_space<hbm>>
        tpu.wait_dma2 semaphore(%arg50 : memref<!tpu.dma_semaphore, #tpu.memory_space<semaphore_mem>>) src(%dma_wait3A_197 : memref<48xi32, #tpu.memory_space<hbm>>) dst(%arg21 : memref<48xi32, #tpu.memory_space<vmem>>)
        "tpu.region"() ({
          %run_scoped3A = tpu.sem_alloc : memref<!tpu.dma_semaphore, #tpu.memory_space<semaphore_mem>>
          %dma_start3A = arith.constant 0 : i32
          %dma_start3A_205 = arith.constant 0 : i32
          %dma_start3A_206 = tpu.memref_slice %arg29[%dma_start3A, %dma_start3A_205] : memref<10016x128xf32, #tpu.memory_space<vmem_shared>> -> memref<10016x128xf32, #tpu.memory_space<vmem_shared>>
          tpu.enqueue_indirect_dma source(%arg28 : memref<48x128xf32, #tpu.memory_space<vmem>>) target(%dma_start3A_206 : memref<10016x128xf32, #tpu.memory_space<vmem_shared>>) offsets(%arg21 : memref<48xi32, #tpu.memory_space<vmem>>) semaphore(%run_scoped3A : memref<!tpu.dma_semaphore, #tpu.memory_space<semaphore_mem>>) {add = true}
          %dma_wait3A_207 = arith.constant 0 : i32
          %dma_wait3A_208 = arith.constant 0 : i32
          %dma_wait3A_209 = tpu.memref_slice %arg29[%dma_wait3A_207, %dma_wait3A_208] : memref<10016x128xf32, #tpu.memory_space<vmem_shared>> -> memref<10016x128xf32, #tpu.memory_space<vmem_shared>>
          tpu.wait_indirect_dma semaphore(%run_scoped3A : memref<!tpu.dma_semaphore, #tpu.memory_space<semaphore_mem>>) src(%arg28 : memref<48x128xf32, #tpu.memory_space<vmem>>) dst(%dma_wait3A_209 : memref<10016x128xf32, #tpu.memory_space<vmem_shared>>)
          tpu.yield
        }) : () -> ()
        %add3A_198 = arith.constant 7 : i32
        %add3A_199 = arith.addi %add3A_183, %add3A_198 : i32
        %lt3A_200 = arith.constant 210 : i32
        %lt3A_201 = arith.cmpi slt, %add3A_199, %lt3A_200 : i32
        %convert_element_type3A_202 = arith.extui %lt3A_201 : i1 to i32
        %cond3A_203 = arith.constant 0 : i32
        %cond3A_204 = arith.cmpi ne, %convert_element_type3A_202, %cond3A_203 : i32
        scf.if %cond3A_204 {
          %dma_wait3A_205 = arith.constant 0 : i32
          %dma_wait3A_206 = tpu.memref_slice %arg4[%dma_wait3A_205] : memref<161280xi32, #tpu.memory_space<hbm>> -> memref<48xi32, #tpu.memory_space<hbm>>
          %dma_wait3A_207 = arith.constant 0 : i32
          %dma_wait3A_208 = tpu.memref_slice %arg4[%dma_wait3A_207] : memref<161280xi32, #tpu.memory_space<hbm>> -> memref<48xi32, #tpu.memory_space<hbm>>
          tpu.wait_dma2 semaphore(%arg43 : memref<!tpu.dma_semaphore, #tpu.memory_space<semaphore_mem>>) src(%dma_wait3A_208 : memref<48xi32, #tpu.memory_space<hbm>>) dst(%arg14 : memref<48xi32, #tpu.memory_space<vmem>>)
          %dma_start3A = arith.constant 0 : i32
          %dma_start3A_209 = arith.constant 0 : i32
          %dma_start3A_210 = tpu.memref_slice %arg3[%dma_start3A, %dma_start3A_209] : memref<10000x128xf32, #tpu.memory_space<hbm>> -> memref<10000x128xf32, #tpu.memory_space<hbm>>
          tpu.enqueue_indirect_dma source(%dma_start3A_210 : memref<10000x128xf32, #tpu.memory_space<hbm>>) target(%arg28 : memref<48x128xf32, #tpu.memory_space<vmem>>) offsets(%arg14 : memref<48xi32, #tpu.memory_space<vmem>>) semaphore(%arg36 : memref<!tpu.dma_semaphore, #tpu.memory_space<semaphore_mem>>)
          %add3A_211 = arith.constant 7 : i32
          %add3A_212 = arith.addi %add3A_183, %add3A_211 : i32
          %mul3A_213 = arith.constant 48 : i32
          %mul3A_214 = arith.muli %add3A_212, %mul3A_213 : i32
          %add3A_215 = arith.addi %mul3A_0, %mul3A_214 : i32
          %multiple_of3A = tpu.assume_multiple %add3A_215, 48 : i32
          %dma_start3A_216 = tpu.memref_slice %arg5[%multiple_of3A] : memref<161280xi32, #tpu.memory_space<hbm>> -> memref<48xi32, #tpu.memory_space<hbm>>
          %dma_start3A_217 = tpu.memref_slice %arg5[%multiple_of3A] : memref<161280xi32, #tpu.memory_space<hbm>> -> memref<48xi32, #tpu.memory_space<hbm>>
          tpu.enqueue_dma source(%dma_start3A_217 : memref<48xi32, #tpu.memory_space<hbm>>) target(%arg21 : memref<48xi32, #tpu.memory_space<vmem>>) target_semaphore(%arg50 : memref<!tpu.dma_semaphore, #tpu.memory_space<semaphore_mem>>)
        } else {
        }
      }
      %scan3A_43 = arith.constant 30 : i32
    } else {
    }
    %barrier3A_28 = arith.constant 0 : index
    tpu.barrier barrier_id(%barrier3A_28)
    %eq3A_29 = arith.constant 0 : i32
    %eq3A_30 = arith.cmpi eq, %arg0, %eq3A_29 : i32
    %convert_element_type3A_31 = arith.extui %eq3A_30 : i1 to i32
    %cond3A_32 = arith.constant 0 : i32
    %cond3A_33 = arith.cmpi ne, %convert_element_type3A_31, %cond3A_32 : i32
    scf.if %cond3A_33 {
      %lt3A = arith.constant 15 : i32
      %lt3A_39 = arith.cmpi slt, %arg1, %lt3A : i32
      %convert_element_type3A_40 = arith.extui %lt3A_39 : i1 to i32
      %cond3A_41 = arith.constant 0 : i32
      %cond3A_42 = arith.cmpi ne, %convert_element_type3A_40, %cond3A_41 : i32
      scf.if %cond3A_42 {
        %mul3A_48 = arith.constant 624 : i32
        %mul3A_49 = arith.muli %arg1, %mul3A_48 : i32
        %mul3A_50 = arith.constant 624 : i32
        %mul3A_51 = arith.muli %arg1, %mul3A_50 : i32
        "tpu.region"() ({
          %run_scoped3A = tpu.sem_alloc : memref<!tpu.dma_semaphore, #tpu.memory_space<semaphore_mem>>
          %dma_start3A = arith.constant 0 : i32
          %dma_start3A_52 = tpu.memref_slice %arg6[%mul3A_51, %dma_start3A] : memref<10000x128xf32, #tpu.memory_space<hbm>> -> memref<624x128xf32, #tpu.memory_space<hbm>>
          %dma_start3A_53 = arith.constant 0 : i32
          %dma_start3A_54 = tpu.memref_slice %arg29[%mul3A_49, %dma_start3A_53] : memref<10016x128xf32, #tpu.memory_space<vmem_shared>> -> memref<624x128xf32, #tpu.memory_space<vmem_shared>>
          tpu.enqueue_dma source(%dma_start3A_54 : memref<624x128xf32, #tpu.memory_space<vmem_shared>>) target(%dma_start3A_52 : memref<624x128xf32, #tpu.memory_space<hbm>>) target_semaphore(%run_scoped3A : memref<!tpu.dma_semaphore, #tpu.memory_space<semaphore_mem>>)
          %dma_wait3A = arith.constant 0 : i32
          %dma_wait3A_55 = tpu.memref_slice %arg6[%mul3A_51, %dma_wait3A] : memref<10000x128xf32, #tpu.memory_space<hbm>> -> memref<624x128xf32, #tpu.memory_space<hbm>>
          %dma_wait3A_56 = arith.constant 0 : i32
          %dma_wait3A_57 = tpu.memref_slice %arg29[%mul3A_49, %dma_wait3A_56] : memref<10016x128xf32, #tpu.memory_space<vmem_shared>> -> memref<624x128xf32, #tpu.memory_space<vmem_shared>>
          tpu.wait_dma2 semaphore(%run_scoped3A : memref<!tpu.dma_semaphore, #tpu.memory_space<semaphore_mem>>) src(%dma_wait3A_57 : memref<624x128xf32, #tpu.memory_space<vmem_shared>>) dst(%dma_wait3A_55 : memref<624x128xf32, #tpu.memory_space<hbm>>)
          tpu.yield
        }) : () -> ()
      } else {
      }
      %eq3A_43 = arith.constant 15 : i32
      %eq3A_44 = arith.cmpi eq, %arg1, %eq3A_43 : i32
      %convert_element_type3A_45 = arith.extui %eq3A_44 : i1 to i32
      %cond3A_46 = arith.constant 0 : i32
      %cond3A_47 = arith.cmpi ne, %convert_element_type3A_45, %cond3A_46 : i32
      scf.if %cond3A_47 {
        "tpu.region"() ({
          %run_scoped3A = tpu.sem_alloc : memref<!tpu.dma_semaphore, #tpu.memory_space<semaphore_mem>>
          %dma_start3A = arith.constant 9360 : i32
          %dma_start3A_48 = arith.constant 0 : i32
          %dma_start3A_49 = tpu.memref_slice %arg6[%dma_start3A, %dma_start3A_48] : memref<10000x128xf32, #tpu.memory_space<hbm>> -> memref<640x128xf32, #tpu.memory_space<hbm>>
          %dma_start3A_50 = arith.constant 9360 : i32
          %dma_start3A_51 = arith.constant 0 : i32
          %dma_start3A_52 = tpu.memref_slice %arg29[%dma_start3A_50, %dma_start3A_51] : memref<10016x128xf32, #tpu.memory_space<vmem_shared>> -> memref<640x128xf32, #tpu.memory_space<vmem_shared>>
          tpu.enqueue_dma source(%dma_start3A_52 : memref<640x128xf32, #tpu.memory_space<vmem_shared>>) target(%dma_start3A_49 : memref<640x128xf32, #tpu.memory_space<hbm>>) target_semaphore(%run_scoped3A : memref<!tpu.dma_semaphore, #tpu.memory_space<semaphore_mem>>)
          %dma_wait3A = arith.constant 9360 : i32
          %dma_wait3A_53 = arith.constant 0 : i32
          %dma_wait3A_54 = tpu.memref_slice %arg6[%dma_wait3A, %dma_wait3A_53] : memref<10000x128xf32, #tpu.memory_space<hbm>> -> memref<640x128xf32, #tpu.memory_space<hbm>>
          %dma_wait3A_55 = arith.constant 9360 : i32
          %dma_wait3A_56 = arith.constant 0 : i32
          %dma_wait3A_57 = tpu.memref_slice %arg29[%dma_wait3A_55, %dma_wait3A_56] : memref<10016x128xf32, #tpu.memory_space<vmem_shared>> -> memref<640x128xf32, #tpu.memory_space<vmem_shared>>
          tpu.wait_dma2 semaphore(%run_scoped3A : memref<!tpu.dma_semaphore, #tpu.memory_space<semaphore_mem>>) src(%dma_wait3A_57 : memref<640x128xf32, #tpu.memory_space<vmem_shared>>) dst(%dma_wait3A_54 : memref<640x128xf32, #tpu.memory_space<hbm>>)
          tpu.yield
        }) : () -> ()
      } else {
      }
    } else {
    }
    %eq3A_34 = arith.constant 1 : i32
    %eq3A_35 = arith.cmpi eq, %arg0, %eq3A_34 : i32
    %convert_element_type3A_36 = arith.extui %eq3A_35 : i1 to i32
    %cond3A_37 = arith.constant 0 : i32
    %cond3A_38 = arith.cmpi ne, %convert_element_type3A_36, %cond3A_37 : i32
    scf.if %cond3A_38 {
      %lt3A = arith.constant 15 : i32
      %lt3A_39 = arith.cmpi slt, %arg1, %lt3A : i32
      %convert_element_type3A_40 = arith.extui %lt3A_39 : i1 to i32
      %cond3A_41 = arith.constant 0 : i32
      %cond3A_42 = arith.cmpi ne, %convert_element_type3A_40, %cond3A_41 : i32
      scf.if %cond3A_42 {
        %mul3A_48 = arith.constant 624 : i32
        %mul3A_49 = arith.muli %arg1, %mul3A_48 : i32
        %mul3A_50 = arith.constant 624 : i32
        %mul3A_51 = arith.muli %arg1, %mul3A_50 : i32
        "tpu.region"() ({
          %run_scoped3A = tpu.sem_alloc : memref<!tpu.dma_semaphore, #tpu.memory_space<semaphore_mem>>
          %dma_start3A = arith.constant 0 : i32
          %dma_start3A_52 = tpu.memref_slice %arg7[%mul3A_51, %dma_start3A] : memref<10000x128xf32, #tpu.memory_space<hbm>> -> memref<624x128xf32, #tpu.memory_space<hbm>>
          %dma_start3A_53 = arith.constant 0 : i32
          %dma_start3A_54 = tpu.memref_slice %arg29[%mul3A_49, %dma_start3A_53] : memref<10016x128xf32, #tpu.memory_space<vmem_shared>> -> memref<624x128xf32, #tpu.memory_space<vmem_shared>>
          tpu.enqueue_dma source(%dma_start3A_54 : memref<624x128xf32, #tpu.memory_space<vmem_shared>>) target(%dma_start3A_52 : memref<624x128xf32, #tpu.memory_space<hbm>>) target_semaphore(%run_scoped3A : memref<!tpu.dma_semaphore, #tpu.memory_space<semaphore_mem>>)
          %dma_wait3A = arith.constant 0 : i32
          %dma_wait3A_55 = tpu.memref_slice %arg7[%mul3A_51, %dma_wait3A] : memref<10000x128xf32, #tpu.memory_space<hbm>> -> memref<624x128xf32, #tpu.memory_space<hbm>>
          %dma_wait3A_56 = arith.constant 0 : i32
          %dma_wait3A_57 = tpu.memref_slice %arg29[%mul3A_49, %dma_wait3A_56] : memref<10016x128xf32, #tpu.memory_space<vmem_shared>> -> memref<624x128xf32, #tpu.memory_space<vmem_shared>>
          tpu.wait_dma2 semaphore(%run_scoped3A : memref<!tpu.dma_semaphore, #tpu.memory_space<semaphore_mem>>) src(%dma_wait3A_57 : memref<624x128xf32, #tpu.memory_space<vmem_shared>>) dst(%dma_wait3A_55 : memref<624x128xf32, #tpu.memory_space<hbm>>)
          tpu.yield
        }) : () -> ()
      } else {
      }
      %eq3A_43 = arith.constant 15 : i32
      %eq3A_44 = arith.cmpi eq, %arg1, %eq3A_43 : i32
      %convert_element_type3A_45 = arith.extui %eq3A_44 : i1 to i32
      %cond3A_46 = arith.constant 0 : i32
      %cond3A_47 = arith.cmpi ne, %convert_element_type3A_45, %cond3A_46 : i32
      scf.if %cond3A_47 {
        "tpu.region"() ({
          %run_scoped3A = tpu.sem_alloc : memref<!tpu.dma_semaphore, #tpu.memory_space<semaphore_mem>>
          %dma_start3A = arith.constant 9360 : i32
          %dma_start3A_48 = arith.constant 0 : i32
          %dma_start3A_49 = tpu.memref_slice %arg7[%dma_start3A, %dma_start3A_48] : memref<10000x128xf32, #tpu.memory_space<hbm>> -> memref<640x128xf32, #tpu.memory_space<hbm>>
          %dma_start3A_50 = arith.constant 9360 : i32
          %dma_start3A_51 = arith.constant 0 : i32
          %dma_start3A_52 = tpu.memref_slice %arg29[%dma_start3A_50, %dma_start3A_51] : memref<10016x128xf32, #tpu.memory_space<vmem_shared>> -> memref<640x128xf32, #tpu.memory_space<vmem_shared>>
          tpu.enqueue_dma source(%dma_start3A_52 : memref<640x128xf32, #tpu.memory_space<vmem_shared>>) target(%dma_start3A_49 : memref<640x128xf32, #tpu.memory_space<hbm>>) target_semaphore(%run_scoped3A : memref<!tpu.dma_semaphore, #tpu.memory_space<semaphore_mem>>)
          %dma_wait3A = arith.constant 9360 : i32
          %dma_wait3A_53 = arith.constant 0 : i32
          %dma_wait3A_54 = tpu.memref_slice %arg7[%dma_wait3A, %dma_wait3A_53] : memref<10000x128xf32, #tpu.memory_space<hbm>> -> memref<640x128xf32, #tpu.memory_space<hbm>>
          %dma_wait3A_55 = arith.constant 9360 : i32
          %dma_wait3A_56 = arith.constant 0 : i32
          %dma_wait3A_57 = tpu.memref_slice %arg29[%dma_wait3A_55, %dma_wait3A_56] : memref<10016x128xf32, #tpu.memory_space<vmem_shared>> -> memref<640x128xf32, #tpu.memory_space<vmem_shared>>
          tpu.wait_dma2 semaphore(%run_scoped3A : memref<!tpu.dma_semaphore, #tpu.memory_space<semaphore_mem>>) src(%dma_wait3A_57 : memref<640x128xf32, #tpu.memory_space<vmem_shared>>) dst(%dma_wait3A_54 : memref<640x128xf32, #tpu.memory_space<hbm>>)
          tpu.yield
        }) : () -> ()
      } else {
      }
    } else {
    }
    return
  }
}

module attributes {stable_mosaic.version = 14 : i64} {
  func.func @_mlp_body(%arg0: i32, %arg1: memref<1000x128xf32, #tpu.memory_space<vmem>>, %arg2: memref<1000x128xf32, #tpu.memory_space<vmem>>, %arg3: memref<256x512xf32, #tpu.memory_space<vmem>>, %arg4: memref<1x512xf32, #tpu.memory_space<vmem>>, %arg5: memref<512x256xf32, #tpu.memory_space<vmem>>, %arg6: memref<1x256xf32, #tpu.memory_space<vmem>>, %arg7: memref<1000x256xf32, #tpu.memory_space<vmem>>) attributes {dimension_semantics = [#tpu.dimension_semantics<arbitrary>], iteration_bounds = array<i64: 10>, scalar_prefetch = 0 : i64, scratch_operands = 0 : i64, tpu.core_type = #tpu.core_type<tc>, window_params = [{transform_indices = @transform_0, window_bounds = array<i64: 1000, 128>}, {transform_indices = @transform_1, window_bounds = array<i64: 1000, 128>}, {pipeline_mode = #tpu.pipeline_mode<synchronous>, transform_indices = @transform_2, window_bounds = array<i64: 256, 512>}, {pipeline_mode = #tpu.pipeline_mode<synchronous>, transform_indices = @transform_3, window_bounds = array<i64: 1, 512>}, {pipeline_mode = #tpu.pipeline_mode<synchronous>, transform_indices = @transform_4, window_bounds = array<i64: 512, 256>}, {pipeline_mode = #tpu.pipeline_mode<synchronous>, transform_indices = @transform_5, window_bounds = array<i64: 1, 256>}, {transform_indices = @transform_6, window_bounds = array<i64: 1000, 256>}]} {
    %get3A = arith.constant 0 : index
    %get3A_0 = arith.constant 0 : index
    %get3A_1 = vector.load %arg1[%get3A, %get3A_0] : memref<1000x128xf32, #tpu.memory_space<vmem>>, vector<1000x128xf32>
    %get3A_2 = arith.constant 0 : index
    %get3A_3 = arith.constant 0 : index
    %get3A_4 = vector.load %arg2[%get3A_2, %get3A_3] : memref<1000x128xf32, #tpu.memory_space<vmem>>, vector<1000x128xf32>
    %concatenate3A = tpu.concatenate %get3A_1, %get3A_4 in 1 : vector<1000x128xf32>, vector<1000x128xf32> -> vector<1000x256xf32>
    %get3A_5 = arith.constant 0 : index
    %get3A_6 = arith.constant 0 : index
    %get3A_7 = vector.load %arg3[%get3A_5, %get3A_6] : memref<256x512xf32, #tpu.memory_space<vmem>>, vector<256x512xf32>
    %dot_general3A = arith.constant dense<0.000000e+00> : vector<1000x512xf32>
    %dot_general3A_8 = tpu.matmul %concatenate3A, %get3A_7, %dot_general3A {dimension_numbers = #tpu.dot_dimension_numbers<[1], [0], [0], [1], [0, 0, 1, 1], [], []>, transpose_lhs_hint = false} : vector<1000x256xf32>, vector<256x512xf32>, vector<1000x512xf32> -> vector<1000x512xf32>
    %get3A_9 = arith.constant 0 : index
    %get3A_10 = arith.constant 0 : index
    %get3A_11 = vector.load %arg4[%get3A_9, %get3A_10] : memref<1x512xf32, #tpu.memory_space<vmem>>, vector<1x512xf32>
    %add3A = vector.broadcast %get3A_11 : vector<1x512xf32> to vector<1000x512xf32>
    %add3A_12 = arith.addf %dot_general3A_8, %add3A : vector<1000x512xf32>
    %max3A = arith.constant 0.000000e+00 : f32
    %max3A_13 = vector.broadcast %max3A : f32 to vector<1000x512xf32>
    %max3A_14 = arith.maximumf %add3A_12, %max3A_13 : vector<1000x512xf32>
    %get3A_15 = arith.constant 0 : index
    %get3A_16 = arith.constant 0 : index
    %get3A_17 = vector.load %arg5[%get3A_15, %get3A_16] : memref<512x256xf32, #tpu.memory_space<vmem>>, vector<512x256xf32>
    %dot_general3A_18 = arith.constant dense<0.000000e+00> : vector<1000x256xf32>
    %dot_general3A_19 = tpu.matmul %max3A_14, %get3A_17, %dot_general3A_18 {dimension_numbers = #tpu.dot_dimension_numbers<[1], [0], [0], [1], [0, 0, 1, 1], [], []>, transpose_lhs_hint = false} : vector<1000x512xf32>, vector<512x256xf32>, vector<1000x256xf32> -> vector<1000x256xf32>
    %get3A_20 = arith.constant 0 : index
    %get3A_21 = arith.constant 0 : index
    %get3A_22 = vector.load %arg6[%get3A_20, %get3A_21] : memref<1x256xf32, #tpu.memory_space<vmem>>, vector<1x256xf32>
    %add3A_23 = vector.broadcast %get3A_22 : vector<1x256xf32> to vector<1000x256xf32>
    %add3A_24 = arith.addf %dot_general3A_19, %add3A_23 : vector<1000x256xf32>
    %swap3A = arith.constant 0 : index
    %swap3A_25 = arith.constant 0 : index
    %swap3A_26 = vector.load %arg7[%swap3A, %swap3A_25] : memref<1000x256xf32, #tpu.memory_space<vmem>>, vector<1000x256xf32>
    tpu.vector_store %arg7[%swap3A, %swap3A_25], %add3A_24 {strides = array<i32>} : memref<1000x256xf32, #tpu.memory_space<vmem>>, vector<1000x256xf32>,
    return
  }
  func.func @transform_0(%arg0: i32) -> (i32, i32) {
    %c0_i32 = arith.constant 0 : i32
    %c0_i32_0 = arith.constant 0 : i32
    return %arg0, %c0_i32 : i32, i32
  }
  func.func @transform_1(%arg0: i32) -> (i32, i32) {
    %c0_i32 = arith.constant 0 : i32
    %c0_i32_0 = arith.constant 0 : i32
    return %arg0, %c0_i32 : i32, i32
  }
  func.func @transform_2(%arg0: i32) -> (i32, i32) {
    %c0_i32 = arith.constant 0 : i32
    %c0_i32_0 = arith.constant 0 : i32
    %c0_i32_1 = arith.constant 0 : i32
    return %c0_i32, %c0_i32_0 : i32, i32
  }
  func.func @transform_3(%arg0: i32) -> (i32, i32) {
    %c0_i32 = arith.constant 0 : i32
    %c0_i32_0 = arith.constant 0 : i32
    %c0_i32_1 = arith.constant 0 : i32
    return %c0_i32, %c0_i32_0 : i32, i32
  }
  func.func @transform_4(%arg0: i32) -> (i32, i32) {
    %c0_i32 = arith.constant 0 : i32
    %c0_i32_0 = arith.constant 0 : i32
    %c0_i32_1 = arith.constant 0 : i32
    return %c0_i32, %c0_i32_0 : i32, i32
  }
  func.func @transform_5(%arg0: i32) -> (i32, i32) {
    %c0_i32 = arith.constant 0 : i32
    %c0_i32_0 = arith.constant 0 : i32
    %c0_i32_1 = arith.constant 0 : i32
    return %c0_i32, %c0_i32_0 : i32, i32
  }
  func.func @transform_6(%arg0: i32) -> (i32, i32) {
    %c0_i32 = arith.constant 0 : i32
    %c0_i32_0 = arith.constant 0 : i32
    return %arg0, %c0_i32 : i32, i32
  }
}

</mosaic_0001>

<sc_bundles>
// kernel: kernel.4.cloned.1.call-start
scs
__scs_entry_jumppad:
0x0: {  	(pc) =	sbr.rel $0x88, $3  }
0x1: {  	(tag) =	ssettag $0x0;
	lr =	simm.s32 $0x1  }
0x2: {  	[smem:$0x3F9B] =	sst lr;
	_ =	strace $0xD0000000  }
0x3: {  	_ = 	snop  }
0x4: {  	_ = 	snop  }
0x5: {  	_ = 	snop  }
0x6: {  	_ = 	snop  }
0x7: {  	_ = 	snop  }
__scs_overlays_trampoline_lowered:
0x8: {  	[smem:$0x3FAA] =	sst s0  }
0x9: {  	[smem:$0x3FAB] =	sst s1  }
0xa: {  	[smem:$0x3FAC] =	sst s2  }
0xb: {  	[smem:$0x3FAD] =	sst s3  }
0xc: {  	[smem:$0x3FAE] =	sst s4  }
0xd: {  	[smem:$0x3FAF] =	sst s5  }
0xe: {  	[smem:$0x3FB0] =	sst s6  }
0xf: {  	[smem:$0x3FB1] =	sst s7  }
0x10: {  	[smem:$0x3FB2] =	sst s8  }
0x11: {  	[smem:$0x3FB3] =	sst s9;
	s0 =	simm.s32 @!p0 $0x0  }
0x12: {  	s1 =	sld [smem:$0x3F99];
	s0 =	simm.s32 @p0 $0x1  }
0x13: {  	[smem:$0x3FB4] =	sst s0;
	s0 =	simm.s32 @!p1 $0x0  }
0x14: {  	s2 =	sld [smem:$0x3F98];
	s0 =	simm.s32 @p1 $0x1  }
0x15: {  	[smem:$0x3FB5] =	sst s0;
	s0 =	simm.s32 @!p2 $0x0  }
0x16: {  	s3 =	sld [smem:$0x3FDB];
	s0 =	simm.s32 @p2 $0x1  }
0x17: {  	s4 =	simm.s32 $0x1BF5;
	[smem:$0x3FB7] =	sst s0  }
0x18: {  	s0 =	sld [smem:$0x3F9A];
	_ =	swait.ge [sflag:s4], $0x0  }
0x19: {  	s7 =	sld [smem:$0x3F9B]  }
0x1a: {  	s8 =	sadd.s32 $0xFFFFE003, lr  }
0x1b: {  	s9 =	sadd.s32 $0xFFFFFEF7, lr;
	s5 =	simm.s32 $0xFFFFFFFF;
	p2 =	slt.u32 s8, $0xFFFFF086  }
0x1c: {  	p1 =	slt.u32 s9, $0xF7A;
	s5 =	simm.s32 @!p2 $0x0  }
0x1d: {  	s5 =	simm.s32 @p1 $0x1;
	p0 =	seq.s32 s7, s2  }
0x1e: {  	s7 =	smul.u32 @!p0 $0xF7A, s2;
	p2 =	seq.s32 @!p0 s5, $0x0  }
0x1f: {  	s9 =	smul.u32 $0xF7A, s1;
	s8 =	simm.s32 @!p0 $0x1BF5;
	p2 =	por !p2, p0  }
0x20: {  	[sflag:s8] =	ssyncset.s32 @!p0 $0xFFFFF086;
	s6 =	sadd.s32 @!p0 s3, s7;
	s7 =	simm.s32 @!p0 $0x108  }
0x21: {  	s3 =	sadd.s32 s3, s9;
	s6 =	sadd.s32 @!p0 $0x88, s6;
	s7 =	simm.s32 @p2 $0x1082  }
0x22: {  	[simem:s7], [sflag:s8] =	dma.local @!p0 [hbm:s6], $0xF7A  }
0x23: {  	s9 =	sor.u32 $0xD0000000, s2;
	s6 =	simm.s32 $0x108;
	_ =	swait.ge @!p0 [sflag:s8], $0x0  }
0x24: {  	s3 =	sadd.s32 $0x88, s3;
	s6 =	simm.s32 @!p1 $0x1082;
	[sflag:s4] =	ssyncset.s32 $0xFFFFF086  }
0x25: {  	[simem:s6], [sflag:s4] =	dma.local [hbm:s3], $0xF7A  }
0x26: {  	[smem:$0x3F9B] =	sst s1;
	(tag) =	ssettag s2;
	_ =	strace s9  }
0x27: {  	s1 =	sld [smem:$0x3FAB]  }
0x28: {  	s2 =	sld [smem:$0x3FAC]  }
0x29: {  	s4 =	sld [smem:$0x3FAE]  }
0x2a: {  	p0 =	seq.s32 s5, $0x0;
	s5 =	sld [smem:$0x3FAF]  }
0x2b: {  	s6 =	sld [smem:$0x3FB0]  }
0x2c: {  	s7 =	sld [smem:$0x3FB1]  }
0x2d: {  	s3 =	simm.s32 $0x108;
	s8 =	sld [smem:$0x3FB2]  }
0x2e: {  	s3 =	simm.s32 @!p0 $0x1082;
	s9 =	sld [smem:$0x3FB3]  }
0x2f: {  	lr =	sadd.s32 s0, s3;
	s0 =	sld [smem:$0x3FAA]  }
0x30: {  	s3 =	sld [smem:$0x3FAD]  }
0x31: {  	[smem:$0x3FB6] =	sst s10  }
0x32: {  	s10 =	sld [smem:$0x3FB4];
	_ =	sdelay $0x3  }
0x33: {  	p0 =	seq.s32 s10, $0x1;
	s10 =	sld [smem:$0x3FB6];
	_ =	sdelay $0x3  }
0x34: {  	[smem:$0x3FB6] =	sst s10  }
0x35: {  	s10 =	sld [smem:$0x3FB5];
	_ =	sdelay $0x3  }
0x36: {  	p1 =	seq.s32 s10, $0x1;
	s10 =	sld [smem:$0x3FB6];
	_ =	sdelay $0x3  }
0x37: {  	[smem:$0x3FB6] =	sst s10  }
0x38: {  	s10 =	sld [smem:$0x3FB7]  }
0x39: {  	_ = 	snop;
	(pc) =	sbr.ind lr, $3  }
0x3a: {  	_ = 	snop  }
0x3b: {  	_ = 	snop  }
0x3c: {  	p2 =	seq.s32 s10, $0x1;
	s10 =	sld [smem:$0x3FB6]  }
0x3d: {  	_ =	shalt  }
0x3e: {  	_ =	shalt  }
0x3f: {  	_ =	shalt  }
0x40: {  	_ =	shalt  }
0x41: {  	_ =	shalt  }
0x42: {  	_ =	shalt  }
0x43: {  	_ =	shalt  }
0x44: {  	_ =	shalt  }
0x45: {  	_ =	shalt  }
0x46: {  	_ =	shalt  }
0x47: {  	_ =	shalt  }
0x48: {  	_ =	shalt  }
0x49: {  	_ =	shalt  }
0x4a: {  	_ =	shalt  }
0x4b: {  	_ =	shalt  }
0x4c: {  	_ =	shalt  }
0x4d: {  	_ =	shalt  }
0x4e: {  	_ =	shalt  }
0x4f: {  	_ =	shalt  }
0x50: {  	_ =	shalt  }
0x51: {  	_ =	shalt  }
0x52: {  	_ =	shalt  }
0x53: {  	_ =	shalt  }
0x54: {  	_ =	shalt  }
0x55: {  	_ =	shalt  }
0x56: {  	_ =	shalt  }
0x57: {  	_ =	shalt  }
0x58: {  	_ =	shalt  }
0x59: {  	_ =	shalt  }
0x5a: {  	_ =	shalt  }
0x5b: {  	_ =	shalt  }
0x5c: {  	_ =	shalt  }
0x5d: {  	_ =	shalt  }
0x5e: {  	_ =	shalt  }
0x5f: {  	_ =	shalt  }
0x60: {  	_ =	shalt  }
0x61: {  	_ =	shalt  }
0x62: {  	_ =	shalt  }
0x63: {  	_ =	shalt  }
0x64: {  	_ =	shalt  }
0x65: {  	_ =	shalt  }
0x66: {  	_ =	shalt  }
0x67: {  	_ =	shalt  }
0x68: {  	_ =	shalt  }
0x69: {  	_ =	shalt  }
0x6a: {  	_ =	shalt  }
0x6b: {  	_ =	shalt  }
0x6c: {  	_ =	shalt  }
0x6d: {  	_ =	shalt  }
0x6e: {  	_ =	shalt  }
0x6f: {  	_ =	shalt  }
0x70: {  	_ =	shalt  }
0x71: {  	_ =	shalt  }
0x72: {  	_ =	shalt  }
0x73: {  	_ =	shalt  }
0x74: {  	_ =	shalt  }
0x75: {  	_ =	shalt  }
0x76: {  	_ =	shalt  }
0x77: {  	_ =	shalt  }
0x78: {  	_ =	shalt  }
0x79: {  	_ =	shalt  }
0x7a: {  	_ =	shalt  }
0x7b: {  	_ =	shalt  }
0x7c: {  	_ =	shalt  }
0x7d: {  	_ =	shalt  }
0x7e: {  	_ =	shalt  }
0x7f: {  	_ =	shalt  }
0x80: {  	_ =	shalt  }
0x81: {  	_ =	shalt  }
0x82: {  	_ =	shalt  }
0x83: {  	_ =	shalt  }
0x84: {  	_ =	shalt  }
0x85: {  	_ =	shalt  }
0x86: {  	_ =	shalt  }
0x87: {  	_ =	shalt  }
.Lfunc_end0:
.L_simem_size_0:
called_computation_lowered:
.L_overlay_start_0:
0x88: {  	s2 =	sld [smem:$0x3FD9]  }
0x89: {  	s3 =	sld [smem:$0x3FFE];
	_ =	sdelay $0x1  }
0x8a: {  	s1 =	srdreg.scid  }
0x8b: {  	s0 =	sand.u32 $0x1, s1  }
0x8c: {  	s17 =	sshll.u32 s0, $0xA;
	s2 =	sadd.s32 s3, s2  }
0x8d: {  	s2 =	sadd.s32 s2, s17  }
0x8e: {  	[smem:$0x3FC2] =	sst s2  }
0x8f: {  	_ = 	snop  }
0x90: {  	s2 =	sld [smem:$0x3FD0];
	(tm) =	ssettm $0x1  }
0x91: {  	s18 =	sld [smem:$0x3FFB];
	_ =	sdelay $0x3  }
0x92: {  	_ =	strace s18  }
0x93: {  	s3 =	sld [smem:$0x3FFC];
	_ =	sdelay $0x3  }
0x94: {  	_ =	strace s3  }
0x95: {  	s3 =	sld [smem:$0x3FFD];
	_ =	sdelay $0x3  }
0x96: {  	_ =	strace s3  }
0x97: {  	_ =	strace $0x8FFFFFFF  }
0x98: {  	s19 =	sld [smem:$0x3FDB];
	_ =	sdelay $0x1  }
0x99: {  	s4 =	simm.s32 $_scs_section_size  }
0x9a: {  	s5 =	simm.s32 $_size__tile_overlayer_lowered;
	s6 =	simm.s32 $_tile_overlayer_lowered  }
0x9b: {  	s22 =	simm.s32 $0x1BFF;
	s21 =	sshll.u32 s6, $0x1;
	s3 =	sadd.s32 s4, s19  }
0x9c: {  	s7 =	simm.s32 $0x0;
	s20 =	sshll.u32 s5, $0x1;
	s5 =	sadd.s32 s21, s3  }
0x9d: {  	[timem:s7], [sflag:s22] =	dma.local [hbm:s5], s20  }
0x9e: {  	_ =	swait.ge [sflag:s22], s20  }
0x9f: {  	s4 =	ssub.s32 $0x0, s20;
	[sflag:s22] =	ssyncset.done $0x0  }
0xa0: {  	[sflag:s22] =	ssyncadd.s32 s4;
	_ =	sdelay $0x1  }
0xa1: {  	s23 =	simm.s32 $0x1B8B  }
0xa2: {  	_ =	swait.ge [sflag:s23], $0x1  }
0xa3: {  	[sflag:s23] =	ssyncset.done $0x0  }
0xa4: {  	s25 =	simm.s32 $0x1B8E;
	s24 =	sld [smem:$0x3FFE];
	[sflag:s23] =	ssyncadd.s32 $0xFFFFFFFF  }
0xa5: {  	s26 =	simm.s32 $execute0_lowered;
	[smem:$0x3FD2] =	sst s25  }
0xa6: {  	s5 =	sshll.u32 s26, $0x1;
	_ =	strace $0x80000046;
	[dreg:$0x1] =	wrdreg $0xFFFFFFFF  }
0xa7: {  	s28 =	simm.s32 $_size_execute0_lowered;
	s3 =	sadd.s32 s3, s5;
	[dreg:$0x0] =	wrdreg $0x0  }
0xa8: {  	s5 =	sshll.u32 s28, $0x1;
	[dreg:$0x2] =	wrdreg s3  }
0xa9: {  	[dreg:$0x3] =	wrdreg s5  }
0xaa: {  	[dreg:$0x4] =	wrdreg $0xC0  }
0xab: {  	_ =	task [dreg:s7], $0x5FFFF  }
0xac: {  	[dreg:$0x1] =	wrdreg $0xFFFFFFFF  }
0xad: {  	[dreg:$0x0] =	wrdreg $0x60  }
0xae: {  	[dreg:$0x2] =	wrdreg s24  }
0xaf: {  	[dreg:$0x3] =	wrdreg s2  }
0xb0: {  	[dreg:$0x4] =	wrdreg $0xAF000  }
0xb1: {  	[dreg:$0x5] =	wrdreg $0x9  }
0xb2: {  	_ =	task.clear_ibuf [dreg:s7], $0x6FFFF;
	_ =	strace $0x90000046  }
0xb3: {  	s29 =	simm.s32 $0x9;
	_ =	strace $0x80000048  }
0xb4: {  	_ =	swait.ge [sflag:s29], $0x1  }
0xb5: {  	[sflag:s29] =	ssyncadd.s32 $0xFFFFFFFF  }
0xb6: {  	_ =	strace $0x90000048  }
0xb7: {  	_ =	sfence  }
0xb8: {  	s30 =	sld [smem:$0x0];
	_ =	sdelay $0x2  }
0xb9: {  	s31 =	sshll.u32 s1, $0xD;
	s1 =	sshrl.u32 s1, $0x2  }
0xba: {  	s3 =	sand.u32 $0x4000, s31;
	s1 =	sadd.s32 s1, s30  }
0xbb: {  	s0 =	sor.u32 s3, s0;
	s1 =	sshll.u32 s1, $0x11  }
0xbc: {  	s0 =	sor.u32 s1, s0  }
0xbd: {  	s0 =	sadd.s32 $0x8F2B, s0  }
0xbe: {  	[sflag:s0] =	ssyncadd.remote.s32 $0x1  }
0xbf: {  	_ =	sfence.sel $0xFFFF  }
0xc0: {  	[dreg:$0x0] =	wrdreg $0xFFFFFFFF;
	(pc) =	sbr.abs _section_cstart, $3  }
0xc1: {  	[dreg:$0x1] =	wrdreg $0xFFFFFFFF  }
0xc2: {  	_ =	task.clear_ibuf [dreg:s7], $0x2FFFF;
	_ =	strace $0x9FFFFFFF  }
0xc3: {  	(tm) =	ssettm $0x7FFFFFFF  }
tec
execute0_lowered:
.L_overlay_start_1:
0x0: {  	(tag) =	ssettag $0x1  }
0x1: {  	s0 =	rddreg [dreg:$0x0]  }
0x2: {  	s2 =	rddreg [dreg:$0x1]  }
0x3: {  	s3 =	rddreg [dreg:$0x2];
	s4 =	simm.s32 $0x0  }
0x4: {  	s11 =	stileid.u32;
	s1 =	srdreg.scid;
	s31 =	simm.s32 $0x180  }
0x5: {  	s28 =	simm.s32 $0x7F00;
	s30 =	simm.s32 $0x9700;
	s29 =	simm.s32 $0x16  }
0x6: {  	[smem:$0x7FF] =	sst s4;
	s1 =	sand.u32 $0x1, s1;
	s5 =	smul.u32 $0x2760, s11  }
0x7: {  	s7 =	sadd.s32 $0x2D000, s0;
	s9 =	sadd.s32 $0x28000, s0;
	s26 =	smul.u32 $0x4EC, s11  }
0x8: {  	s13 =	smul.u32 $0x4E000, s11;
	p1 =	seq.s32 s11, $0xF;
	s6 =	ssub.s32 $0x2, s1  }
0x9: {  	_ =	strace $0x80000047;
	s8 =	sshrl.u32 s6, $0x1;
	s5 =	sshrl.u32 s5, $0x3  }
0xa: {  	p0 =	sne.s32 s1, $0x0;
	s6 =	ssub.s32 s6, s8;
	s14 =	sadd.s32 $0x6, s5  }
0xb: {  	s10 =	sadd.s32 s7, s5;
	s15 =	sadd.s32 s9, s5;
	s17 =	sadd.s32 $0xC, s5  }
0xc: {  	s18 =	sadd.s32 $0x12, s5;
	s21 =	sadd.s32 $0x18, s5;
	[dreg:$0x4] =	wrdreg s10  }
0xd: {  	s22 =	sadd.s32 $0x1E, s5;
	[dreg:$0x5] =	wrdreg s15;
	s16 =	sadd.s32 s7, s14  }
0xe: {  	s5 =	sadd.s32 $0x24, s5;
	s8 =	sadd.s32 s9, s14;
	[dreg:$0x6] =	wrdreg s16  }
0xf: {  	s12 =	sadd.s32 s7, s17;
	s19 =	sadd.s32 s7, s18;
	[dreg:$0x7] =	wrdreg s8  }
0x10: {  	s20 =	sadd.s32 s9, s18;
	s23 =	sadd.s32 s7, s21;
	[dreg:$0x8] =	wrdreg s12  }
0x11: {  	s24 =	sadd.s32 s7, s22;
	s25 =	sadd.s32 s9, s22;
	[dreg:$0xa] =	wrdreg s19  }
0x12: {  	s14 =	smul.u32 $0x2700, s11;
	s15 =	sshrl.u32 s13, $0x2;
	[dreg:$0xb] =	wrdreg s20  }
0x13: {  	s22 =	sadd.s32 $0x25700, s0;
	s13 =	simm.s32 $0x80;
	[dreg:$0xc] =	wrdreg s23  }
0x14: {  	s11 =	simm.s32 $0x30;
	s8 =	sadd.s32 s9, s17;
	[dreg:$0xe] =	wrdreg s24  }
0x15: {  	[dreg:$0xf] =	wrdreg s25;
	s12 =	sadd.s32 s7, s5;
	s5 =	sadd.s32 s9, s5  }
0x16: {  	s20 =	sadd.s32 s26, s7;
	s1 =	sadd.s32 s15, s3;
	[dreg:$0x18] =	wrdreg s22  }
0x17: {  	s23 =	sadd.s32 $0x7DB00, s0;
	s24 =	smax.u32 s6, $0x1;
	[dreg:$0x9] =	wrdreg s8  }
0x18: {  	s25 =	sadd.s32 $0x124800, s3;
	s22 =	simm.s32 $0x200;
	[dreg:$0x10] =	wrdreg s12  }
0x19: {  	s6 =	simm.s32 $0x4;
	s7 =	simm.s32 $0x12;
	[dreg:$0x11] =	wrdreg s5  }
0x1a: {  	s8 =	sadd.s32 s9, s21;
	s9 =	sadd.s32 s26, s9;
	[dreg:$0x13] =	wrdreg s1  }
0x1b: {  	s21 =	sadd.s32 $0xE00, s0;
	s16 =	sadd.s32 s14, s0;
	[dreg:$0x19] =	wrdreg s23  }
0x1c: {  	s17 =	sadd.s32 s2, s14;
	s0 =	sadd.s32 $0x56900, s0;
	[dreg:$0x1b] =	wrdreg s24  }
0x1d: {  	[dreg:$0x1c] =	wrdreg s25;
	s26 =	sadd.s32 $0x24900, s2;
	s25 =	simm.s32 $0x380  }
0x1e: {  	s24 =	simm.s32 $0x680;
	s23 =	simm.s32 $0x10;
	[dreg:$0xd] =	wrdreg s8  }
0x1f: {  	s5 =	simm.s32 $0x11;
	s12 =	simm.s32 $0x6;
	[dreg:$0x12] =	wrdreg s9  }
0x20: {  	[dreg:$0x14] =	wrdreg s17;
	s18 =	sadd.s32 s21, s14;
	s19 =	sadd.s32 $0x59200, s16  }
.Ltmp0:
0x21: {  	s1 =	sadd.s32 $0x32000, s16;
	[dreg:$0x1a] =	wrdreg s0;
	(pc) =	sbr.rel .LBB2_1-.Ltmp0, $4  }
0x22: {  	[dreg:$0x1d] =	wrdreg s26;
	s17 =	simm.s32 $0x100;
	s8 =	simm.s32 $0x5  }
0x23: {  	s9 =	simm.s32 $0x13;
	s14 =	simm.s32 $0x14;
	[dreg:$0x15] =	wrdreg s18  }
0x24: {  	s16 =	simm.s32 $0x7;
	s0 =	simm.s32 $0x0;
	[dreg:$0x16] =	wrdreg s19  }
0x25: {  	[dreg:$0x17] =	wrdreg s1;
	s1 =	simm.s32 $0x3;
	s18 =	simm.s32 $0x15  }
.LBB2_9:
0x26: {  	s0 =	simm.s32 $0x2  }
0x27: {  	_ =	swait.ge [sflag:s0], $0x1800  }
0x28: {  	[sflag:s0] =	ssyncset.done $0x0  }
0x29: {  	[sflag:s0] =	ssyncadd.s32 $0xFFFFE800  }
0x2a: {  	_ =	swait.ge [sflag:s23], $0x30  }
0x2b: {  	[sflag:s23] =	ssyncset.done $0x0  }
0x2c: {  	s10 =	simm.s32 $0x400;
	s31 =	simm.s32 $0x1F00;
	[sflag:s23] =	ssyncadd.s32 $0xFFFFFFD0  }
0x2d: {  	[spmem:s3] =	stream.indirect.scatter.add.f32 [tilespmem:s31], [sflag:$0x16], $0x80, s10, s11, $0xb8;
	[tilespmem:$0x1E800] =	vst v63  }
0x2e: {  	_ =	swait.ge [sflag:s29], $0x1800  }
0x2f: {  	[sflag:s29] =	ssyncset.done $0x0  }
0x30: {  	[sflag:s29] =	ssyncadd.s32 $0xFFFFE800  }
0x31: {  	_ =	swait.ge [sflag:s1], $0x1800  }
0x32: {  	[sflag:s1] =	ssyncset.done $0x0  }
0x33: {  	[sflag:s1] =	ssyncadd.s32 $0xFFFFE800  }
0x34: {  	_ =	swait.ge [sflag:s5], $0x30  }
0x35: {  	[sflag:s5] =	ssyncset.done $0x0  }
0x36: {  	s19 =	simm.s32 $0x3700;
	s0 =	simm.s32 $0x480;
	[sflag:s5] =	ssyncadd.s32 $0xFFFFFFD0  }
0x37: {  	[spmem:s3] =	stream.indirect.scatter.add.f32 [tilespmem:s19], [sflag:$0x16], $0x80, s0, s11, $0xb8;
	[tilespmem:$0x1E800] =	vst v63  }
0x38: {  	_ =	swait.ge [sflag:s29], $0x1800  }
0x39: {  	[sflag:s29] =	ssyncset.done $0x0  }
0x3a: {  	[sflag:s29] =	ssyncadd.s32 $0xFFFFE800  }
0x3b: {  	_ =	swait.ge [sflag:s6], $0x1800  }
0x3c: {  	[sflag:s6] =	ssyncset.done $0x0  }
0x3d: {  	[sflag:s6] =	ssyncadd.s32 $0xFFFFE800  }
0x3e: {  	_ =	swait.ge [sflag:s7], $0x30  }
0x3f: {  	[sflag:s7] =	ssyncset.done $0x0  }
0x40: {  	s26 =	simm.s32 $0x500;
	s31 =	simm.s32 $0x4F00;
	[sflag:s7] =	ssyncadd.s32 $0xFFFFFFD0  }
0x41: {  	[spmem:s3] =	stream.indirect.scatter.add.f32 [tilespmem:s31], [sflag:$0x16], $0x80, s26, s11, $0xb8;
	[tilespmem:$0x1E800] =	vst v63  }
0x42: {  	_ =	swait.ge [sflag:s29], $0x1800  }
0x43: {  	[sflag:s29] =	ssyncset.done $0x0  }
0x44: {  	[sflag:s29] =	ssyncadd.s32 $0xFFFFE800  }
0x45: {  	_ =	swait.ge [sflag:s8], $0x1800  }
0x46: {  	[sflag:s8] =	ssyncset.done $0x0  }
0x47: {  	[sflag:s8] =	ssyncadd.s32 $0xFFFFE800  }
0x48: {  	_ =	swait.ge [sflag:s9], $0x30  }
0x49: {  	[sflag:s9] =	ssyncset.done $0x0  }
0x4a: {  	s19 =	simm.s32 $0x580;
	s26 =	simm.s32 $0x6700;
	[sflag:s9] =	ssyncadd.s32 $0xFFFFFFD0  }
0x4b: {  	[spmem:s3] =	stream.indirect.scatter.add.f32 [tilespmem:s26], [sflag:$0x16], $0x80, s19, s11, $0xb8;
	[tilespmem:$0x1E800] =	vst v63  }
0x4c: {  	_ =	swait.ge [sflag:s29], $0x1800  }
0x4d: {  	[sflag:s29] =	ssyncset.done $0x0  }
0x4e: {  	[sflag:s29] =	ssyncadd.s32 $0xFFFFE800  }
0x4f: {  	_ =	swait.ge [sflag:s12], $0x1800  }
0x50: {  	[sflag:s12] =	ssyncset.done $0x0  }
0x51: {  	[sflag:s12] =	ssyncadd.s32 $0xFFFFE800  }
0x52: {  	_ =	swait.ge [sflag:s14], $0x30  }
0x53: {  	[sflag:s14] =	ssyncset.done $0x0  }
0x54: {  	s31 =	simm.s32 $0x600;
	[sflag:s14] =	ssyncadd.s32 $0xFFFFFFD0  }
0x55: {  	[spmem:s3] =	stream.indirect.scatter.add.f32 [tilespmem:s28], [sflag:$0x16], $0x80, s31, s11, $0xb8;
	[tilespmem:$0x1E800] =	vst v63  }
0x56: {  	_ =	swait.ge [sflag:s29], $0x1800  }
0x57: {  	[sflag:s29] =	ssyncset.done $0x0  }
0x58: {  	[sflag:s29] =	ssyncadd.s32 $0xFFFFE800  }
0x59: {  	_ =	swait.ge [sflag:s16], $0x1800  }
0x5a: {  	[sflag:s16] =	ssyncset.done $0x0  }
0x5b: {  	[sflag:s16] =	ssyncadd.s32 $0xFFFFE800  }
0x5c: {  	_ =	swait.ge [sflag:s18], $0x30  }
0x5d: {  	[sflag:s18] =	ssyncset.done $0x0  }
0x5e: {  	[sflag:s18] =	ssyncadd.s32 $0xFFFFFFD0  }
0x5f: {  	[spmem:s3] =	stream.indirect.scatter.add.f32 [tilespmem:s30], [sflag:$0x16], $0x80, s24, s11, $0xb8;
	[tilespmem:$0x1E800] =	vst v63  }
0x60: {  	_ =	swait.ge [sflag:s29], $0x1800  }
0x61: {  	[sflag:s29] =	ssyncset.done $0x0  }
0x62: {  	[sflag:s29] =	ssyncadd.s32 $0xFFFFE800  }
0x63: {  	[bflag:$0x0] =	sbarrier.arrive $0xFFFF  }
0x64: {  	s0 =	sld [smem:$0x7FD];
	_ =	sdelay $0x1  }
0x65: {  	s10 =	simm.s32 @p1 $0x1FD6;
	s19 =	rddreg [dreg:$0x19]  }
0x66: {  	[hbm:s19], [sflag:s10] =	dma.local @p1 [spmem:s0], $0x2800  }
0x67: {  	s10 =	simm.s32 @p1 $0x16  }
0x68: {  	_ =	swait.ge @p1 [sflag:s10], $0x2800  }
0x69: {  	[sflag:s10] =	ssyncset.done @p1 $0x0;
	s0 =	rddreg [dreg:$0x1f]  }
0x6a: {  	[sflag:s10] =	ssyncadd.s32 @p1 $0xFFFFD800;
	s10 =	rddreg [dreg:$0x16]  }
0x6b: {  	[hbm:s10], [sflag:s15] =	dma.local @!p1 [spmem:s0], $0x2700  }
0x6c: {  	s10 =	simm.s32 @!p1 $0x16  }
0x6d: {  	_ =	swait.ge @!p1 [sflag:s10], $0x2700  }
0x6e: {  	[sflag:s10] =	ssyncset.done @!p1 $0x0  }
0x6f: {  	s0 =	rddreg [dreg:$0x1e];
	[sflag:s10] =	ssyncadd.s32 @!p1 $0xFFFFD900  }
.LBB2_10:
0x70: {  	s0 =	sadd.s32 $0x1, s0;
	s10 =	rddreg [dreg:$0x1b]  }
0x71: {  	p2 =	sne.s32 s0, s10  }
.Ltmp1:
0x72: {  	_ = 	snop;
	(pc) =	sbr.rel @!p2 .LBB2_11-.Ltmp1, $2  }
0x73: {  	_ =	sdelay $0x2  }
0x74: {  	s31 =	simm.s32 $0x180  }
.LBB2_1:
0x75: {  	[dreg:$0x1e] =	wrdreg s0  }
0x76: {  	s10 =	rddreg [dreg:$0x4]  }
0x77: {  	[tilespmem:s4], [sflag:$0x8] =	stream.linear.gather [hbm4b:s10+s4], $0x30, $0x38;
	[tilespmem:$0x1E800] =	vst v63  }
0x78: {  	s26 =	rddreg [dreg:$0x5]  }
0x79: {  	[tilespmem:s25], [sflag:$0xF] =	stream.linear.gather [hbm4b:s26+s4], $0x30, $0x38;
	[tilespmem:$0x1E800] =	vst v63  }
0x7a: {  	s0 =	rddreg [dreg:$0x6]  }
0x7b: {  	[tilespmem:s13], [sflag:$0x9] =	stream.linear.gather [hbm4b:s0+s4], $0x30, $0x38;
	[tilespmem:$0x1E800] =	vst v63  }
0x7c: {  	s15 =	rddreg [dreg:$0x7];
	s19 =	simm.s32 $0x400  }
0x7d: {  	[tilespmem:s19], [sflag:$0x10] =	stream.linear.gather [hbm4b:s15+s4], $0x30, $0x38;
	[tilespmem:$0x1E800] =	vst v63  }
0x7e: {  	s26 =	rddreg [dreg:$0x8]  }
0x7f: {  	[tilespmem:s17], [sflag:$0xA] =	stream.linear.gather [hbm4b:s26+s4], $0x30, $0x38;
	[tilespmem:$0x1E800] =	vst v63  }
0x80: {  	s0 =	rddreg [dreg:$0x9];
	s15 =	simm.s32 $0x480  }
0x81: {  	[tilespmem:s15], [sflag:$0x11] =	stream.linear.gather [hbm4b:s0+s4], $0x30, $0x38;
	[tilespmem:$0x1E800] =	vst v63  }
0x82: {  	s19 =	rddreg [dreg:$0xa]  }
0x83: {  	[tilespmem:s31], [sflag:$0xB] =	stream.linear.gather [hbm4b:s19+s4], $0x30, $0x38;
	[tilespmem:$0x1E800] =	vst v63  }
0x84: {  	s26 =	rddreg [dreg:$0xb];
	s0 =	simm.s32 $0x500  }
0x85: {  	[tilespmem:s0], [sflag:$0x12] =	stream.linear.gather [hbm4b:s26+s4], $0x30, $0x38;
	[tilespmem:$0x1E800] =	vst v63  }
0x86: {  	s19 =	rddreg [dreg:$0xc]  }
0x87: {  	[tilespmem:s22], [sflag:$0xC] =	stream.linear.gather [hbm4b:s19+s4], $0x30, $0x38;
	[tilespmem:$0x1E800] =	vst v63  }
0x88: {  	s26 =	rddreg [dreg:$0xd];
	s0 =	simm.s32 $0x580  }
0x89: {  	[tilespmem:s0], [sflag:$0x13] =	stream.linear.gather [hbm4b:s26+s4], $0x30, $0x38;
	[tilespmem:$0x1E800] =	vst v63  }
0x8a: {  	s10 =	simm.s32 $0x280;
	s15 =	rddreg [dreg:$0xe]  }
0x8b: {  	[tilespmem:s10], [sflag:$0xD] =	stream.linear.gather [hbm4b:s15+s4], $0x30, $0x38;
	[tilespmem:$0x1E800] =	vst v63  }
0x8c: {  	s19 =	rddreg [dreg:$0xf];
	s26 =	simm.s32 $0x600  }
0x8d: {  	[tilespmem:s26], [sflag:$0x14] =	stream.linear.gather [hbm4b:s19+s4], $0x30, $0x38;
	[tilespmem:$0x1E800] =	vst v63  }
0x8e: {  	s0 =	simm.s32 $0x300;
	s15 =	rddreg [dreg:$0x10]  }
0x8f: {  	[tilespmem:s0], [sflag:$0xE] =	stream.linear.gather [hbm4b:s15+s4], $0x30, $0x38;
	[tilespmem:$0x1E800] =	vst v63  }
0x90: {  	s19 =	rddreg [dreg:$0x11];
	s26 =	simm.s32 $0x8  }
0x91: {  	[tilespmem:s24], [sflag:$0x15] =	stream.linear.gather [hbm4b:s19+s4], $0x30, $0x38;
	[tilespmem:$0x1E800] =	vst v63  }
0x92: {  	s10 =	stileid.u32;
	_ =	swait.ge [sflag:s26], $0x30  }
.Ltmp2:
0x93: {  	s19 =	sshll.u32 @!p1 s10, $0x6;
	s10 =	rddreg [dreg:$0x1c];
	(pc) =	sbr.rel @p0 .LBB2_6-.Ltmp2, $4  }
0x94: {  	[sflag:s26] =	ssyncset.done $0x0;
	s15 =	sshrl.u32 @p1 s10, $0x3;
	s10 =	rddreg [dreg:$0x13]  }
0x95: {  	[sflag:s26] =	ssyncadd.s32 $0xFFFFFFD0;
	s26 =	sshrl.u32 @!p1 s10, $0x3;
	[smem:$0x7FD] =	sst s15  }
0x96: {  	s10 =	sor.u32 @!p1 $0x1C16, s19;
	[dreg:$0x1f] =	wrdreg s26  }
0x97: {  	[smem:$0x7FC] =	sst s10  }
0x98: {  	s10 =	simm.s32 $0x700;
	s25 =	simm.s32 $0x9  }
0x99: {  	[tilespmem:s10], [sflag:$0x1] =	stream.indirect.gather [hbm4b:s21+s11], $0x80, s4, s11, $0xb8;
	[tilespmem:$0x1E800] =	vst v63  }
0x9a: {  	_ =	swait.ge [sflag:s25], $0x30  }
0x9b: {  	[sflag:s25] =	ssyncset.done $0x0  }
0x9c: {  	s26 =	simm.s32 $0x1F00;
	[sflag:s25] =	ssyncadd.s32 $0xFFFFFFD0  }
0x9d: {  	[tilespmem:s26], [sflag:$0x2] =	stream.indirect.gather [hbm4b:s21+s11], $0x80, s13, s11, $0xb8;
	[tilespmem:$0x1E800] =	vst v63  }
0x9e: {  	s13 =	simm.s32 $0xA  }
0x9f: {  	_ =	swait.ge [sflag:s13], $0x30  }
0xa0: {  	[sflag:s13] =	ssyncset.done $0x0  }
0xa1: {  	s19 =	simm.s32 $0x3700;
	s25 =	simm.s32 $0xB;
	[sflag:s13] =	ssyncadd.s32 $0xFFFFFFD0  }
0xa2: {  	[tilespmem:s19], [sflag:$0x3] =	stream.indirect.gather [hbm4b:s21+s11], $0x80, s17, s11, $0xb8;
	[tilespmem:$0x1E800] =	vst v63  }
0xa3: {  	_ =	swait.ge [sflag:s25], $0x30  }
0xa4: {  	[sflag:s25] =	ssyncset.done $0x0  }
0xa5: {  	s26 =	simm.s32 $0x4F00;
	s13 =	simm.s32 $0xC;
	[sflag:s25] =	ssyncadd.s32 $0xFFFFFFD0  }
0xa6: {  	[tilespmem:s26], [sflag:$0x4] =	stream.indirect.gather [hbm4b:s21+s11], $0x80, s31, s11, $0xb8;
	[tilespmem:$0x1E800] =	vst v63  }
0xa7: {  	_ =	swait.ge [sflag:s13], $0x30  }
0xa8: {  	[sflag:s13] =	ssyncset.done $0x0  }
0xa9: {  	s17 =	simm.s32 $0x6700;
	s19 =	simm.s32 $0xD;
	[sflag:s13] =	ssyncadd.s32 $0xFFFFFFD0  }
0xaa: {  	[tilespmem:s17], [sflag:$0x5] =	stream.indirect.gather [hbm4b:s21+s11], $0x80, s22, s11, $0xb8;
	[tilespmem:$0x1E800] =	vst v63  }
0xab: {  	_ =	swait.ge [sflag:s19], $0x30  }
0xac: {  	[sflag:s19] =	ssyncset.done $0x0  }
0xad: {  	s25 =	simm.s32 $0x280;
	s26 =	simm.s32 $0xE;
	[sflag:s19] =	ssyncadd.s32 $0xFFFFFFD0  }
0xae: {  	[tilespmem:s28], [sflag:$0x6] =	stream.indirect.gather [hbm4b:s21+s11], $0x80, s25, s11, $0xb8;
	[tilespmem:$0x1E800] =	vst v63  }
0xaf: {  	_ =	swait.ge [sflag:s26], $0x30  }
0xb0: {  	[sflag:s26] =	ssyncset.done $0x0  }
0xb1: {  	s19 =	simm.s32 @p1 $0x1FD6;
	s10 =	rddreg [dreg:$0x18];
	[sflag:s26] =	ssyncadd.s32 $0xFFFFFFD0  }
0xb2: {  	[tilespmem:s30], [sflag:$0x7] =	stream.indirect.gather [hbm4b:s21+s11], $0x80, s0, s11, $0xb8;
	[tilespmem:$0x1E800] =	vst v63  }
0xb3: {  	[spmem:s15], [sflag:s19] =	dma.local @p1 [hbm:s10], $0x2800  }
0xb4: {  	s19 =	simm.s32 @p1 $0x16  }
0xb5: {  	_ =	swait.ge @p1 [sflag:s19], $0x2800  }
0xb6: {  	s13 =	sld [smem:$0x7FC]  }
0xb7: {  	[sflag:s19] =	ssyncset.done @p1 $0x0;
	s10 =	rddreg [dreg:$0x15]  }
0xb8: {  	s17 =	rddreg [dreg:$0x1f];
	[sflag:s19] =	ssyncadd.s32 @p1 $0xFFFFD800;
	s19 =	simm.s32 @!p1 $0x16  }
0xb9: {  	[spmem:s17], [sflag:s13] =	dma.local @!p1 [hbm:s10], $0x2700  }
0xba: {  	_ =	swait.ge @!p1 [sflag:s19], $0x2700  }
0xbb: {  	[sflag:s19] =	ssyncset.done @!p1 $0x0  }
0xbc: {  	s31 =	simm.s32 $0x0;
	[sflag:s19] =	ssyncadd.s32 @!p1 $0xFFFFD900  }
0xbd: {  	s26 =	simm.s32 $0x700;
	s13 =	simm.s32 $0x380;
	[bflag:$0x0] =	sbarrier.arrive $0xFFFF  }
.LBB2_3:
0xbe: {  	s10 =	simm.s32 $0x1  }
0xbf: {  	p2 =	seq.s32 s31, $0x4C2;
	_ =	swait.ge [sflag:s10], $0x1800  }
0xc0: {  	s19 =	sadd.s32 @!p2 s31, s20;
	[sflag:s10] =	ssyncset.done $0x0  }
0xc1: {  	s25 =	simm.s32 @!p2 $0x0;
	s19 =	sadd.s32 @!p2 $0x2A, s19;
	[sflag:s10] =	ssyncadd.s32 $0xFFFFE800  }
0xc2: {  	[tilespmem:s25], [sflag:$0x8] =	stream.linear.gather @!p2 [hbm4b:s19+s25], $0x30, $0x38;
	[tilespmem:$0x1E800] =	vst v63  }
0xc3: {  	s25 =	simm.s32 $0xF  }
0xc4: {  	_ =	swait.ge [sflag:s25], $0x30  }
0xc5: {  	[sflag:s25] =	ssyncset.done $0x0  }
.Ltmp3:
0xc6: {  	[sflag:s25] =	ssyncadd.s32 $0xFFFFFFD0;
	(pc) =	sbr.rel @p2 .LBB2_5-.Ltmp3, $4  }
0xc7: {  	[spmem:s3] =	stream.indirect.scatter.add.f32 [tilespmem:s26], [sflag:$0x16], $0x80, s13, s11, $0xb8;
	[tilespmem:$0x1E800] =	vst v63  }
0xc8: {  	_ =	swait.ge [sflag:s29], $0x1800  }
0xc9: {  	[sflag:s29] =	ssyncset.done $0x0  }
0xca: {  	s25 =	simm.s32 $0x380;
	s13 =	simm.s32 $0x700;
	[sflag:s29] =	ssyncadd.s32 $0xFFFFE800  }
0xcb: {  	s10 =	simm.s32 $0x8  }
0xcc: {  	_ =	swait.ge [sflag:s10], $0x30  }
0xcd: {  	[sflag:s10] =	ssyncset.done $0x0  }
0xce: {  	[sflag:s10] =	ssyncadd.s32 $0xFFFFFFD0  }
0xcf: {  	[tilespmem:s13], [sflag:$0x1] =	stream.indirect.gather [hbm4b:s21+s11], $0x80, s4, s11, $0xb8;
	[tilespmem:$0x1E800] =	vst v63  }
0xd0: {  	s13 =	rddreg [dreg:$0x12]  }
0xd1: {  	s19 =	sadd.s32 s31, s13  }
0xd2: {  	s15 =	simm.s32 $0x2;
	s13 =	simm.s32 $0x380;
	s25 =	sadd.s32 $0x2A, s19  }
0xd3: {  	[tilespmem:s13], [sflag:$0xF] =	stream.linear.gather [hbm4b:s25+s4], $0x30, $0x38;
	[tilespmem:$0x1E800] =	vst v63  }
0xd4: {  	_ =	swait.ge [sflag:s15], $0x1800  }
0xd5: {  	s25 =	sadd.s32 s31, s20;
	[sflag:s15] =	ssyncset.done $0x0  }
0xd6: {  	s17 =	sadd.s32 $0x30, s25;
	[sflag:s15] =	ssyncadd.s32 $0xFFFFE800;
	s15 =	simm.s32 $0x80  }
0xd7: {  	[tilespmem:s15], [sflag:$0x9] =	stream.linear.gather [hbm4b:s17+s4], $0x30, $0x38;
	[tilespmem:$0x1E800] =	vst v63  }
0xd8: {  	_ =	swait.ge [sflag:s23], $0x30  }
0xd9: {  	[sflag:s23] =	ssyncset.done $0x0  }
0xda: {  	s24 =	simm.s32 $0x1F00;
	s17 =	simm.s32 $0x400;
	[sflag:s23] =	ssyncadd.s32 $0xFFFFFFD0  }
0xdb: {  	[spmem:s3] =	stream.indirect.scatter.add.f32 [tilespmem:s24], [sflag:$0x16], $0x80, s17, s11, $0xb8;
	[tilespmem:$0x1E800] =	vst v63  }
0xdc: {  	_ =	swait.ge [sflag:s29], $0x1800  }
0xdd: {  	[sflag:s29] =	ssyncset.done $0x0  }
0xde: {  	s10 =	simm.s32 $0x9;
	[sflag:s29] =	ssyncadd.s32 $0xFFFFE800  }
0xdf: {  	_ =	swait.ge [sflag:s10], $0x30  }
0xe0: {  	[sflag:s10] =	ssyncset.done $0x0  }
0xe1: {  	[sflag:s10] =	ssyncadd.s32 $0xFFFFFFD0  }
0xe2: {  	[tilespmem:s24], [sflag:$0x2] =	stream.indirect.gather [hbm4b:s21+s11], $0x80, s15, s11, $0xb8;
	[tilespmem:$0x1E800] =	vst v63  }
0xe3: {  	s24 =	sadd.s32 $0x30, s19  }
0xe4: {  	[tilespmem:s17], [sflag:$0x10] =	stream.linear.gather [hbm4b:s24+s4], $0x30, $0x38;
	[tilespmem:$0x1E800] =	vst v63  }
0xe5: {  	_ =	swait.ge [sflag:s1], $0x1800  }
0xe6: {  	[sflag:s1] =	ssyncset.done $0x0  }
0xe7: {  	s15 =	sadd.s32 $0x36, s25;
	s17 =	simm.s32 $0x100;
	[sflag:s1] =	ssyncadd.s32 $0xFFFFE800  }
0xe8: {  	[tilespmem:s17], [sflag:$0xA] =	stream.linear.gather [hbm4b:s15+s4], $0x30, $0x38;
	[tilespmem:$0x1E800] =	vst v63  }
0xe9: {  	_ =	swait.ge [sflag:s5], $0x30  }
0xea: {  	[sflag:s5] =	ssyncset.done $0x0  }
0xeb: {  	s24 =	simm.s32 $0x3700;
	s15 =	simm.s32 $0x480;
	[sflag:s5] =	ssyncadd.s32 $0xFFFFFFD0  }
0xec: {  	[spmem:s3] =	stream.indirect.scatter.add.f32 [tilespmem:s24], [sflag:$0x16], $0x80, s15, s11, $0xb8;
	[tilespmem:$0x1E800] =	vst v63  }
0xed: {  	_ =	swait.ge [sflag:s29], $0x1800  }
0xee: {  	[sflag:s29] =	ssyncset.done $0x0  }
0xef: {  	s10 =	simm.s32 $0xA;
	[sflag:s29] =	ssyncadd.s32 $0xFFFFE800  }
0xf0: {  	_ =	swait.ge [sflag:s10], $0x30  }
0xf1: {  	[sflag:s10] =	ssyncset.done $0x0  }
0xf2: {  	[sflag:s10] =	ssyncadd.s32 $0xFFFFFFD0  }
0xf3: {  	[tilespmem:s24], [sflag:$0x3] =	stream.indirect.gather [hbm4b:s21+s11], $0x80, s17, s11, $0xb8;
	[tilespmem:$0x1E800] =	vst v63  }
0xf4: {  	s17 =	sadd.s32 $0x36, s19  }
0xf5: {  	[tilespmem:s15], [sflag:$0x11] =	stream.linear.gather [hbm4b:s17+s4], $0x30, $0x38;
	[tilespmem:$0x1E800] =	vst v63  }
0xf6: {  	_ =	swait.ge [sflag:s6], $0x1800  }
0xf7: {  	[sflag:s6] =	ssyncset.done $0x0  }
0xf8: {  	s24 =	sadd.s32 $0x3C, s25;
	s15 =	simm.s32 $0x180;
	[sflag:s6] =	ssyncadd.s32 $0xFFFFE800  }
0xf9: {  	[tilespmem:s15], [sflag:$0xB] =	stream.linear.gather [hbm4b:s24+s4], $0x30, $0x38;
	[tilespmem:$0x1E800] =	vst v63  }
0xfa: {  	_ =	swait.ge [sflag:s7], $0x30  }
0xfb: {  	[sflag:s7] =	ssyncset.done $0x0  }
0xfc: {  	s17 =	simm.s32 $0x500;
	s24 =	simm.s32 $0x4F00;
	[sflag:s7] =	ssyncadd.s32 $0xFFFFFFD0  }
0xfd: {  	[spmem:s3] =	stream.indirect.scatter.add.f32 [tilespmem:s24], [sflag:$0x16], $0x80, s17, s11, $0xb8;
	[tilespmem:$0x1E800] =	vst v63  }
0xfe: {  	_ =	swait.ge [sflag:s29], $0x1800  }
0xff: {  	[sflag:s29] =	ssyncset.done $0x0  }
0x100: {  	s10 =	simm.s32 $0xB;
	[sflag:s29] =	ssyncadd.s32 $0xFFFFE800  }
0x101: {  	_ =	swait.ge [sflag:s10], $0x30  }
0x102: {  	[sflag:s10] =	ssyncset.done $0x0  }
0x103: {  	[sflag:s10] =	ssyncadd.s32 $0xFFFFFFD0  }
0x104: {  	[tilespmem:s24], [sflag:$0x4] =	stream.indirect.gather [hbm4b:s21+s11], $0x80, s15, s11, $0xb8;
	[tilespmem:$0x1E800] =	vst v63  }
0x105: {  	s15 =	sadd.s32 $0x3C, s19  }
0x106: {  	[tilespmem:s17], [sflag:$0x12] =	stream.linear.gather [hbm4b:s15+s4], $0x30, $0x38;
	[tilespmem:$0x1E800] =	vst v63  }
0x107: {  	_ =	swait.ge [sflag:s8], $0x1800  }
0x108: {  	[sflag:s8] =	ssyncset.done $0x0  }
0x109: {  	s17 =	sadd.s32 $0x42, s25;
	[sflag:s8] =	ssyncadd.s32 $0xFFFFE800  }
0x10a: {  	[tilespmem:s22], [sflag:$0xC] =	stream.linear.gather [hbm4b:s17+s4], $0x30, $0x38;
	[tilespmem:$0x1E800] =	vst v63  }
0x10b: {  	_ =	swait.ge [sflag:s9], $0x30  }
0x10c: {  	[sflag:s9] =	ssyncset.done $0x0  }
0x10d: {  	s15 =	simm.s32 $0x580;
	s17 =	simm.s32 $0x6700;
	[sflag:s9] =	ssyncadd.s32 $0xFFFFFFD0  }
0x10e: {  	[spmem:s3] =	stream.indirect.scatter.add.f32 [tilespmem:s17], [sflag:$0x16], $0x80, s15, s11, $0xb8;
	[tilespmem:$0x1E800] =	vst v63  }
0x10f: {  	_ =	swait.ge [sflag:s29], $0x1800  }
0x110: {  	[sflag:s29] =	ssyncset.done $0x0  }
0x111: {  	s24 =	simm.s32 $0xC;
	[sflag:s29] =	ssyncadd.s32 $0xFFFFE800  }
0x112: {  	_ =	swait.ge [sflag:s24], $0x30  }
0x113: {  	[sflag:s24] =	ssyncset.done $0x0  }
0x114: {  	[sflag:s24] =	ssyncadd.s32 $0xFFFFFFD0  }
0x115: {  	[tilespmem:s17], [sflag:$0x5] =	stream.indirect.gather [hbm4b:s21+s11], $0x80, s22, s11, $0xb8;
	[tilespmem:$0x1E800] =	vst v63  }
0x116: {  	s17 =	sadd.s32 $0x42, s19  }
0x117: {  	[tilespmem:s15], [sflag:$0x13] =	stream.linear.gather [hbm4b:s17+s4], $0x30, $0x38;
	[tilespmem:$0x1E800] =	vst v63  }
0x118: {  	_ =	swait.ge [sflag:s12], $0x1800  }
0x119: {  	[sflag:s12] =	ssyncset.done $0x0  }
0x11a: {  	s24 =	sadd.s32 $0x48, s25;
	s15 =	simm.s32 $0x280;
	[sflag:s12] =	ssyncadd.s32 $0xFFFFE800  }
0x11b: {  	[tilespmem:s15], [sflag:$0xD] =	stream.linear.gather [hbm4b:s24+s4], $0x30, $0x38;
	[tilespmem:$0x1E800] =	vst v63  }
0x11c: {  	_ =	swait.ge [sflag:s14], $0x30  }
0x11d: {  	[sflag:s14] =	ssyncset.done $0x0  }
0x11e: {  	s17 =	simm.s32 $0x600;
	s24 =	simm.s32 $0x7F00;
	[sflag:s14] =	ssyncadd.s32 $0xFFFFFFD0  }
0x11f: {  	[spmem:s3] =	stream.indirect.scatter.add.f32 [tilespmem:s24], [sflag:$0x16], $0x80, s17, s11, $0xb8;
	[tilespmem:$0x1E800] =	vst v63  }
0x120: {  	_ =	swait.ge [sflag:s29], $0x1800  }
0x121: {  	[sflag:s29] =	ssyncset.done $0x0  }
0x122: {  	s10 =	simm.s32 $0xD;
	[sflag:s29] =	ssyncadd.s32 $0xFFFFE800  }
0x123: {  	_ =	swait.ge [sflag:s10], $0x30  }
0x124: {  	[sflag:s10] =	ssyncset.done $0x0  }
0x125: {  	[sflag:s10] =	ssyncadd.s32 $0xFFFFFFD0  }
0x126: {  	[tilespmem:s24], [sflag:$0x6] =	stream.indirect.gather [hbm4b:s21+s11], $0x80, s15, s11, $0xb8;
	[tilespmem:$0x1E800] =	vst v63  }
0x127: {  	s15 =	sadd.s32 $0x48, s19  }
0x128: {  	[tilespmem:s17], [sflag:$0x14] =	stream.linear.gather [hbm4b:s15+s4], $0x30, $0x38;
	[tilespmem:$0x1E800] =	vst v63  }
0x129: {  	_ =	swait.ge [sflag:s16], $0x1800  }
0x12a: {  	[sflag:s16] =	ssyncset.done $0x0  }
0x12b: {  	s24 =	sadd.s32 $0x4E, s25;
	[sflag:s16] =	ssyncadd.s32 $0xFFFFE800  }
0x12c: {  	[tilespmem:s0], [sflag:$0xE] =	stream.linear.gather [hbm4b:s24+s4], $0x30, $0x38;
	[tilespmem:$0x1E800] =	vst v63  }
0x12d: {  	_ =	swait.ge [sflag:s18], $0x30  }
0x12e: {  	[sflag:s18] =	ssyncset.done $0x0  }
0x12f: {  	s25 =	simm.s32 $0x9700;
	s15 =	simm.s32 $0x680;
	[sflag:s18] =	ssyncadd.s32 $0xFFFFFFD0  }
0x130: {  	[spmem:s3] =	stream.indirect.scatter.add.f32 [tilespmem:s25], [sflag:$0x16], $0x80, s15, s11, $0xb8;
	[tilespmem:$0x1E800] =	vst v63  }
0x131: {  	_ =	swait.ge [sflag:s29], $0x1800  }
0x132: {  	[sflag:s29] =	ssyncset.done $0x0  }
0x133: {  	s24 =	simm.s32 $0xE;
	[sflag:s29] =	ssyncadd.s32 $0xFFFFE800  }
0x134: {  	s26 =	simm.s32 $0x700;
	_ =	swait.ge [sflag:s24], $0x30  }
.Ltmp4:
0x135: {  	s28 =	simm.s32 $0x7F00;
	[sflag:s24] =	ssyncset.done $0x0;
	(pc) =	sbr.rel .LBB2_3-.Ltmp4, $4  }
0x136: {  	s30 =	simm.s32 $0x9700;
	s31 =	sadd.s32 $0x2A, s31;
	[sflag:s24] =	ssyncadd.s32 $0xFFFFFFD0  }
0x137: {  	[tilespmem:s25], [sflag:$0x7] =	stream.indirect.gather [hbm4b:s21+s11], $0x80, s0, s11, $0xb8;
	[tilespmem:$0x1E800] =	vst v63  }
0x138: {  	s17 =	rddreg [dreg:$0x1f];
	s24 =	simm.s32 $0x680;
	s25 =	sadd.s32 $0x4E, s19  }
0x139: {  	[tilespmem:s15], [sflag:$0x15] =	stream.linear.gather [hbm4b:s25+s4], $0x30, $0x38;
	[tilespmem:$0x1E800] =	vst v63  }
.LBB2_6:
0x13a: {  	s26 =	simm.s32 $0x700;
	s10 =	simm.s32 $0x9  }
0x13b: {  	[tilespmem:s26], [sflag:$0x1] =	stream.indirect.gather [hbm4b:s2+s11], $0x80, s4, s11, $0xb8;
	[tilespmem:$0x1E800] =	vst v63  }
0x13c: {  	_ =	swait.ge [sflag:s10], $0x30  }
0x13d: {  	[sflag:s10] =	ssyncset.done $0x0  }
0x13e: {  	s19 =	simm.s32 $0x1F00;
	[sflag:s10] =	ssyncadd.s32 $0xFFFFFFD0  }
0x13f: {  	[tilespmem:s19], [sflag:$0x2] =	stream.indirect.gather [hbm4b:s2+s11], $0x80, s13, s11, $0xb8;
	[tilespmem:$0x1E800] =	vst v63  }
0x140: {  	s19 =	simm.s32 $0xA  }
0x141: {  	_ =	swait.ge [sflag:s19], $0x30  }
0x142: {  	[sflag:s19] =	ssyncset.done $0x0  }
0x143: {  	[sflag:s19] =	ssyncadd.s32 $0xFFFFFFD0;
	s19 =	simm.s32 $0x3700  }
0x144: {  	[tilespmem:s19], [sflag:$0x3] =	stream.indirect.gather [hbm4b:s2+s11], $0x80, s17, s11, $0xb8;
	[tilespmem:$0x1E800] =	vst v63  }
0x145: {  	s19 =	simm.s32 $0xB  }
0x146: {  	_ =	swait.ge [sflag:s19], $0x30  }
0x147: {  	[sflag:s19] =	ssyncset.done $0x0  }
0x148: {  	[sflag:s19] =	ssyncadd.s32 $0xFFFFFFD0;
	s19 =	simm.s32 $0x4F00  }
0x149: {  	[tilespmem:s19], [sflag:$0x4] =	stream.indirect.gather [hbm4b:s2+s11], $0x80, s31, s11, $0xb8;
	[tilespmem:$0x1E800] =	vst v63  }
0x14a: {  	s19 =	simm.s32 $0xC  }
0x14b: {  	_ =	swait.ge [sflag:s19], $0x30  }
0x14c: {  	[sflag:s19] =	ssyncset.done $0x0  }
0x14d: {  	[sflag:s19] =	ssyncadd.s32 $0xFFFFFFD0;
	s19 =	simm.s32 $0x6700  }
0x14e: {  	[tilespmem:s19], [sflag:$0x5] =	stream.indirect.gather [hbm4b:s2+s11], $0x80, s22, s11, $0xb8;
	[tilespmem:$0x1E800] =	vst v63  }
0x14f: {  	s19 =	simm.s32 $0xD  }
0x150: {  	_ =	swait.ge [sflag:s19], $0x30  }
0x151: {  	[sflag:s19] =	ssyncset.done $0x0  }
0x152: {  	[sflag:s19] =	ssyncadd.s32 $0xFFFFFFD0;
	s19 =	simm.s32 $0x280  }
0x153: {  	[tilespmem:s28], [sflag:$0x6] =	stream.indirect.gather [hbm4b:s2+s11], $0x80, s19, s11, $0xb8;
	[tilespmem:$0x1E800] =	vst v63  }
0x154: {  	s19 =	simm.s32 $0xE  }
0x155: {  	_ =	swait.ge [sflag:s19], $0x30  }
0x156: {  	[sflag:s19] =	ssyncset.done $0x0  }
0x157: {  	s10 =	rddreg [dreg:$0x1d];
	[sflag:s19] =	ssyncadd.s32 $0xFFFFFFD0;
	s19 =	simm.s32 @p1 $0x1FD6  }
0x158: {  	[tilespmem:s30], [sflag:$0x7] =	stream.indirect.gather [hbm4b:s2+s11], $0x80, s0, s11, $0xb8;
	[tilespmem:$0x1E800] =	vst v63  }
0x159: {  	[spmem:s15], [sflag:s19] =	dma.local @p1 [hbm:s10], $0x2800  }
0x15a: {  	s19 =	simm.s32 @p1 $0x16  }
0x15b: {  	_ =	swait.ge @p1 [sflag:s19], $0x2800  }
0x15c: {  	s15 =	sld [smem:$0x7FC]  }
0x15d: {  	[sflag:s19] =	ssyncset.done @p1 $0x0;
	s10 =	rddreg [dreg:$0x14]  }
0x15e: {  	s0 =	rddreg [dreg:$0x1f];
	[sflag:s19] =	ssyncadd.s32 @p1 $0xFFFFD800;
	s19 =	simm.s32 @!p1 $0x16  }
0x15f: {  	[spmem:s0], [sflag:s15] =	dma.local @!p1 [hbm:s10], $0x2700  }
0x160: {  	_ =	swait.ge @!p1 [sflag:s19], $0x2700  }
0x161: {  	[sflag:s19] =	ssyncset.done @!p1 $0x0  }
0x162: {  	[sflag:s19] =	ssyncadd.s32 @!p1 $0xFFFFD900  }
0x163: {  	s31 =	simm.s32 $0x0;
	[bflag:$0x0] =	sbarrier.arrive $0xFFFF  }
.LBB2_7:
0x164: {  	s0 =	simm.s32 $0x1  }
0x165: {  	p2 =	seq.s32 s31, $0x4C2;
	_ =	swait.ge [sflag:s0], $0x1800  }
0x166: {  	s10 =	sadd.s32 @!p2 s31, s20;
	[sflag:s0] =	ssyncset.done $0x0  }
0x167: {  	s19 =	simm.s32 @!p2 $0x0;
	s10 =	sadd.s32 @!p2 $0x2A, s10;
	[sflag:s0] =	ssyncadd.s32 $0xFFFFE800  }
0x168: {  	[tilespmem:s19], [sflag:$0x8] =	stream.linear.gather @!p2 [hbm4b:s10+s19], $0x30, $0x38;
	[tilespmem:$0x1E800] =	vst v63  }
0x169: {  	s19 =	simm.s32 $0xF  }
0x16a: {  	_ =	swait.ge [sflag:s19], $0x30  }
0x16b: {  	[sflag:s19] =	ssyncset.done $0x0  }
.Ltmp5:
0x16c: {  	[sflag:s19] =	ssyncadd.s32 $0xFFFFFFD0;
	(pc) =	sbr.rel @p2 .LBB2_9-.Ltmp5, $4  }
0x16d: {  	[spmem:s3] =	stream.indirect.scatter.add.f32 [tilespmem:s26], [sflag:$0x16], $0x80, s25, s11, $0xb8;
	[tilespmem:$0x1E800] =	vst v63  }
0x16e: {  	_ =	swait.ge [sflag:s29], $0x1800  }
0x16f: {  	[sflag:s29] =	ssyncset.done $0x0  }
0x170: {  	s10 =	simm.s32 $0x700;
	[sflag:s29] =	ssyncadd.s32 $0xFFFFE800  }
0x171: {  	s0 =	simm.s32 $0x8  }
0x172: {  	_ =	swait.ge [sflag:s0], $0x30  }
0x173: {  	[sflag:s0] =	ssyncset.done $0x0;
	s15 =	rddreg [dreg:$0x12]  }
0x174: {  	[sflag:s0] =	ssyncadd.s32 $0xFFFFFFD0;
	s19 =	sadd.s32 s31, s15  }
0x175: {  	[tilespmem:s10], [sflag:$0x1] =	stream.indirect.gather [hbm4b:s2+s11], $0x80, s4, s11, $0xb8;
	[tilespmem:$0x1E800] =	vst v63  }
0x176: {  	s17 =	simm.s32 $0x2;
	s10 =	sadd.s32 $0x2A, s19  }
0x177: {  	[tilespmem:s25], [sflag:$0xF] =	stream.linear.gather [hbm4b:s10+s4], $0x30, $0x38;
	[tilespmem:$0x1E800] =	vst v63  }
0x178: {  	_ =	swait.ge [sflag:s17], $0x1800  }
0x179: {  	s25 =	sadd.s32 s31, s20;
	[sflag:s17] =	ssyncset.done $0x0  }
0x17a: {  	s22 =	sadd.s32 $0x30, s25;
	[sflag:s17] =	ssyncadd.s32 $0xFFFFE800  }
0x17b: {  	[tilespmem:s13], [sflag:$0x9] =	stream.linear.gather [hbm4b:s22+s4], $0x30, $0x38;
	[tilespmem:$0x1E800] =	vst v63  }
0x17c: {  	_ =	swait.ge [sflag:s23], $0x30  }
0x17d: {  	[sflag:s23] =	ssyncset.done $0x0  }
0x17e: {  	s24 =	simm.s32 $0x1F00;
	s17 =	simm.s32 $0x400;
	[sflag:s23] =	ssyncadd.s32 $0xFFFFFFD0  }
0x17f: {  	[spmem:s3] =	stream.indirect.scatter.add.f32 [tilespmem:s24], [sflag:$0x16], $0x80, s17, s11, $0xb8;
	[tilespmem:$0x1E800] =	vst v63  }
0x180: {  	_ =	swait.ge [sflag:s29], $0x1800  }
0x181: {  	[sflag:s29] =	ssyncset.done $0x0  }
0x182: {  	s26 =	simm.s32 $0x9;
	[sflag:s29] =	ssyncadd.s32 $0xFFFFE800  }
0x183: {  	_ =	swait.ge [sflag:s26], $0x30  }
0x184: {  	[sflag:s26] =	ssyncset.done $0x0  }
0x185: {  	[sflag:s26] =	ssyncadd.s32 $0xFFFFFFD0  }
0x186: {  	[tilespmem:s24], [sflag:$0x2] =	stream.indirect.gather [hbm4b:s2+s11], $0x80, s13, s11, $0xb8;
	[tilespmem:$0x1E800] =	vst v63  }
0x187: {  	s0 =	sadd.s32 $0x30, s19  }
0x188: {  	[tilespmem:s17], [sflag:$0x10] =	stream.linear.gather [hbm4b:s0+s4], $0x30, $0x38;
	[tilespmem:$0x1E800] =	vst v63  }
0x189: {  	_ =	swait.ge [sflag:s1], $0x1800  }
0x18a: {  	[sflag:s1] =	ssyncset.done $0x0  }
0x18b: {  	s15 =	sadd.s32 $0x36, s25;
	s17 =	simm.s32 $0x100;
	[sflag:s1] =	ssyncadd.s32 $0xFFFFE800  }
0x18c: {  	[tilespmem:s17], [sflag:$0xA] =	stream.linear.gather [hbm4b:s15+s4], $0x30, $0x38;
	[tilespmem:$0x1E800] =	vst v63  }
0x18d: {  	_ =	swait.ge [sflag:s5], $0x30  }
0x18e: {  	[sflag:s5] =	ssyncset.done $0x0  }
0x18f: {  	s22 =	simm.s32 $0x3700;
	s15 =	simm.s32 $0x480;
	[sflag:s5] =	ssyncadd.s32 $0xFFFFFFD0  }
0x190: {  	[spmem:s3] =	stream.indirect.scatter.add.f32 [tilespmem:s22], [sflag:$0x16], $0x80, s15, s11, $0xb8;
	[tilespmem:$0x1E800] =	vst v63  }
0x191: {  	_ =	swait.ge [sflag:s29], $0x1800  }
0x192: {  	[sflag:s29] =	ssyncset.done $0x0  }
0x193: {  	s24 =	simm.s32 $0xA;
	[sflag:s29] =	ssyncadd.s32 $0xFFFFE800  }
0x194: {  	_ =	swait.ge [sflag:s24], $0x30  }
0x195: {  	[sflag:s24] =	ssyncset.done $0x0  }
0x196: {  	[sflag:s24] =	ssyncadd.s32 $0xFFFFFFD0  }
0x197: {  	[tilespmem:s22], [sflag:$0x3] =	stream.indirect.gather [hbm4b:s2+s11], $0x80, s17, s11, $0xb8;
	[tilespmem:$0x1E800] =	vst v63  }
0x198: {  	s0 =	sadd.s32 $0x36, s19  }
0x199: {  	[tilespmem:s15], [sflag:$0x11] =	stream.linear.gather [hbm4b:s0+s4], $0x30, $0x38;
	[tilespmem:$0x1E800] =	vst v63  }
0x19a: {  	_ =	swait.ge [sflag:s6], $0x1800  }
0x19b: {  	[sflag:s6] =	ssyncset.done $0x0  }
0x19c: {  	s22 =	sadd.s32 $0x3C, s25;
	s15 =	simm.s32 $0x180;
	[sflag:s6] =	ssyncadd.s32 $0xFFFFE800  }
0x19d: {  	[tilespmem:s15], [sflag:$0xB] =	stream.linear.gather [hbm4b:s22+s4], $0x30, $0x38;
	[tilespmem:$0x1E800] =	vst v63  }
0x19e: {  	_ =	swait.ge [sflag:s7], $0x30  }
0x19f: {  	[sflag:s7] =	ssyncset.done $0x0  }
0x1a0: {  	s10 =	simm.s32 $0x4F00;
	s22 =	simm.s32 $0x500;
	[sflag:s7] =	ssyncadd.s32 $0xFFFFFFD0  }
0x1a1: {  	[spmem:s3] =	stream.indirect.scatter.add.f32 [tilespmem:s10], [sflag:$0x16], $0x80, s22, s11, $0xb8;
	[tilespmem:$0x1E800] =	vst v63  }
0x1a2: {  	_ =	swait.ge [sflag:s29], $0x1800  }
0x1a3: {  	[sflag:s29] =	ssyncset.done $0x0  }
0x1a4: {  	s24 =	simm.s32 $0xB;
	[sflag:s29] =	ssyncadd.s32 $0xFFFFE800  }
0x1a5: {  	_ =	swait.ge [sflag:s24], $0x30  }
0x1a6: {  	[sflag:s24] =	ssyncset.done $0x0  }
0x1a7: {  	[sflag:s24] =	ssyncadd.s32 $0xFFFFFFD0  }
0x1a8: {  	[tilespmem:s10], [sflag:$0x4] =	stream.indirect.gather [hbm4b:s2+s11], $0x80, s15, s11, $0xb8;
	[tilespmem:$0x1E800] =	vst v63  }
0x1a9: {  	s0 =	sadd.s32 $0x3C, s19  }
0x1aa: {  	[tilespmem:s22], [sflag:$0x12] =	stream.linear.gather [hbm4b:s0+s4], $0x30, $0x38;
	[tilespmem:$0x1E800] =	vst v63  }
0x1ab: {  	_ =	swait.ge [sflag:s8], $0x1800  }
0x1ac: {  	[sflag:s8] =	ssyncset.done $0x0  }
0x1ad: {  	s15 =	sadd.s32 $0x42, s25;
	s22 =	simm.s32 $0x200;
	[sflag:s8] =	ssyncadd.s32 $0xFFFFE800  }
0x1ae: {  	[tilespmem:s22], [sflag:$0xC] =	stream.linear.gather [hbm4b:s15+s4], $0x30, $0x38;
	[tilespmem:$0x1E800] =	vst v63  }
0x1af: {  	_ =	swait.ge [sflag:s9], $0x30  }
0x1b0: {  	[sflag:s9] =	ssyncset.done $0x0  }
0x1b1: {  	s10 =	simm.s32 $0x6700;
	s15 =	simm.s32 $0x580;
	[sflag:s9] =	ssyncadd.s32 $0xFFFFFFD0  }
0x1b2: {  	[spmem:s3] =	stream.indirect.scatter.add.f32 [tilespmem:s10], [sflag:$0x16], $0x80, s15, s11, $0xb8;
	[tilespmem:$0x1E800] =	vst v63  }
0x1b3: {  	_ =	swait.ge [sflag:s29], $0x1800  }
0x1b4: {  	[sflag:s29] =	ssyncset.done $0x0  }
0x1b5: {  	s24 =	simm.s32 $0xC;
	[sflag:s29] =	ssyncadd.s32 $0xFFFFE800  }
0x1b6: {  	_ =	swait.ge [sflag:s24], $0x30  }
0x1b7: {  	[sflag:s24] =	ssyncset.done $0x0  }
0x1b8: {  	[sflag:s24] =	ssyncadd.s32 $0xFFFFFFD0  }
0x1b9: {  	[tilespmem:s10], [sflag:$0x5] =	stream.indirect.gather [hbm4b:s2+s11], $0x80, s22, s11, $0xb8;
	[tilespmem:$0x1E800] =	vst v63  }
0x1ba: {  	s24 =	sadd.s32 $0x42, s19  }
0x1bb: {  	[tilespmem:s15], [sflag:$0x13] =	stream.linear.gather [hbm4b:s24+s4], $0x30, $0x38;
	[tilespmem:$0x1E800] =	vst v63  }
0x1bc: {  	_ =	swait.ge [sflag:s12], $0x1800  }
0x1bd: {  	[sflag:s12] =	ssyncset.done $0x0  }
0x1be: {  	s0 =	sadd.s32 $0x48, s25;
	s15 =	simm.s32 $0x280;
	[sflag:s12] =	ssyncadd.s32 $0xFFFFE800  }
0x1bf: {  	[tilespmem:s15], [sflag:$0xD] =	stream.linear.gather [hbm4b:s0+s4], $0x30, $0x38;
	[tilespmem:$0x1E800] =	vst v63  }
0x1c0: {  	_ =	swait.ge [sflag:s14], $0x30  }
0x1c1: {  	[sflag:s14] =	ssyncset.done $0x0  }
0x1c2: {  	s24 =	simm.s32 $0x7F00;
	s0 =	simm.s32 $0x600;
	[sflag:s14] =	ssyncadd.s32 $0xFFFFFFD0  }
0x1c3: {  	[spmem:s3] =	stream.indirect.scatter.add.f32 [tilespmem:s24], [sflag:$0x16], $0x80, s0, s11, $0xb8;
	[tilespmem:$0x1E800] =	vst v63  }
0x1c4: {  	_ =	swait.ge [sflag:s29], $0x1800  }
0x1c5: {  	[sflag:s29] =	ssyncset.done $0x0  }
0x1c6: {  	s10 =	simm.s32 $0xD;
	[sflag:s29] =	ssyncadd.s32 $0xFFFFE800  }
0x1c7: {  	_ =	swait.ge [sflag:s10], $0x30  }
0x1c8: {  	[sflag:s10] =	ssyncset.done $0x0  }
0x1c9: {  	[sflag:s10] =	ssyncadd.s32 $0xFFFFFFD0  }
0x1ca: {  	[tilespmem:s24], [sflag:$0x6] =	stream.indirect.gather [hbm4b:s2+s11], $0x80, s15, s11, $0xb8;
	[tilespmem:$0x1E800] =	vst v63  }
0x1cb: {  	s24 =	sadd.s32 $0x48, s19  }
0x1cc: {  	[tilespmem:s0], [sflag:$0x14] =	stream.linear.gather [hbm4b:s24+s4], $0x30, $0x38;
	[tilespmem:$0x1E800] =	vst v63  }
0x1cd: {  	_ =	swait.ge [sflag:s16], $0x1800  }
0x1ce: {  	[sflag:s16] =	ssyncset.done $0x0  }
0x1cf: {  	s15 =	sadd.s32 $0x4E, s25;
	s0 =	simm.s32 $0x300;
	[sflag:s16] =	ssyncadd.s32 $0xFFFFE800  }
0x1d0: {  	[tilespmem:s0], [sflag:$0xE] =	stream.linear.gather [hbm4b:s15+s4], $0x30, $0x38;
	[tilespmem:$0x1E800] =	vst v63  }
0x1d1: {  	_ =	swait.ge [sflag:s18], $0x30  }
0x1d2: {  	[sflag:s18] =	ssyncset.done $0x0  }
0x1d3: {  	s24 =	simm.s32 $0x9700;
	s15 =	simm.s32 $0x680;
	[sflag:s18] =	ssyncadd.s32 $0xFFFFFFD0  }
0x1d4: {  	[spmem:s3] =	stream.indirect.scatter.add.f32 [tilespmem:s24], [sflag:$0x16], $0x80, s15, s11, $0xb8;
	[tilespmem:$0x1E800] =	vst v63  }
0x1d5: {  	_ =	swait.ge [sflag:s29], $0x1800  }
0x1d6: {  	[sflag:s29] =	ssyncset.done $0x0  }
0x1d7: {  	s10 =	simm.s32 $0xE;
	[sflag:s29] =	ssyncadd.s32 $0xFFFFE800  }
0x1d8: {  	_ =	swait.ge [sflag:s10], $0x30  }
0x1d9: {  	s28 =	simm.s32 $0x7F00;
	[sflag:s10] =	ssyncset.done $0x0  }
.Ltmp6:
0x1da: {  	s30 =	simm.s32 $0x9700;
	[sflag:s10] =	ssyncadd.s32 $0xFFFFFFD0;
	(pc) =	sbr.rel .LBB2_7-.Ltmp6, $4  }
0x1db: {  	[tilespmem:s24], [sflag:$0x7] =	stream.indirect.gather [hbm4b:s2+s11], $0x80, s0, s11, $0xb8;
	[tilespmem:$0x1E800] =	vst v63  }
0x1dc: {  	s31 =	sadd.s32 $0x2A, s31;
	s26 =	simm.s32 $0x700;
	s19 =	sadd.s32 $0x4E, s19  }
0x1dd: {  	[tilespmem:s15], [sflag:$0x15] =	stream.linear.gather [hbm4b:s19+s4], $0x30, $0x38;
	[tilespmem:$0x1E800] =	vst v63  }
0x1de: {  	s25 =	simm.s32 $0x380;
	s24 =	simm.s32 $0x680;
	s15 =	sld [smem:$0x7FC]  }
.LBB2_5:
0x1df: {  	s0 =	simm.s32 $0x2  }
0x1e0: {  	_ =	swait.ge [sflag:s0], $0x1800  }
0x1e1: {  	[sflag:s0] =	ssyncset.done $0x0  }
0x1e2: {  	[sflag:s0] =	ssyncadd.s32 $0xFFFFE800  }
0x1e3: {  	_ =	swait.ge [sflag:s23], $0x30  }
0x1e4: {  	[sflag:s23] =	ssyncset.done $0x0  }
0x1e5: {  	s10 =	simm.s32 $0x400;
	s19 =	simm.s32 $0x1F00;
	[sflag:s23] =	ssyncadd.s32 $0xFFFFFFD0  }
0x1e6: {  	[spmem:s3] =	stream.indirect.scatter.add.f32 [tilespmem:s19], [sflag:$0x16], $0x80, s10, s11, $0xb8;
	[tilespmem:$0x1E800] =	vst v63  }
0x1e7: {  	_ =	swait.ge [sflag:s29], $0x1800  }
0x1e8: {  	[sflag:s29] =	ssyncset.done $0x0  }
0x1e9: {  	[sflag:s29] =	ssyncadd.s32 $0xFFFFE800  }
0x1ea: {  	_ =	swait.ge [sflag:s1], $0x1800  }
0x1eb: {  	[sflag:s1] =	ssyncset.done $0x0  }
0x1ec: {  	[sflag:s1] =	ssyncadd.s32 $0xFFFFE800  }
0x1ed: {  	_ =	swait.ge [sflag:s5], $0x30  }
0x1ee: {  	[sflag:s5] =	ssyncset.done $0x0  }
0x1ef: {  	s26 =	simm.s32 $0x480;
	s31 =	simm.s32 $0x3700;
	[sflag:s5] =	ssyncadd.s32 $0xFFFFFFD0  }
0x1f0: {  	[spmem:s3] =	stream.indirect.scatter.add.f32 [tilespmem:s31], [sflag:$0x16], $0x80, s26, s11, $0xb8;
	[tilespmem:$0x1E800] =	vst v63  }
0x1f1: {  	_ =	swait.ge [sflag:s29], $0x1800  }
0x1f2: {  	[sflag:s29] =	ssyncset.done $0x0  }
0x1f3: {  	[sflag:s29] =	ssyncadd.s32 $0xFFFFE800  }
0x1f4: {  	_ =	swait.ge [sflag:s6], $0x1800  }
0x1f5: {  	[sflag:s6] =	ssyncset.done $0x0  }
0x1f6: {  	[sflag:s6] =	ssyncadd.s32 $0xFFFFE800  }
0x1f7: {  	_ =	swait.ge [sflag:s7], $0x30  }
0x1f8: {  	[sflag:s7] =	ssyncset.done $0x0  }
0x1f9: {  	s13 =	simm.s32 $0x500;
	s15 =	simm.s32 $0x4F00;
	[sflag:s7] =	ssyncadd.s32 $0xFFFFFFD0  }
0x1fa: {  	[spmem:s3] =	stream.indirect.scatter.add.f32 [tilespmem:s15], [sflag:$0x16], $0x80, s13, s11, $0xb8;
	[tilespmem:$0x1E800] =	vst v63  }
0x1fb: {  	_ =	swait.ge [sflag:s29], $0x1800  }
0x1fc: {  	[sflag:s29] =	ssyncset.done $0x0  }
0x1fd: {  	[sflag:s29] =	ssyncadd.s32 $0xFFFFE800  }
0x1fe: {  	_ =	swait.ge [sflag:s8], $0x1800  }
0x1ff: {  	[sflag:s8] =	ssyncset.done $0x0  }
0x200: {  	[sflag:s8] =	ssyncadd.s32 $0xFFFFE800  }
0x201: {  	_ =	swait.ge [sflag:s9], $0x30  }
0x202: {  	[sflag:s9] =	ssyncset.done $0x0  }
0x203: {  	s19 =	simm.s32 $0x580;
	s26 =	simm.s32 $0x6700;
	[sflag:s9] =	ssyncadd.s32 $0xFFFFFFD0  }
0x204: {  	[spmem:s3] =	stream.indirect.scatter.add.f32 [tilespmem:s26], [sflag:$0x16], $0x80, s19, s11, $0xb8;
	[tilespmem:$0x1E800] =	vst v63  }
0x205: {  	_ =	swait.ge [sflag:s29], $0x1800  }
0x206: {  	[sflag:s29] =	ssyncset.done $0x0  }
0x207: {  	[sflag:s29] =	ssyncadd.s32 $0xFFFFE800  }
0x208: {  	_ =	swait.ge [sflag:s12], $0x1800  }
0x209: {  	[sflag:s12] =	ssyncset.done $0x0  }
0x20a: {  	[sflag:s12] =	ssyncadd.s32 $0xFFFFE800  }
0x20b: {  	_ =	swait.ge [sflag:s14], $0x30  }
0x20c: {  	[sflag:s14] =	ssyncset.done $0x0  }
0x20d: {  	s31 =	simm.s32 $0x600;
	[sflag:s14] =	ssyncadd.s32 $0xFFFFFFD0  }
0x20e: {  	[spmem:s3] =	stream.indirect.scatter.add.f32 [tilespmem:s28], [sflag:$0x16], $0x80, s31, s11, $0xb8;
	[tilespmem:$0x1E800] =	vst v63  }
0x20f: {  	_ =	swait.ge [sflag:s29], $0x1800  }
0x210: {  	[sflag:s29] =	ssyncset.done $0x0  }
0x211: {  	[sflag:s29] =	ssyncadd.s32 $0xFFFFE800  }
0x212: {  	_ =	swait.ge [sflag:s16], $0x1800  }
0x213: {  	[sflag:s16] =	ssyncset.done $0x0  }
0x214: {  	[sflag:s16] =	ssyncadd.s32 $0xFFFFE800  }
0x215: {  	_ =	swait.ge [sflag:s18], $0x30  }
0x216: {  	[sflag:s18] =	ssyncset.done $0x0  }
0x217: {  	[sflag:s18] =	ssyncadd.s32 $0xFFFFFFD0  }
0x218: {  	[spmem:s3] =	stream.indirect.scatter.add.f32 [tilespmem:s30], [sflag:$0x16], $0x80, s24, s11, $0xb8;
	[tilespmem:$0x1E800] =	vst v63  }
0x219: {  	_ =	swait.ge [sflag:s29], $0x1800  }
0x21a: {  	[sflag:s29] =	ssyncset.done $0x0  }
0x21b: {  	[sflag:s29] =	ssyncadd.s32 $0xFFFFE800  }
0x21c: {  	[bflag:$0x0] =	sbarrier.arrive $0xFFFF  }
0x21d: {  	s0 =	sld [smem:$0x7FD];
	_ =	sdelay $0x1  }
0x21e: {  	s10 =	simm.s32 @p1 $0x1FD6;
	s19 =	rddreg [dreg:$0x1a]  }
0x21f: {  	[hbm:s19], [sflag:s10] =	dma.local @p1 [spmem:s0], $0x2800  }
0x220: {  	s10 =	simm.s32 @p1 $0x16  }
0x221: {  	_ =	swait.ge @p1 [sflag:s10], $0x2800  }
0x222: {  	s0 =	sld [smem:$0x7FC]  }
0x223: {  	[sflag:s10] =	ssyncset.done @p1 $0x0  }
0x224: {  	[sflag:s10] =	ssyncadd.s32 @p1 $0xFFFFD800;
	s10 =	rddreg [dreg:$0x17]  }
0x225: {  	[hbm:s10], [sflag:s0] =	dma.local @!p1 [spmem:s17], $0x2700  }
.Ltmp7:
0x226: {  	_ = 	snop;
	(pc) =	sbr.rel .LBB2_10-.Ltmp7, $4  }
0x227: {  	s10 =	simm.s32 @!p1 $0x16  }
0x228: {  	_ =	swait.ge @!p1 [sflag:s10], $0x2700  }
0x229: {  	s13 =	simm.s32 $0x80;
	[sflag:s10] =	ssyncset.done @!p1 $0x0  }
0x22a: {  	s17 =	simm.s32 $0x100;
	s0 =	rddreg [dreg:$0x1e];
	[sflag:s10] =	ssyncadd.s32 @!p1 $0xFFFFD900  }
.LBB2_11:
0x22b: {  	_ =	sfence.sel $0x180000  }
0x22c: {  	[bflag:$0x0] =	sbarrier.arrive $0xFFFF  }
0x22d: {  	_ =	strace $0x90000047  }
0x22e: {  	s0 =	stileid.u32;
	[bflag:$0x2] =	sbarrier.arrive $0xFFFF  }
0x22f: {  	p0 =	sne.s32 s0, $0x0;
	s0 =	rddreg [dreg:$0x3]  }
0x230: {  	s0 =	sadd.s32 @!p0 $0x100000, s0  }
0x231: {  	[sflag:s0] =	ssyncadd.tile.s32 @!p0 $0x1;
	_ =	shalt  }
.Lfunc_end2:
_tile_overlayer_lowered:
.L_overlay_start_2:
0x232: {  	(tag) =	ssettag $0x2  }
0x233: {  	s0 =	rddreg [dreg:$0x0];
	s2 =	stileid.u32  }
0x234: {  	s1 =	rddreg [dreg:$0x1];
	p0 =	sne.s32 s2, $0x0  }
0x235: {  	s3 =	rddreg [dreg:$0x2];
	[bflag:$0x3] =	sbarrier.arrive $0xFFFF;
	s2 =	simm.s32 @!p0 $0x1C16  }
0x236: {  	[timem:s3], [sflag:s2] =	dma.local @!p0 [hbm:s0], s1  }
0x237: {  	s0 =	simm.s32 @!p0 $0x16  }
0x238: {  	_ =	swait.ge @!p0 [sflag:s0], s1  }
0x239: {  	s1 =	ssub.s32 @!p0 $0x0, s1;
	[sflag:s0] =	ssyncset.done @!p0 $0x0  }
0x23a: {  	[sflag:s0] =	ssyncadd.s32 @!p0 s1  }
0x23b: {  	[bflag:$0x3] =	sbarrier.arrive $0xFFFF  }
0x23c: {  	_ =	shalt  }

</sc_bundles>
